<compile_context>
chip_gen: v7x
topology: tpu7x:2x2x1
jax: 0.10.2.dev20260603
libtpu: 0.0.44.dev20260713+nightly
codegen_flags: <defaults>
</compile_context>

<pallas_src>
import functools

import jax
import jax.numpy as jnp
from jax import lax
from jax.experimental import pallas as pl
from jax.experimental.pallas import tpu as pltpu
from jax.experimental.pallas import tpu_sc as plsc

N_NODES = 10000
N_EDGES = 320000
IN_FEATS = 128
HIDDEN = 64

NC = 2
NS = 16
CHUNK = 128
TOTAL_CHUNKS = 2560
CH_BY_CORE = (80, 80)
CH_MAX = max(CH_BY_CORE)
E_PAD = TOTAL_CHUNKS * CHUNK
ACC_ROWS = 10112
RPT = ACC_ROWS // NS
DEG_W = 8


NBUF = 4


def _seg_kernel_body(with_deg, p_hbm, ew_hbm, zeros_hbm, *refs):
    if with_deg:
        (zeros_deg_hbm, ones_hbm, out_s, out_d, src_v, dst_v, *rest) = refs
        rows = rest[:NBUF]
        (ones_v, acc_s, deg_s, *sems) = rest[NBUF:]
        gsems, osem = sems[:NBUF], sems[NBUF]
    else:
        (out_s, src_v, dst_v, *rest) = refs
        rows = rest[:NBUF]
        (acc_s, *sems) = rest[NBUF:]
        gsems, osem = sems[:NBUF], sems[NBUF]
    c = lax.axis_index("c")
    s = lax.axis_index("s")

    pltpu.sync_copy(zeros_hbm, acc_s.at[pl.ds(s * RPT, RPT)])
    if with_deg:
        pltpu.sync_copy(zeros_deg_hbm, deg_s.at[pl.ds(s * RPT, RPT)])
        pltpu.sync_copy(ones_hbm, ones_v)
    plsc.subcore_barrier()

    def gather(j, buf, sem):
        return pltpu.async_copy(p_hbm.at[src_v.at[j]], buf, sem)

    def drain(j, buf, sem):
        pltpu.make_async_copy(p_hbm.at[src_v.at[j]], buf, sem).wait()
        if with_deg:
            oc = pltpu.async_copy(ones_v, deg_s.at[dst_v.at[j]], osem,
                                  add=True)
            pltpu.sync_copy(buf, acc_s.at[dst_v.at[j]], add=True)
            oc.wait()
        else:
            pltpu.sync_copy(buf, acc_s.at[dst_v.at[j]], add=True)

    def process(ch, base):
        pltpu.sync_copy(ew_hbm.at[0, pl.ds(base, ch)], src_v.at[pl.ds(0, ch)])
        pltpu.sync_copy(ew_hbm.at[1, pl.ds(base, ch)], dst_v.at[pl.ds(0, ch)])
        for b in range(NBUF):
            gather(b, rows[b], gsems[b])

        def body(g, carry):
            j = NBUF * g
            for b in range(NBUF):
                drain(j + b, rows[b], gsems[b])
                gather(j + NBUF + b, rows[b], gsems[b])
            return carry

        lax.fori_loop(0, ch // NBUF - 1, body, 0)
        for b in range(NBUF):
            drain(ch - NBUF + b, rows[b], gsems[b])

    if CH_BY_CORE[0] > 0:
        @pl.when(c == 0)
        def _():
            process(CH_BY_CORE[0], s * CH_BY_CORE[0])
    if CH_BY_CORE[1] > 0:
        @pl.when(c == 1)
        def _():
            process(CH_BY_CORE[1], NS * CH_BY_CORE[0] + s * CH_BY_CORE[1])
    plsc.subcore_barrier()

    pltpu.sync_copy(acc_s.at[pl.ds(s * RPT, RPT)],
                    out_s.at[c, pl.ds(s * RPT, RPT)])
    if with_deg:
        pltpu.sync_copy(deg_s.at[pl.ds(s * RPT, RPT)],
                        out_d.at[c, pl.ds(s * RPT, RPT)])


def _make_seg_kernel(with_deg):
    mesh = plsc.VectorSubcoreMesh(core_axis_name="c", subcore_axis_name="s")
    out_type = [jax.ShapeDtypeStruct((NC, ACC_ROWS, HIDDEN), jnp.float32)]
    scratch = [
        pltpu.VMEM((CH_MAX, CHUNK), jnp.int32),
        pltpu.VMEM((CH_MAX, CHUNK), jnp.int32),
    ] + [pltpu.VMEM((CHUNK, HIDDEN), jnp.float32)] * NBUF
    if with_deg:
        out_type.append(jax.ShapeDtypeStruct((NC, ACC_ROWS, DEG_W), jnp.float32))
        scratch.append(pltpu.VMEM((CHUNK, DEG_W), jnp.float32))
    scratch.append(pltpu.VMEM_SHARED((ACC_ROWS, HIDDEN), jnp.float32))
    if with_deg:
        scratch.append(pltpu.VMEM_SHARED((ACC_ROWS, DEG_W), jnp.float32))
    scratch += [pltpu.SemaphoreType.DMA] * (NBUF + 1)
    return pl.kernel(
        functools.partial(_seg_kernel_body, with_deg),
        out_type=out_type, mesh=mesh, scratch_types=scratch,
        compiler_params=pltpu.CompilerParams(use_tc_tiling_on_sc=False),
        name="sage_seg_deg" if with_deg else "sage_seg")


_seg_with_deg = _make_seg_kernel(True)
_seg_plain = _make_seg_kernel(False)


def _k1_body(f_ref, wn_ref, ws_ref, b_ref, p_ref, z_ref):
    f = f_ref[...]
    p_ref[...] = jnp.dot(f, wn_ref[...], preferred_element_type=jnp.float32)
    z_ref[...] = jnp.dot(f, ws_ref[...],
                         preferred_element_type=jnp.float32) + b_ref[...]


def _k2g_body(z_ref, sp_ref, dp_ref, wn_ref, ws_ref, b_ref, p_ref, z2_ref):
    sp = sp_ref[0] + sp_ref[1]
    deg = jnp.maximum(dp_ref[0, :, 0:1] + dp_ref[1, :, 0:1], 1.0)
    h = jax.nn.relu(z_ref[...] + sp / deg)
    p_ref[...] = jnp.dot(h, wn_ref[...], preferred_element_type=jnp.float32)
    z2_ref[...] = jnp.dot(h, ws_ref[...],
                          preferred_element_type=jnp.float32) + b_ref[...]


def _k3g_body(z_ref, sp_ref, dp_ref, wo_ref, bo_ref, out_ref):
    sp = sp_ref[0] + sp_ref[1]
    deg = jnp.maximum(dp_ref[0, :, 0:1] + dp_ref[1, :, 0:1], 1.0)
    h = jax.nn.relu(z_ref[...] + sp / deg)
    out_ref[...] = jnp.dot(h, wo_ref[...],
                           preferred_element_type=jnp.float32) + bo_ref[...]


def kernel(feats, edge_index, W_self1, W_neigh1, b1, W_self2, W_neigh2, b2,
           W_out, b_out):
    pad = E_PAD - N_EDGES
    pad_src = jnp.arange(pad, dtype=jnp.int32) % CHUNK
    pad_dst = (N_NODES +
               jnp.arange(pad, dtype=jnp.int32) % (ACC_ROWS - N_NODES))
    ew = jnp.concatenate(
        [edge_index.astype(jnp.int32), jnp.stack([pad_src, pad_dst])],
        axis=1).reshape(2, TOTAL_CHUNKS, CHUNK)
    zeros = jnp.zeros((RPT, HIDDEN), jnp.float32)
    zeros_deg = jnp.zeros((RPT, DEG_W), jnp.float32)
    ones = jnp.ones((CHUNK, DEG_W), jnp.float32)

    nodes = feats.shape[0]
    p1, z1 = pl.pallas_call(
        _k1_body,
        out_shape=[jax.ShapeDtypeStruct((nodes, HIDDEN), jnp.float32)] * 2,
    )(feats, W_neigh1, W_self1, b1.reshape(1, HIDDEN))

    s1p, degp = _seg_with_deg(p1, ew, zeros, zeros_deg, ones)

    R = 2000
    grid = nodes // R

    def rows(i):
        return (i, 0)

    def full(i):
        return (0, 0)

    def prows(i):
        return (0, i, 0)

    p2, z2 = pl.pallas_call(
        _k2g_body,
        grid=(grid,),
        in_specs=[
            pl.BlockSpec((R, HIDDEN), rows),
            pl.BlockSpec((NC, R, HIDDEN), prows),
            pl.BlockSpec((NC, R, DEG_W), prows),
            pl.BlockSpec((HIDDEN, HIDDEN), full),
            pl.BlockSpec((HIDDEN, HIDDEN), full),
            pl.BlockSpec((1, HIDDEN), full),
        ],
        out_specs=[pl.BlockSpec((R, HIDDEN), rows)] * 2,
        out_shape=[jax.ShapeDtypeStruct((nodes, HIDDEN), jnp.float32)] * 2,
    )(z1, s1p, degp, W_neigh2, W_self2, b2.reshape(1, HIDDEN))

    (s2p,) = _seg_plain(p2, ew, zeros)

    ncls = W_out.shape[1]
    logits = pl.pallas_call(
        _k3g_body,
        grid=(grid,),
        in_specs=[
            pl.BlockSpec((R, HIDDEN), rows),
            pl.BlockSpec((NC, R, HIDDEN), prows),
            pl.BlockSpec((NC, R, DEG_W), prows),
            pl.BlockSpec((HIDDEN, ncls), full),
            pl.BlockSpec((1, ncls), full),
        ],
        out_specs=pl.BlockSpec((R, ncls), rows),
        out_shape=jax.ShapeDtypeStruct((nodes, ncls), jnp.float32),
    )(z2, s2p, degp, W_out, b_out.reshape(1, ncls))
    return logits

# --- scband reference (transcript-rebuilt; emitter-appended) ---
"""Pipeline reference for scband-pets-graph-sage-11905649344801 (READ-ONLY COPY).

The authoritative reference and input builder live on the scoring server;
editing this copy changes nothing except your own understanding.
"""

import jax, jax.numpy as jnp
import numpy as np

N_NODES = 10000
N_EDGES = 320000
IN_FEATS = 128
HIDDEN = 64
NUM_CLASSES = 2


def setup_inputs(seed: int = 0) -> dict:
    key = jax.random.key(seed)
    ks = jax.random.split(key, 12)
    feats = jax.random.normal(ks[0], (N_NODES, IN_FEATS), dtype=jnp.float32)
    edge_index = jax.random.randint(ks[1], (2, N_EDGES), 0, N_NODES, dtype=jnp.int64)
    def glorot(k, fan_in, fan_out):
        lim = jnp.sqrt(6.0 / (fan_in + fan_out))
        return jax.random.uniform(k, (fan_in, fan_out), dtype=jnp.float32, minval=-lim, maxval=lim)
    W_self1 = glorot(ks[2], IN_FEATS, HIDDEN)
    W_neigh1 = glorot(ks[3], IN_FEATS, HIDDEN)
    b1 = jnp.zeros((HIDDEN,), dtype=jnp.float32)
    W_self2 = glorot(ks[4], HIDDEN, HIDDEN)
    W_neigh2 = glorot(ks[5], HIDDEN, HIDDEN)
    b2 = jnp.zeros((HIDDEN,), dtype=jnp.float32)
    W_out = glorot(ks[6], HIDDEN, NUM_CLASSES)
    b_out = jnp.zeros((NUM_CLASSES,), dtype=jnp.float32)
    return {
        "feats": feats,
        "edge_index": edge_index,
        "W_self1": W_self1,
        "W_neigh1": W_neigh1,
        "b1": b1,
        "W_self2": W_self2,
        "W_neigh2": W_neigh2,
        "b2": b2,
        "W_out": W_out,
        "b_out": b_out,
    }


def _sage_conv(h, src, dst, W_self, W_neigh, b, num_nodes):
    # DGL SAGEConv with aggregator_type='mean':
    # h_neigh = mean_{u in N(v)} h_u ; out = fc_self(h_v) + fc_neigh(h_neigh) + bias
    msgs = jnp.take(h, src, axis=0)
    agg = jax.ops.segment_sum(msgs, dst, num_segments=num_nodes)
    deg = jax.ops.segment_sum(jnp.ones((src.shape[0],), dtype=h.dtype), dst, num_segments=num_nodes)
    mean_neigh = agg / jnp.clip(deg, 1.0, None)[:, None]
    return h @ W_self + mean_neigh @ W_neigh + b


def reference(feats, edge_index, W_self1, W_neigh1, b1, W_self2, W_neigh2, b2, W_out, b_out):
    src = edge_index[0]
    dst = edge_index[1]
    n = feats.shape[0]
    h = _sage_conv(feats, src, dst, W_self1, W_neigh1, b1, n)
    h = jax.nn.relu(h)
    # dropout p=0.0 -> identity
    h = _sage_conv(h, src, dst, W_self2, W_neigh2, b2, n)
    h = jax.nn.relu(h)
    logits = h @ W_out + b_out
    return logits

if __name__ == "__main__":
    import jax
    _d = setup_inputs()
    print(jax.jit(kernel)(*tuple(_d.values())))

</pallas_src>

<mosaic_0001>
#map = affine_map<(d0, d1) -> (0, 0)>
#map1 = affine_map<(d0, d1) -> (0, 0, 0)>
module attributes {stable_mosaic.version = 14 : i64} {
  func.func @sage_seg_deg(%arg0: i32, %arg1: i32, %arg2: memref<10000x64xf32, #tpu.memory_space<hbm>>, %arg3: memref<2x2560x128xi32, #tpu.memory_space<hbm>>, %arg4: memref<632x64xf32, #tpu.memory_space<hbm>>, %arg5: memref<632x8xf32, #tpu.memory_space<hbm>>, %arg6: memref<128x8xf32, #tpu.memory_space<hbm>>, %arg7: memref<2x10112x64xf32, #tpu.memory_space<hbm>>, %arg8: memref<2x10112x8xf32, #tpu.memory_space<hbm>>, %arg9: memref<80x128xi32, #tpu.memory_space<vmem>>, %arg10: memref<80x128xi32, #tpu.memory_space<vmem>>, %arg11: memref<128x64xf32, #tpu.memory_space<vmem>>, %arg12: memref<128x64xf32, #tpu.memory_space<vmem>>, %arg13: memref<128x64xf32, #tpu.memory_space<vmem>>, %arg14: memref<128x64xf32, #tpu.memory_space<vmem>>, %arg15: memref<128x8xf32, #tpu.memory_space<vmem>>, %arg16: memref<10112x64xf32, #tpu.memory_space<vmem_shared>>, %arg17: memref<10112x8xf32, #tpu.memory_space<vmem_shared>>, %arg18: memref<!tpu.dma_semaphore, #tpu.memory_space<semaphore_mem>>, %arg19: memref<!tpu.dma_semaphore, #tpu.memory_space<semaphore_mem>>, %arg20: memref<!tpu.dma_semaphore, #tpu.memory_space<semaphore_mem>>, %arg21: memref<!tpu.dma_semaphore, #tpu.memory_space<semaphore_mem>>, %arg22: memref<!tpu.dma_semaphore, #tpu.memory_space<semaphore_mem>>) attributes {dimension_semantics = [#tpu.dimension_semantics<core_parallel>, #tpu.dimension_semantics<subcore_parallel>], iteration_bounds = array<i64: 2, 16>, scalar_prefetch = 0 : i64, scratch_operands = 14 : i64, tpu.core_type = #tpu.core_type<sc_vector_subcore>, window_params = [{transform_indices = #map}, {transform_indices = #map1}, {transform_indices = #map}, {transform_indices = #map}, {transform_indices = #map}, {transform_indices = #map1}, {transform_indices = #map1}]} {
    %mul3A = arith.constant 632 : i32
    %mul3A_0 = arith.muli %arg1, %mul3A : i32
    "tpu.region"() ({
      %run_scoped3A = tpu.sem_alloc : memref<!tpu.dma_semaphore, #tpu.memory_space<semaphore_mem>>
      %dma_start3A = arith.constant 0 : i32
      %dma_start3A_19 = tpu.memref_slice %arg16[%mul3A_0, %dma_start3A] : memref<10112x64xf32, #tpu.memory_space<vmem_shared>> -> memref<632x64xf32, #tpu.memory_space<vmem_shared>>
      tpu.enqueue_dma source(%arg4 : memref<632x64xf32, #tpu.memory_space<hbm>>) target(%dma_start3A_19 : memref<632x64xf32, #tpu.memory_space<vmem_shared>>) target_semaphore(%run_scoped3A : memref<!tpu.dma_semaphore, #tpu.memory_space<semaphore_mem>>)
      %dma_wait3A = arith.constant 0 : i32
      %dma_wait3A_20 = tpu.memref_slice %arg16[%mul3A_0, %dma_wait3A] : memref<10112x64xf32, #tpu.memory_space<vmem_shared>> -> memref<632x64xf32, #tpu.memory_space<vmem_shared>>
      tpu.wait_dma2 semaphore(%run_scoped3A : memref<!tpu.dma_semaphore, #tpu.memory_space<semaphore_mem>>) src(%arg4 : memref<632x64xf32, #tpu.memory_space<hbm>>) dst(%dma_wait3A_20 : memref<632x64xf32, #tpu.memory_space<vmem_shared>>)
      tpu.yield
    }) : () -> ()
    %mul3A_1 = arith.constant 632 : i32
    %mul3A_2 = arith.muli %arg1, %mul3A_1 : i32
    "tpu.region"() ({
      %run_scoped3A = tpu.sem_alloc : memref<!tpu.dma_semaphore, #tpu.memory_space<semaphore_mem>>
      %dma_start3A = arith.constant 0 : i32
      %dma_start3A_19 = tpu.memref_slice %arg17[%mul3A_2, %dma_start3A] : memref<10112x8xf32, #tpu.memory_space<vmem_shared>> -> memref<632x8xf32, #tpu.memory_space<vmem_shared>>
      tpu.enqueue_dma source(%arg5 : memref<632x8xf32, #tpu.memory_space<hbm>>) target(%dma_start3A_19 : memref<632x8xf32, #tpu.memory_space<vmem_shared>>) target_semaphore(%run_scoped3A : memref<!tpu.dma_semaphore, #tpu.memory_space<semaphore_mem>>)
      %dma_wait3A = arith.constant 0 : i32
      %dma_wait3A_20 = tpu.memref_slice %arg17[%mul3A_2, %dma_wait3A] : memref<10112x8xf32, #tpu.memory_space<vmem_shared>> -> memref<632x8xf32, #tpu.memory_space<vmem_shared>>
      tpu.wait_dma2 semaphore(%run_scoped3A : memref<!tpu.dma_semaphore, #tpu.memory_space<semaphore_mem>>) src(%arg5 : memref<632x8xf32, #tpu.memory_space<hbm>>) dst(%dma_wait3A_20 : memref<632x8xf32, #tpu.memory_space<vmem_shared>>)
      tpu.yield
    }) : () -> ()
    "tpu.region"() ({
      %run_scoped3A = tpu.sem_alloc : memref<!tpu.dma_semaphore, #tpu.memory_space<semaphore_mem>>
      tpu.enqueue_dma source(%arg6 : memref<128x8xf32, #tpu.memory_space<hbm>>) target(%arg15 : memref<128x8xf32, #tpu.memory_space<vmem>>) target_semaphore(%run_scoped3A : memref<!tpu.dma_semaphore, #tpu.memory_space<semaphore_mem>>)
      tpu.wait_dma2 semaphore(%run_scoped3A : memref<!tpu.dma_semaphore, #tpu.memory_space<semaphore_mem>>) src(%arg6 : memref<128x8xf32, #tpu.memory_space<hbm>>) dst(%arg15 : memref<128x8xf32, #tpu.memory_space<vmem>>)
      tpu.yield
    }) : () -> ()
    %barrier3A = arith.constant 0 : index
    tpu.barrier barrier_id(%barrier3A)
    %eq3A = arith.constant 0 : i32
    %eq3A_3 = arith.cmpi eq, %arg0, %eq3A : i32
    %convert_element_type3A = arith.extui %eq3A_3 : i1 to i32
    %cond3A = arith.constant 0 : i32
    %cond3A_4 = arith.cmpi ne, %convert_element_type3A, %cond3A : i32
    scf.if %cond3A_4 {
      %mul3A_19 = arith.constant 80 : i32
      %mul3A_20 = arith.muli %arg1, %mul3A_19 : i32
      %run_scoped3A = arith.constant 0 : i32
      "tpu.region"() ({
        %run_scoped3A_141 = tpu.sem_alloc : memref<!tpu.dma_semaphore, #tpu.memory_space<semaphore_mem>>
        %dma_start3A_142 = arith.constant 0 : i32
        %dma_start3A_143 = arith.constant 0 : i32
        %dma_start3A_144 = tpu.memref_slice %arg9[%dma_start3A_142, %dma_start3A_143] : memref<80x128xi32, #tpu.memory_space<vmem>> -> memref<80x128xi32, #tpu.memory_space<vmem>>
        %dma_start3A_145 = arith.constant 0 : i32
        %dma_start3A_146 = tpu.memref_slice %arg3[%run_scoped3A, %mul3A_20, %dma_start3A_145] : memref<2x2560x128xi32, #tpu.memory_space<hbm>> -> memref<1x80x128xi32, #tpu.memory_space<hbm>>
        %dma_start3A_147 = tpu.memref_squeeze %dma_start3A_146 : memref<1x80x128xi32, #tpu.memory_space<hbm>> -> memref<80x128xi32, #tpu.memory_space<hbm>>
        %dma_start3A_148 = arith.constant 0 : i32
        %dma_start3A_149 = arith.constant 0 : i32
        %dma_start3A_150 = tpu.memref_slice %arg9[%dma_start3A_148, %dma_start3A_149] : memref<80x128xi32, #tpu.memory_space<vmem>> -> memref<80x128xi32, #tpu.memory_space<vmem>>
        %dma_start3A_151 = arith.constant 0 : i32
        %dma_start3A_152 = tpu.memref_slice %arg3[%run_scoped3A, %mul3A_20, %dma_start3A_151] : memref<2x2560x128xi32, #tpu.memory_space<hbm>> -> memref<1x80x128xi32, #tpu.memory_space<hbm>>
        %dma_start3A_153 = tpu.memref_squeeze %dma_start3A_152 : memref<1x80x128xi32, #tpu.memory_space<hbm>> -> memref<80x128xi32, #tpu.memory_space<hbm>>
        tpu.enqueue_dma source(%dma_start3A_153 : memref<80x128xi32, #tpu.memory_space<hbm>>) target(%dma_start3A_150 : memref<80x128xi32, #tpu.memory_space<vmem>>) target_semaphore(%run_scoped3A_141 : memref<!tpu.dma_semaphore, #tpu.memory_space<semaphore_mem>>)
        %dma_wait3A_154 = arith.constant 0 : i32
        %dma_wait3A_155 = arith.constant 0 : i32
        %dma_wait3A_156 = tpu.memref_slice %arg9[%dma_wait3A_154, %dma_wait3A_155] : memref<80x128xi32, #tpu.memory_space<vmem>> -> memref<80x128xi32, #tpu.memory_space<vmem>>
        %dma_wait3A_157 = arith.constant 0 : i32
        %dma_wait3A_158 = tpu.memref_slice %arg3[%run_scoped3A, %mul3A_20, %dma_wait3A_157] : memref<2x2560x128xi32, #tpu.memory_space<hbm>> -> memref<1x80x128xi32, #tpu.memory_space<hbm>>
        %dma_wait3A_159 = tpu.memref_squeeze %dma_wait3A_158 : memref<1x80x128xi32, #tpu.memory_space<hbm>> -> memref<80x128xi32, #tpu.memory_space<hbm>>
        %dma_wait3A_160 = arith.constant 0 : i32
        %dma_wait3A_161 = arith.constant 0 : i32
        %dma_wait3A_162 = tpu.memref_slice %arg9[%dma_wait3A_160, %dma_wait3A_161] : memref<80x128xi32, #tpu.memory_space<vmem>> -> memref<80x128xi32, #tpu.memory_space<vmem>>
        %dma_wait3A_163 = arith.constant 0 : i32
        %dma_wait3A_164 = tpu.memref_slice %arg3[%run_scoped3A, %mul3A_20, %dma_wait3A_163] : memref<2x2560x128xi32, #tpu.memory_space<hbm>> -> memref<1x80x128xi32, #tpu.memory_space<hbm>>
        %dma_wait3A_165 = tpu.memref_squeeze %dma_wait3A_164 : memref<1x80x128xi32, #tpu.memory_space<hbm>> -> memref<80x128xi32, #tpu.memory_space<hbm>>
        tpu.wait_dma2 semaphore(%run_scoped3A_141 : memref<!tpu.dma_semaphore, #tpu.memory_space<semaphore_mem>>) src(%dma_wait3A_165 : memref<80x128xi32, #tpu.memory_space<hbm>>) dst(%dma_wait3A_162 : memref<80x128xi32, #tpu.memory_space<vmem>>)
        tpu.yield
      }) : () -> ()
      %run_scoped3A_21 = arith.constant 1 : i32
      "tpu.region"() ({
        %run_scoped3A_141 = tpu.sem_alloc : memref<!tpu.dma_semaphore, #tpu.memory_space<semaphore_mem>>
        %dma_start3A_142 = arith.constant 0 : i32
        %dma_start3A_143 = arith.constant 0 : i32
        %dma_start3A_144 = tpu.memref_slice %arg10[%dma_start3A_142, %dma_start3A_143] : memref<80x128xi32, #tpu.memory_space<vmem>> -> memref<80x128xi32, #tpu.memory_space<vmem>>
        %dma_start3A_145 = arith.constant 0 : i32
        %dma_start3A_146 = tpu.memref_slice %arg3[%run_scoped3A_21, %mul3A_20, %dma_start3A_145] : memref<2x2560x128xi32, #tpu.memory_space<hbm>> -> memref<1x80x128xi32, #tpu.memory_space<hbm>>
        %dma_start3A_147 = tpu.memref_squeeze %dma_start3A_146 : memref<1x80x128xi32, #tpu.memory_space<hbm>> -> memref<80x128xi32, #tpu.memory_space<hbm>>
        %dma_start3A_148 = arith.constant 0 : i32
        %dma_start3A_149 = arith.constant 0 : i32
        %dma_start3A_150 = tpu.memref_slice %arg10[%dma_start3A_148, %dma_start3A_149] : memref<80x128xi32, #tpu.memory_space<vmem>> -> memref<80x128xi32, #tpu.memory_space<vmem>>
        %dma_start3A_151 = arith.constant 0 : i32
        %dma_start3A_152 = tpu.memref_slice %arg3[%run_scoped3A_21, %mul3A_20, %dma_start3A_151] : memref<2x2560x128xi32, #tpu.memory_space<hbm>> -> memref<1x80x128xi32, #tpu.memory_space<hbm>>
        %dma_start3A_153 = tpu.memref_squeeze %dma_start3A_152 : memref<1x80x128xi32, #tpu.memory_space<hbm>> -> memref<80x128xi32, #tpu.memory_space<hbm>>
        tpu.enqueue_dma source(%dma_start3A_153 : memref<80x128xi32, #tpu.memory_space<hbm>>) target(%dma_start3A_150 : memref<80x128xi32, #tpu.memory_space<vmem>>) target_semaphore(%run_scoped3A_141 : memref<!tpu.dma_semaphore, #tpu.memory_space<semaphore_mem>>)
        %dma_wait3A_154 = arith.constant 0 : i32
        %dma_wait3A_155 = arith.constant 0 : i32
        %dma_wait3A_156 = tpu.memref_slice %arg10[%dma_wait3A_154, %dma_wait3A_155] : memref<80x128xi32, #tpu.memory_space<vmem>> -> memref<80x128xi32, #tpu.memory_space<vmem>>
        %dma_wait3A_157 = arith.constant 0 : i32
        %dma_wait3A_158 = tpu.memref_slice %arg3[%run_scoped3A_21, %mul3A_20, %dma_wait3A_157] : memref<2x2560x128xi32, #tpu.memory_space<hbm>> -> memref<1x80x128xi32, #tpu.memory_space<hbm>>
        %dma_wait3A_159 = tpu.memref_squeeze %dma_wait3A_158 : memref<1x80x128xi32, #tpu.memory_space<hbm>> -> memref<80x128xi32, #tpu.memory_space<hbm>>
        %dma_wait3A_160 = arith.constant 0 : i32
        %dma_wait3A_161 = arith.constant 0 : i32
        %dma_wait3A_162 = tpu.memref_slice %arg10[%dma_wait3A_160, %dma_wait3A_161] : memref<80x128xi32, #tpu.memory_space<vmem>> -> memref<80x128xi32, #tpu.memory_space<vmem>>
        %dma_wait3A_163 = arith.constant 0 : i32
        %dma_wait3A_164 = tpu.memref_slice %arg3[%run_scoped3A_21, %mul3A_20, %dma_wait3A_163] : memref<2x2560x128xi32, #tpu.memory_space<hbm>> -> memref<1x80x128xi32, #tpu.memory_space<hbm>>
        %dma_wait3A_165 = tpu.memref_squeeze %dma_wait3A_164 : memref<1x80x128xi32, #tpu.memory_space<hbm>> -> memref<80x128xi32, #tpu.memory_space<hbm>>
        tpu.wait_dma2 semaphore(%run_scoped3A_141 : memref<!tpu.dma_semaphore, #tpu.memory_space<semaphore_mem>>) src(%dma_wait3A_165 : memref<80x128xi32, #tpu.memory_space<hbm>>) dst(%dma_wait3A_162 : memref<80x128xi32, #tpu.memory_space<vmem>>)
        tpu.yield
      }) : () -> ()
      %dma_start3A = arith.constant 0 : i32
      %dma_start3A_22 = arith.constant 0 : i32
      %dma_start3A_23 = tpu.memref_slice %arg9[%dma_start3A, %dma_start3A_22] : memref<80x128xi32, #tpu.memory_space<vmem>> -> memref<1x128xi32, #tpu.memory_space<vmem>>
      %dma_start3A_24 = tpu.memref_squeeze %dma_start3A_23 : memref<1x128xi32, #tpu.memory_space<vmem>> -> memref<128xi32, #tpu.memory_space<vmem>>
      %dma_start3A_25 = arith.constant 0 : i32
      %dma_start3A_26 = arith.constant 0 : i32
      %dma_start3A_27 = tpu.memref_slice %arg2[%dma_start3A_25, %dma_start3A_26] : memref<10000x64xf32, #tpu.memory_space<hbm>> -> memref<10000x64xf32, #tpu.memory_space<hbm>>
      tpu.enqueue_indirect_dma source(%dma_start3A_27 : memref<10000x64xf32, #tpu.memory_space<hbm>>) target(%arg11 : memref<128x64xf32, #tpu.memory_space<vmem>>) offsets(%dma_start3A_24 : memref<128xi32, #tpu.memory_space<vmem>>) semaphore(%arg18 : memref<!tpu.dma_semaphore, #tpu.memory_space<semaphore_mem>>)
      %dma_start3A_28 = arith.constant 1 : i32
      %dma_start3A_29 = arith.constant 0 : i32
      %dma_start3A_30 = tpu.memref_slice %arg9[%dma_start3A_28, %dma_start3A_29] : memref<80x128xi32, #tpu.memory_space<vmem>> -> memref<1x128xi32, #tpu.memory_space<vmem>>
      %dma_start3A_31 = tpu.memref_squeeze %dma_start3A_30 : memref<1x128xi32, #tpu.memory_space<vmem>> -> memref<128xi32, #tpu.memory_space<vmem>>
      %dma_start3A_32 = arith.constant 0 : i32
      %dma_start3A_33 = arith.constant 0 : i32
      %dma_start3A_34 = tpu.memref_slice %arg2[%dma_start3A_32, %dma_start3A_33] : memref<10000x64xf32, #tpu.memory_space<hbm>> -> memref<10000x64xf32, #tpu.memory_space<hbm>>
      tpu.enqueue_indirect_dma source(%dma_start3A_34 : memref<10000x64xf32, #tpu.memory_space<hbm>>) target(%arg12 : memref<128x64xf32, #tpu.memory_space<vmem>>) offsets(%dma_start3A_31 : memref<128xi32, #tpu.memory_space<vmem>>) semaphore(%arg19 : memref<!tpu.dma_semaphore, #tpu.memory_space<semaphore_mem>>)
      %dma_start3A_35 = arith.constant 2 : i32
      %dma_start3A_36 = arith.constant 0 : i32
      %dma_start3A_37 = tpu.memref_slice %arg9[%dma_start3A_35, %dma_start3A_36] : memref<80x128xi32, #tpu.memory_space<vmem>> -> memref<1x128xi32, #tpu.memory_space<vmem>>
      %dma_start3A_38 = tpu.memref_squeeze %dma_start3A_37 : memref<1x128xi32, #tpu.memory_space<vmem>> -> memref<128xi32, #tpu.memory_space<vmem>>
      %dma_start3A_39 = arith.constant 0 : i32
      %dma_start3A_40 = arith.constant 0 : i32
      %dma_start3A_41 = tpu.memref_slice %arg2[%dma_start3A_39, %dma_start3A_40] : memref<10000x64xf32, #tpu.memory_space<hbm>> -> memref<10000x64xf32, #tpu.memory_space<hbm>>
      tpu.enqueue_indirect_dma source(%dma_start3A_41 : memref<10000x64xf32, #tpu.memory_space<hbm>>) target(%arg13 : memref<128x64xf32, #tpu.memory_space<vmem>>) offsets(%dma_start3A_38 : memref<128xi32, #tpu.memory_space<vmem>>) semaphore(%arg20 : memref<!tpu.dma_semaphore, #tpu.memory_space<semaphore_mem>>)
      %dma_start3A_42 = arith.constant 3 : i32
      %dma_start3A_43 = arith.constant 0 : i32
      %dma_start3A_44 = tpu.memref_slice %arg9[%dma_start3A_42, %dma_start3A_43] : memref<80x128xi32, #tpu.memory_space<vmem>> -> memref<1x128xi32, #tpu.memory_space<vmem>>
      %dma_start3A_45 = tpu.memref_squeeze %dma_start3A_44 : memref<1x128xi32, #tpu.memory_space<vmem>> -> memref<128xi32, #tpu.memory_space<vmem>>
      %dma_start3A_46 = arith.constant 0 : i32
      %dma_start3A_47 = arith.constant 0 : i32
      %dma_start3A_48 = tpu.memref_slice %arg2[%dma_start3A_46, %dma_start3A_47] : memref<10000x64xf32, #tpu.memory_space<hbm>> -> memref<10000x64xf32, #tpu.memory_space<hbm>>
      tpu.enqueue_indirect_dma source(%dma_start3A_48 : memref<10000x64xf32, #tpu.memory_space<hbm>>) target(%arg14 : memref<128x64xf32, #tpu.memory_space<vmem>>) offsets(%dma_start3A_45 : memref<128xi32, #tpu.memory_space<vmem>>) semaphore(%arg21 : memref<!tpu.dma_semaphore, #tpu.memory_space<semaphore_mem>>)
      %scan3A = arith.constant 0 : i32
      %scan3A_49 = arith.constant 0 : i32
      %scan3A_50 = arith.constant 19 : i32
      %scan3A_51 = arith.addi %scan3A_49, %scan3A_50 : i32
      %scan3A_52 = arith.constant 1 : i32
      scf.for %scan3A_141 = %scan3A_49 to %scan3A_51 step %scan3A_52  : i32 {
        %mul3A_142 = arith.constant 4 : i32
        %mul3A_143 = arith.muli %mul3A_142, %scan3A_141 : i32
        %add3A = arith.constant 0 : i32
        %add3A_144 = arith.addi %mul3A_143, %add3A : i32
        %dma_wait3A_145 = arith.constant 0 : i32
        %dma_wait3A_146 = tpu.memref_slice %arg9[%add3A_144, %dma_wait3A_145] : memref<80x128xi32, #tpu.memory_space<vmem>> -> memref<1x128xi32, #tpu.memory_space<vmem>>
        %dma_wait3A_147 = tpu.memref_squeeze %dma_wait3A_146 : memref<1x128xi32, #tpu.memory_space<vmem>> -> memref<128xi32, #tpu.memory_space<vmem>>
        %dma_wait3A_148 = arith.constant 0 : i32
        %dma_wait3A_149 = arith.constant 0 : i32
        %dma_wait3A_150 = tpu.memref_slice %arg2[%dma_wait3A_148, %dma_wait3A_149] : memref<10000x64xf32, #tpu.memory_space<hbm>> -> memref<10000x64xf32, #tpu.memory_space<hbm>>
        tpu.wait_indirect_dma semaphore(%arg18 : memref<!tpu.dma_semaphore, #tpu.memory_space<semaphore_mem>>) src(%dma_wait3A_150 : memref<10000x64xf32, #tpu.memory_space<hbm>>) dst(%arg11 : memref<128x64xf32, #tpu.memory_space<vmem>>)
        %dma_start3A_151 = arith.constant 0 : i32
        %dma_start3A_152 = tpu.memref_slice %arg10[%add3A_144, %dma_start3A_151] : memref<80x128xi32, #tpu.memory_space<vmem>> -> memref<1x128xi32, #tpu.memory_space<vmem>>
        %dma_start3A_153 = tpu.memref_squeeze %dma_start3A_152 : memref<1x128xi32, #tpu.memory_space<vmem>> -> memref<128xi32, #tpu.memory_space<vmem>>
        %dma_start3A_154 = arith.constant 0 : i32
        %dma_start3A_155 = arith.constant 0 : i32
        %dma_start3A_156 = tpu.memref_slice %arg17[%dma_start3A_154, %dma_start3A_155] : memref<10112x8xf32, #tpu.memory_space<vmem_shared>> -> memref<10112x8xf32, #tpu.memory_space<vmem_shared>>
        tpu.enqueue_indirect_dma source(%arg15 : memref<128x8xf32, #tpu.memory_space<vmem>>) target(%dma_start3A_156 : memref<10112x8xf32, #tpu.memory_space<vmem_shared>>) offsets(%dma_start3A_153 : memref<128xi32, #tpu.memory_space<vmem>>) semaphore(%arg22 : memref<!tpu.dma_semaphore, #tpu.memory_space<semaphore_mem>>) {add = true}
        "tpu.region"() ({
          %run_scoped3A_263 = tpu.sem_alloc : memref<!tpu.dma_semaphore, #tpu.memory_space<semaphore_mem>>
          %dma_start3A_264 = arith.constant 0 : i32
          %dma_start3A_265 = tpu.memref_slice %arg10[%add3A_144, %dma_start3A_264] : memref<80x128xi32, #tpu.memory_space<vmem>> -> memref<1x128xi32, #tpu.memory_space<vmem>>
          %dma_start3A_266 = tpu.memref_squeeze %dma_start3A_265 : memref<1x128xi32, #tpu.memory_space<vmem>> -> memref<128xi32, #tpu.memory_space<vmem>>
          %dma_start3A_267 = arith.constant 0 : i32
          %dma_start3A_268 = arith.constant 0 : i32
          %dma_start3A_269 = tpu.memref_slice %arg16[%dma_start3A_267, %dma_start3A_268] : memref<10112x64xf32, #tpu.memory_space<vmem_shared>> -> memref<10112x64xf32, #tpu.memory_space<vmem_shared>>
          tpu.enqueue_indirect_dma source(%arg11 : memref<128x64xf32, #tpu.memory_space<vmem>>) target(%dma_start3A_269 : memref<10112x64xf32, #tpu.memory_space<vmem_shared>>) offsets(%dma_start3A_266 : memref<128xi32, #tpu.memory_space<vmem>>) semaphore(%run_scoped3A_263 : memref<!tpu.dma_semaphore, #tpu.memory_space<semaphore_mem>>) {add = true}
          %dma_wait3A_270 = arith.constant 0 : i32
          %dma_wait3A_271 = tpu.memref_slice %arg10[%add3A_144, %dma_wait3A_270] : memref<80x128xi32, #tpu.memory_space<vmem>> -> memref<1x128xi32, #tpu.memory_space<vmem>>
          %dma_wait3A_272 = tpu.memref_squeeze %dma_wait3A_271 : memref<1x128xi32, #tpu.memory_space<vmem>> -> memref<128xi32, #tpu.memory_space<vmem>>
          %dma_wait3A_273 = arith.constant 0 : i32
          %dma_wait3A_274 = arith.constant 0 : i32
          %dma_wait3A_275 = tpu.memref_slice %arg16[%dma_wait3A_273, %dma_wait3A_274] : memref<10112x64xf32, #tpu.memory_space<vmem_shared>> -> memref<10112x64xf32, #tpu.memory_space<vmem_shared>>
          tpu.wait_indirect_dma semaphore(%run_scoped3A_263 : memref<!tpu.dma_semaphore, #tpu.memory_space<semaphore_mem>>) src(%arg11 : memref<128x64xf32, #tpu.memory_space<vmem>>) dst(%dma_wait3A_275 : memref<10112x64xf32, #tpu.memory_space<vmem_shared>>)
          tpu.yield
        }) : () -> ()
        %dma_wait3A_157 = arith.constant 0 : i32
        %dma_wait3A_158 = tpu.memref_slice %arg10[%add3A_144, %dma_wait3A_157] : memref<80x128xi32, #tpu.memory_space<vmem>> -> memref<1x128xi32, #tpu.memory_space<vmem>>
        %dma_wait3A_159 = tpu.memref_squeeze %dma_wait3A_158 : memref<1x128xi32, #tpu.memory_space<vmem>> -> memref<128xi32, #tpu.memory_space<vmem>>
        %dma_wait3A_160 = arith.constant 0 : i32
        %dma_wait3A_161 = arith.constant 0 : i32
        %dma_wait3A_162 = tpu.memref_slice %arg17[%dma_wait3A_160, %dma_wait3A_161] : memref<10112x8xf32, #tpu.memory_space<vmem_shared>> -> memref<10112x8xf32, #tpu.memory_space<vmem_shared>>
        tpu.wait_indirect_dma semaphore(%arg22 : memref<!tpu.dma_semaphore, #tpu.memory_space<semaphore_mem>>) src(%arg15 : memref<128x8xf32, #tpu.memory_space<vmem>>) dst(%dma_wait3A_162 : memref<10112x8xf32, #tpu.memory_space<vmem_shared>>)
        %add3A_163 = arith.constant 4 : i32
        %add3A_164 = arith.addi %mul3A_143, %add3A_163 : i32
        %add3A_165 = arith.constant 0 : i32
        %add3A_166 = arith.addi %add3A_164, %add3A_165 : i32
        %dma_start3A_167 = arith.constant 0 : i32
        %dma_start3A_168 = tpu.memref_slice %arg9[%add3A_166, %dma_start3A_167] : memref<80x128xi32, #tpu.memory_space<vmem>> -> memref<1x128xi32, #tpu.memory_space<vmem>>
        %dma_start3A_169 = tpu.memref_squeeze %dma_start3A_168 : memref<1x128xi32, #tpu.memory_space<vmem>> -> memref<128xi32, #tpu.memory_space<vmem>>
        %dma_start3A_170 = arith.constant 0 : i32
        %dma_start3A_171 = arith.constant 0 : i32
        %dma_start3A_172 = tpu.memref_slice %arg2[%dma_start3A_170, %dma_start3A_171] : memref<10000x64xf32, #tpu.memory_space<hbm>> -> memref<10000x64xf32, #tpu.memory_space<hbm>>
        tpu.enqueue_indirect_dma source(%dma_start3A_172 : memref<10000x64xf32, #tpu.memory_space<hbm>>) target(%arg11 : memref<128x64xf32, #tpu.memory_space<vmem>>) offsets(%dma_start3A_169 : memref<128xi32, #tpu.memory_space<vmem>>) semaphore(%arg18 : memref<!tpu.dma_semaphore, #tpu.memory_space<semaphore_mem>>)
        %add3A_173 = arith.constant 1 : i32
        %add3A_174 = arith.addi %mul3A_143, %add3A_173 : i32
        %dma_wait3A_175 = arith.constant 0 : i32
        %dma_wait3A_176 = tpu.memref_slice %arg9[%add3A_174, %dma_wait3A_175] : memref<80x128xi32, #tpu.memory_space<vmem>> -> memref<1x128xi32, #tpu.memory_space<vmem>>
        %dma_wait3A_177 = tpu.memref_squeeze %dma_wait3A_176 : memref<1x128xi32, #tpu.memory_space<vmem>> -> memref<128xi32, #tpu.memory_space<vmem>>
        %dma_wait3A_178 = arith.constant 0 : i32
        %dma_wait3A_179 = arith.constant 0 : i32
        %dma_wait3A_180 = tpu.memref_slice %arg2[%dma_wait3A_178, %dma_wait3A_179] : memref<10000x64xf32, #tpu.memory_space<hbm>> -> memref<10000x64xf32, #tpu.memory_space<hbm>>
        tpu.wait_indirect_dma semaphore(%arg19 : memref<!tpu.dma_semaphore, #tpu.memory_space<semaphore_mem>>) src(%dma_wait3A_180 : memref<10000x64xf32, #tpu.memory_space<hbm>>) dst(%arg12 : memref<128x64xf32, #tpu.memory_space<vmem>>)
        %dma_start3A_181 = arith.constant 0 : i32
        %dma_start3A_182 = tpu.memref_slice %arg10[%add3A_174, %dma_start3A_181] : memref<80x128xi32, #tpu.memory_space<vmem>> -> memref<1x128xi32, #tpu.memory_space<vmem>>
        %dma_start3A_183 = tpu.memref_squeeze %dma_start3A_182 : memref<1x128xi32, #tpu.memory_space<vmem>> -> memref<128xi32, #tpu.memory_space<vmem>>
        %dma_start3A_184 = arith.constant 0 : i32
        %dma_start3A_185 = arith.constant 0 : i32
        %dma_start3A_186 = tpu.memref_slice %arg17[%dma_start3A_184, %dma_start3A_185] : memref<10112x8xf32, #tpu.memory_space<vmem_shared>> -> memref<10112x8xf32, #tpu.memory_space<vmem_shared>>
        tpu.enqueue_indirect_dma source(%arg15 : memref<128x8xf32, #tpu.memory_space<vmem>>) target(%dma_start3A_186 : memref<10112x8xf32, #tpu.memory_space<vmem_shared>>) offsets(%dma_start3A_183 : memref<128xi32, #tpu.memory_space<vmem>>) semaphore(%arg22 : memref<!tpu.dma_semaphore, #tpu.memory_space<semaphore_mem>>) {add = true}
        "tpu.region"() ({
          %run_scoped3A_263 = tpu.sem_alloc : memref<!tpu.dma_semaphore, #tpu.memory_space<semaphore_mem>>
          %dma_start3A_264 = arith.constant 0 : i32
          %dma_start3A_265 = tpu.memref_slice %arg10[%add3A_174, %dma_start3A_264] : memref<80x128xi32, #tpu.memory_space<vmem>> -> memref<1x128xi32, #tpu.memory_space<vmem>>
          %dma_start3A_266 = tpu.memref_squeeze %dma_start3A_265 : memref<1x128xi32, #tpu.memory_space<vmem>> -> memref<128xi32, #tpu.memory_space<vmem>>
          %dma_start3A_267 = arith.constant 0 : i32
          %dma_start3A_268 = arith.constant 0 : i32
          %dma_start3A_269 = tpu.memref_slice %arg16[%dma_start3A_267, %dma_start3A_268] : memref<10112x64xf32, #tpu.memory_space<vmem_shared>> -> memref<10112x64xf32, #tpu.memory_space<vmem_shared>>
          tpu.enqueue_indirect_dma source(%arg12 : memref<128x64xf32, #tpu.memory_space<vmem>>) target(%dma_start3A_269 : memref<10112x64xf32, #tpu.memory_space<vmem_shared>>) offsets(%dma_start3A_266 : memref<128xi32, #tpu.memory_space<vmem>>) semaphore(%run_scoped3A_263 : memref<!tpu.dma_semaphore, #tpu.memory_space<semaphore_mem>>) {add = true}
          %dma_wait3A_270 = arith.constant 0 : i32
          %dma_wait3A_271 = tpu.memref_slice %arg10[%add3A_174, %dma_wait3A_270] : memref<80x128xi32, #tpu.memory_space<vmem>> -> memref<1x128xi32, #tpu.memory_space<vmem>>
          %dma_wait3A_272 = tpu.memref_squeeze %dma_wait3A_271 : memref<1x128xi32, #tpu.memory_space<vmem>> -> memref<128xi32, #tpu.memory_space<vmem>>
          %dma_wait3A_273 = arith.constant 0 : i32
          %dma_wait3A_274 = arith.constant 0 : i32
          %dma_wait3A_275 = tpu.memref_slice %arg16[%dma_wait3A_273, %dma_wait3A_274] : memref<10112x64xf32, #tpu.memory_space<vmem_shared>> -> memref<10112x64xf32, #tpu.memory_space<vmem_shared>>
          tpu.wait_indirect_dma semaphore(%run_scoped3A_263 : memref<!tpu.dma_semaphore, #tpu.memory_space<semaphore_mem>>) src(%arg12 : memref<128x64xf32, #tpu.memory_space<vmem>>) dst(%dma_wait3A_275 : memref<10112x64xf32, #tpu.memory_space<vmem_shared>>)
          tpu.yield
        }) : () -> ()
        %dma_wait3A_187 = arith.constant 0 : i32
        %dma_wait3A_188 = tpu.memref_slice %arg10[%add3A_174, %dma_wait3A_187] : memref<80x128xi32, #tpu.memory_space<vmem>> -> memref<1x128xi32, #tpu.memory_space<vmem>>
        %dma_wait3A_189 = tpu.memref_squeeze %dma_wait3A_188 : memref<1x128xi32, #tpu.memory_space<vmem>> -> memref<128xi32, #tpu.memory_space<vmem>>
        %dma_wait3A_190 = arith.constant 0 : i32
        %dma_wait3A_191 = arith.constant 0 : i32
        %dma_wait3A_192 = tpu.memref_slice %arg17[%dma_wait3A_190, %dma_wait3A_191] : memref<10112x8xf32, #tpu.memory_space<vmem_shared>> -> memref<10112x8xf32, #tpu.memory_space<vmem_shared>>
        tpu.wait_indirect_dma semaphore(%arg22 : memref<!tpu.dma_semaphore, #tpu.memory_space<semaphore_mem>>) src(%arg15 : memref<128x8xf32, #tpu.memory_space<vmem>>) dst(%dma_wait3A_192 : memref<10112x8xf32, #tpu.memory_space<vmem_shared>>)
        %add3A_193 = arith.constant 4 : i32
        %add3A_194 = arith.addi %mul3A_143, %add3A_193 : i32
        %add3A_195 = arith.constant 1 : i32
        %add3A_196 = arith.addi %add3A_194, %add3A_195 : i32
        %dma_start3A_197 = arith.constant 0 : i32
        %dma_start3A_198 = tpu.memref_slice %arg9[%add3A_196, %dma_start3A_197] : memref<80x128xi32, #tpu.memory_space<vmem>> -> memref<1x128xi32, #tpu.memory_space<vmem>>
        %dma_start3A_199 = tpu.memref_squeeze %dma_start3A_198 : memref<1x128xi32, #tpu.memory_space<vmem>> -> memref<128xi32, #tpu.memory_space<vmem>>
        %dma_start3A_200 = arith.constant 0 : i32
        %dma_start3A_201 = arith.constant 0 : i32
        %dma_start3A_202 = tpu.memref_slice %arg2[%dma_start3A_200, %dma_start3A_201] : memref<10000x64xf32, #tpu.memory_space<hbm>> -> memref<10000x64xf32, #tpu.memory_space<hbm>>
        tpu.enqueue_indirect_dma source(%dma_start3A_202 : memref<10000x64xf32, #tpu.memory_space<hbm>>) target(%arg12 : memref<128x64xf32, #tpu.memory_space<vmem>>) offsets(%dma_start3A_199 : memref<128xi32, #tpu.memory_space<vmem>>) semaphore(%arg19 : memref<!tpu.dma_semaphore, #tpu.memory_space<semaphore_mem>>)
        %add3A_203 = arith.constant 2 : i32
        %add3A_204 = arith.addi %mul3A_143, %add3A_203 : i32
        %dma_wait3A_205 = arith.constant 0 : i32
        %dma_wait3A_206 = tpu.memref_slice %arg9[%add3A_204, %dma_wait3A_205] : memref<80x128xi32, #tpu.memory_space<vmem>> -> memref<1x128xi32, #tpu.memory_space<vmem>>
        %dma_wait3A_207 = tpu.memref_squeeze %dma_wait3A_206 : memref<1x128xi32, #tpu.memory_space<vmem>> -> memref<128xi32, #tpu.memory_space<vmem>>
        %dma_wait3A_208 = arith.constant 0 : i32
        %dma_wait3A_209 = arith.constant 0 : i32
        %dma_wait3A_210 = tpu.memref_slice %arg2[%dma_wait3A_208, %dma_wait3A_209] : memref<10000x64xf32, #tpu.memory_space<hbm>> -> memref<10000x64xf32, #tpu.memory_space<hbm>>
        tpu.wait_indirect_dma semaphore(%arg20 : memref<!tpu.dma_semaphore, #tpu.memory_space<semaphore_mem>>) src(%dma_wait3A_210 : memref<10000x64xf32, #tpu.memory_space<hbm>>) dst(%arg13 : memref<128x64xf32, #tpu.memory_space<vmem>>)
        %dma_start3A_211 = arith.constant 0 : i32
        %dma_start3A_212 = tpu.memref_slice %arg10[%add3A_204, %dma_start3A_211] : memref<80x128xi32, #tpu.memory_space<vmem>> -> memref<1x128xi32, #tpu.memory_space<vmem>>
        %dma_start3A_213 = tpu.memref_squeeze %dma_start3A_212 : memref<1x128xi32, #tpu.memory_space<vmem>> -> memref<128xi32, #tpu.memory_space<vmem>>
        %dma_start3A_214 = arith.constant 0 : i32
        %dma_start3A_215 = arith.constant 0 : i32
        %dma_start3A_216 = tpu.memref_slice %arg17[%dma_start3A_214, %dma_start3A_215] : memref<10112x8xf32, #tpu.memory_space<vmem_shared>> -> memref<10112x8xf32, #tpu.memory_space<vmem_shared>>
        tpu.enqueue_indirect_dma source(%arg15 : memref<128x8xf32, #tpu.memory_space<vmem>>) target(%dma_start3A_216 : memref<10112x8xf32, #tpu.memory_space<vmem_shared>>) offsets(%dma_start3A_213 : memref<128xi32, #tpu.memory_space<vmem>>) semaphore(%arg22 : memref<!tpu.dma_semaphore, #tpu.memory_space<semaphore_mem>>) {add = true}
        "tpu.region"() ({
          %run_scoped3A_263 = tpu.sem_alloc : memref<!tpu.dma_semaphore, #tpu.memory_space<semaphore_mem>>
          %dma_start3A_264 = arith.constant 0 : i32
          %dma_start3A_265 = tpu.memref_slice %arg10[%add3A_204, %dma_start3A_264] : memref<80x128xi32, #tpu.memory_space<vmem>> -> memref<1x128xi32, #tpu.memory_space<vmem>>
          %dma_start3A_266 = tpu.memref_squeeze %dma_start3A_265 : memref<1x128xi32, #tpu.memory_space<vmem>> -> memref<128xi32, #tpu.memory_space<vmem>>
          %dma_start3A_267 = arith.constant 0 : i32
          %dma_start3A_268 = arith.constant 0 : i32
          %dma_start3A_269 = tpu.memref_slice %arg16[%dma_start3A_267, %dma_start3A_268] : memref<10112x64xf32, #tpu.memory_space<vmem_shared>> -> memref<10112x64xf32, #tpu.memory_space<vmem_shared>>
          tpu.enqueue_indirect_dma source(%arg13 : memref<128x64xf32, #tpu.memory_space<vmem>>) target(%dma_start3A_269 : memref<10112x64xf32, #tpu.memory_space<vmem_shared>>) offsets(%dma_start3A_266 : memref<128xi32, #tpu.memory_space<vmem>>) semaphore(%run_scoped3A_263 : memref<!tpu.dma_semaphore, #tpu.memory_space<semaphore_mem>>) {add = true}
          %dma_wait3A_270 = arith.constant 0 : i32
          %dma_wait3A_271 = tpu.memref_slice %arg10[%add3A_204, %dma_wait3A_270] : memref<80x128xi32, #tpu.memory_space<vmem>> -> memref<1x128xi32, #tpu.memory_space<vmem>>
          %dma_wait3A_272 = tpu.memref_squeeze %dma_wait3A_271 : memref<1x128xi32, #tpu.memory_space<vmem>> -> memref<128xi32, #tpu.memory_space<vmem>>
          %dma_wait3A_273 = arith.constant 0 : i32
          %dma_wait3A_274 = arith.constant 0 : i32
          %dma_wait3A_275 = tpu.memref_slice %arg16[%dma_wait3A_273, %dma_wait3A_274] : memref<10112x64xf32, #tpu.memory_space<vmem_shared>> -> memref<10112x64xf32, #tpu.memory_space<vmem_shared>>
          tpu.wait_indirect_dma semaphore(%run_scoped3A_263 : memref<!tpu.dma_semaphore, #tpu.memory_space<semaphore_mem>>) src(%arg13 : memref<128x64xf32, #tpu.memory_space<vmem>>) dst(%dma_wait3A_275 : memref<10112x64xf32, #tpu.memory_space<vmem_shared>>)
          tpu.yield
        }) : () -> ()
        %dma_wait3A_217 = arith.constant 0 : i32
        %dma_wait3A_218 = tpu.memref_slice %arg10[%add3A_204, %dma_wait3A_217] : memref<80x128xi32, #tpu.memory_space<vmem>> -> memref<1x128xi32, #tpu.memory_space<vmem>>
        %dma_wait3A_219 = tpu.memref_squeeze %dma_wait3A_218 : memref<1x128xi32, #tpu.memory_space<vmem>> -> memref<128xi32, #tpu.memory_space<vmem>>
        %dma_wait3A_220 = arith.constant 0 : i32
        %dma_wait3A_221 = arith.constant 0 : i32
        %dma_wait3A_222 = tpu.memref_slice %arg17[%dma_wait3A_220, %dma_wait3A_221] : memref<10112x8xf32, #tpu.memory_space<vmem_shared>> -> memref<10112x8xf32, #tpu.memory_space<vmem_shared>>
        tpu.wait_indirect_dma semaphore(%arg22 : memref<!tpu.dma_semaphore, #tpu.memory_space<semaphore_mem>>) src(%arg15 : memref<128x8xf32, #tpu.memory_space<vmem>>) dst(%dma_wait3A_222 : memref<10112x8xf32, #tpu.memory_space<vmem_shared>>)
        %add3A_223 = arith.constant 4 : i32
        %add3A_224 = arith.addi %mul3A_143, %add3A_223 : i32
        %add3A_225 = arith.constant 2 : i32
        %add3A_226 = arith.addi %add3A_224, %add3A_225 : i32
        %dma_start3A_227 = arith.constant 0 : i32
        %dma_start3A_228 = tpu.memref_slice %arg9[%add3A_226, %dma_start3A_227] : memref<80x128xi32, #tpu.memory_space<vmem>> -> memref<1x128xi32, #tpu.memory_space<vmem>>
        %dma_start3A_229 = tpu.memref_squeeze %dma_start3A_228 : memref<1x128xi32, #tpu.memory_space<vmem>> -> memref<128xi32, #tpu.memory_space<vmem>>
        %dma_start3A_230 = arith.constant 0 : i32
        %dma_start3A_231 = arith.constant 0 : i32
        %dma_start3A_232 = tpu.memref_slice %arg2[%dma_start3A_230, %dma_start3A_231] : memref<10000x64xf32, #tpu.memory_space<hbm>> -> memref<10000x64xf32, #tpu.memory_space<hbm>>
        tpu.enqueue_indirect_dma source(%dma_start3A_232 : memref<10000x64xf32, #tpu.memory_space<hbm>>) target(%arg13 : memref<128x64xf32, #tpu.memory_space<vmem>>) offsets(%dma_start3A_229 : memref<128xi32, #tpu.memory_space<vmem>>) semaphore(%arg20 : memref<!tpu.dma_semaphore, #tpu.memory_space<semaphore_mem>>)
        %add3A_233 = arith.constant 3 : i32
        %add3A_234 = arith.addi %mul3A_143, %add3A_233 : i32
        %dma_wait3A_235 = arith.constant 0 : i32
        %dma_wait3A_236 = tpu.memref_slice %arg9[%add3A_234, %dma_wait3A_235] : memref<80x128xi32, #tpu.memory_space<vmem>> -> memref<1x128xi32, #tpu.memory_space<vmem>>
        %dma_wait3A_237 = tpu.memref_squeeze %dma_wait3A_236 : memref<1x128xi32, #tpu.memory_space<vmem>> -> memref<128xi32, #tpu.memory_space<vmem>>
        %dma_wait3A_238 = arith.constant 0 : i32
        %dma_wait3A_239 = arith.constant 0 : i32
        %dma_wait3A_240 = tpu.memref_slice %arg2[%dma_wait3A_238, %dma_wait3A_239] : memref<10000x64xf32, #tpu.memory_space<hbm>> -> memref<10000x64xf32, #tpu.memory_space<hbm>>
        tpu.wait_indirect_dma semaphore(%arg21 : memref<!tpu.dma_semaphore, #tpu.memory_space<semaphore_mem>>) src(%dma_wait3A_240 : memref<10000x64xf32, #tpu.memory_space<hbm>>) dst(%arg14 : memref<128x64xf32, #tpu.memory_space<vmem>>)
        %dma_start3A_241 = arith.constant 0 : i32
        %dma_start3A_242 = tpu.memref_slice %arg10[%add3A_234, %dma_start3A_241] : memref<80x128xi32, #tpu.memory_space<vmem>> -> memref<1x128xi32, #tpu.memory_space<vmem>>
        %dma_start3A_243 = tpu.memref_squeeze %dma_start3A_242 : memref<1x128xi32, #tpu.memory_space<vmem>> -> memref<128xi32, #tpu.memory_space<vmem>>
        %dma_start3A_244 = arith.constant 0 : i32
        %dma_start3A_245 = arith.constant 0 : i32
        %dma_start3A_246 = tpu.memref_slice %arg17[%dma_start3A_244, %dma_start3A_245] : memref<10112x8xf32, #tpu.memory_space<vmem_shared>> -> memref<10112x8xf32, #tpu.memory_space<vmem_shared>>
        tpu.enqueue_indirect_dma source(%arg15 : memref<128x8xf32, #tpu.memory_space<vmem>>) target(%dma_start3A_246 : memref<10112x8xf32, #tpu.memory_space<vmem_shared>>) offsets(%dma_start3A_243 : memref<128xi32, #tpu.memory_space<vmem>>) semaphore(%arg22 : memref<!tpu.dma_semaphore, #tpu.memory_space<semaphore_mem>>) {add = true}
        "tpu.region"() ({
          %run_scoped3A_263 = tpu.sem_alloc : memref<!tpu.dma_semaphore, #tpu.memory_space<semaphore_mem>>
          %dma_start3A_264 = arith.constant 0 : i32
          %dma_start3A_265 = tpu.memref_slice %arg10[%add3A_234, %dma_start3A_264] : memref<80x128xi32, #tpu.memory_space<vmem>> -> memref<1x128xi32, #tpu.memory_space<vmem>>
          %dma_start3A_266 = tpu.memref_squeeze %dma_start3A_265 : memref<1x128xi32, #tpu.memory_space<vmem>> -> memref<128xi32, #tpu.memory_space<vmem>>
          %dma_start3A_267 = arith.constant 0 : i32
          %dma_start3A_268 = arith.constant 0 : i32
          %dma_start3A_269 = tpu.memref_slice %arg16[%dma_start3A_267, %dma_start3A_268] : memref<10112x64xf32, #tpu.memory_space<vmem_shared>> -> memref<10112x64xf32, #tpu.memory_space<vmem_shared>>
          tpu.enqueue_indirect_dma source(%arg14 : memref<128x64xf32, #tpu.memory_space<vmem>>) target(%dma_start3A_269 : memref<10112x64xf32, #tpu.memory_space<vmem_shared>>) offsets(%dma_start3A_266 : memref<128xi32, #tpu.memory_space<vmem>>) semaphore(%run_scoped3A_263 : memref<!tpu.dma_semaphore, #tpu.memory_space<semaphore_mem>>) {add = true}
          %dma_wait3A_270 = arith.constant 0 : i32
          %dma_wait3A_271 = tpu.memref_slice %arg10[%add3A_234, %dma_wait3A_270] : memref<80x128xi32, #tpu.memory_space<vmem>> -> memref<1x128xi32, #tpu.memory_space<vmem>>
          %dma_wait3A_272 = tpu.memref_squeeze %dma_wait3A_271 : memref<1x128xi32, #tpu.memory_space<vmem>> -> memref<128xi32, #tpu.memory_space<vmem>>
          %dma_wait3A_273 = arith.constant 0 : i32
          %dma_wait3A_274 = arith.constant 0 : i32
          %dma_wait3A_275 = tpu.memref_slice %arg16[%dma_wait3A_273, %dma_wait3A_274] : memref<10112x64xf32, #tpu.memory_space<vmem_shared>> -> memref<10112x64xf32, #tpu.memory_space<vmem_shared>>
          tpu.wait_indirect_dma semaphore(%run_scoped3A_263 : memref<!tpu.dma_semaphore, #tpu.memory_space<semaphore_mem>>) src(%arg14 : memref<128x64xf32, #tpu.memory_space<vmem>>) dst(%dma_wait3A_275 : memref<10112x64xf32, #tpu.memory_space<vmem_shared>>)
          tpu.yield
        }) : () -> ()
        %dma_wait3A_247 = arith.constant 0 : i32
        %dma_wait3A_248 = tpu.memref_slice %arg10[%add3A_234, %dma_wait3A_247] : memref<80x128xi32, #tpu.memory_space<vmem>> -> memref<1x128xi32, #tpu.memory_space<vmem>>
        %dma_wait3A_249 = tpu.memref_squeeze %dma_wait3A_248 : memref<1x128xi32, #tpu.memory_space<vmem>> -> memref<128xi32, #tpu.memory_space<vmem>>
        %dma_wait3A_250 = arith.constant 0 : i32
        %dma_wait3A_251 = arith.constant 0 : i32
        %dma_wait3A_252 = tpu.memref_slice %arg17[%dma_wait3A_250, %dma_wait3A_251] : memref<10112x8xf32, #tpu.memory_space<vmem_shared>> -> memref<10112x8xf32, #tpu.memory_space<vmem_shared>>
        tpu.wait_indirect_dma semaphore(%arg22 : memref<!tpu.dma_semaphore, #tpu.memory_space<semaphore_mem>>) src(%arg15 : memref<128x8xf32, #tpu.memory_space<vmem>>) dst(%dma_wait3A_252 : memref<10112x8xf32, #tpu.memory_space<vmem_shared>>)
        %add3A_253 = arith.constant 4 : i32
        %add3A_254 = arith.addi %mul3A_143, %add3A_253 : i32
        %add3A_255 = arith.constant 3 : i32
        %add3A_256 = arith.addi %add3A_254, %add3A_255 : i32
        %dma_start3A_257 = arith.constant 0 : i32
        %dma_start3A_258 = tpu.memref_slice %arg9[%add3A_256, %dma_start3A_257] : memref<80x128xi32, #tpu.memory_space<vmem>> -> memref<1x128xi32, #tpu.memory_space<vmem>>
        %dma_start3A_259 = tpu.memref_squeeze %dma_start3A_258 : memref<1x128xi32, #tpu.memory_space<vmem>> -> memref<128xi32, #tpu.memory_space<vmem>>
        %dma_start3A_260 = arith.constant 0 : i32
        %dma_start3A_261 = arith.constant 0 : i32
        %dma_start3A_262 = tpu.memref_slice %arg2[%dma_start3A_260, %dma_start3A_261] : memref<10000x64xf32, #tpu.memory_space<hbm>> -> memref<10000x64xf32, #tpu.memory_space<hbm>>
        tpu.enqueue_indirect_dma source(%dma_start3A_262 : memref<10000x64xf32, #tpu.memory_space<hbm>>) target(%arg14 : memref<128x64xf32, #tpu.memory_space<vmem>>) offsets(%dma_start3A_259 : memref<128xi32, #tpu.memory_space<vmem>>) semaphore(%arg21 : memref<!tpu.dma_semaphore, #tpu.memory_space<semaphore_mem>>)
      }
      %scan3A_53 = arith.constant 19 : i32
      %dma_wait3A = arith.constant 76 : i32
      %dma_wait3A_54 = arith.constant 0 : i32
      %dma_wait3A_55 = tpu.memref_slice %arg9[%dma_wait3A, %dma_wait3A_54] : memref<80x128xi32, #tpu.memory_space<vmem>> -> memref<1x128xi32, #tpu.memory_space<vmem>>
      %dma_wait3A_56 = tpu.memref_squeeze %dma_wait3A_55 : memref<1x128xi32, #tpu.memory_space<vmem>> -> memref<128xi32, #tpu.memory_space<vmem>>
      %dma_wait3A_57 = arith.constant 0 : i32
      %dma_wait3A_58 = arith.constant 0 : i32
      %dma_wait3A_59 = tpu.memref_slice %arg2[%dma_wait3A_57, %dma_wait3A_58] : memref<10000x64xf32, #tpu.memory_space<hbm>> -> memref<10000x64xf32, #tpu.memory_space<hbm>>
      tpu.wait_indirect_dma semaphore(%arg18 : memref<!tpu.dma_semaphore, #tpu.memory_space<semaphore_mem>>) src(%dma_wait3A_59 : memref<10000x64xf32, #tpu.memory_space<hbm>>) dst(%arg11 : memref<128x64xf32, #tpu.memory_space<vmem>>)
      %dma_start3A_60 = arith.constant 76 : i32
      %dma_start3A_61 = arith.constant 0 : i32
      %dma_start3A_62 = tpu.memref_slice %arg10[%dma_start3A_60, %dma_start3A_61] : memref<80x128xi32, #tpu.memory_space<vmem>> -> memref<1x128xi32, #tpu.memory_space<vmem>>
      %dma_start3A_63 = tpu.memref_squeeze %dma_start3A_62 : memref<1x128xi32, #tpu.memory_space<vmem>> -> memref<128xi32, #tpu.memory_space<vmem>>
      %dma_start3A_64 = arith.constant 0 : i32
      %dma_start3A_65 = arith.constant 0 : i32
      %dma_start3A_66 = tpu.memref_slice %arg17[%dma_start3A_64, %dma_start3A_65] : memref<10112x8xf32, #tpu.memory_space<vmem_shared>> -> memref<10112x8xf32, #tpu.memory_space<vmem_shared>>
      tpu.enqueue_indirect_dma source(%arg15 : memref<128x8xf32, #tpu.memory_space<vmem>>) target(%dma_start3A_66 : memref<10112x8xf32, #tpu.memory_space<vmem_shared>>) offsets(%dma_start3A_63 : memref<128xi32, #tpu.memory_space<vmem>>) semaphore(%arg22 : memref<!tpu.dma_semaphore, #tpu.memory_space<semaphore_mem>>) {add = true}
      %run_scoped3A_67 = arith.constant 76 : i32
      "tpu.region"() ({
        %run_scoped3A_141 = tpu.sem_alloc : memref<!tpu.dma_semaphore, #tpu.memory_space<semaphore_mem>>
        %dma_start3A_142 = arith.constant 0 : i32
        %dma_start3A_143 = tpu.memref_slice %arg10[%run_scoped3A_67, %dma_start3A_142] : memref<80x128xi32, #tpu.memory_space<vmem>> -> memref<1x128xi32, #tpu.memory_space<vmem>>
        %dma_start3A_144 = tpu.memref_squeeze %dma_start3A_143 : memref<1x128xi32, #tpu.memory_space<vmem>> -> memref<128xi32, #tpu.memory_space<vmem>>
        %dma_start3A_145 = arith.constant 0 : i32
        %dma_start3A_146 = arith.constant 0 : i32
        %dma_start3A_147 = tpu.memref_slice %arg16[%dma_start3A_145, %dma_start3A_146] : memref<10112x64xf32, #tpu.memory_space<vmem_shared>> -> memref<10112x64xf32, #tpu.memory_space<vmem_shared>>
        tpu.enqueue_indirect_dma source(%arg11 : memref<128x64xf32, #tpu.memory_space<vmem>>) target(%dma_start3A_147 : memref<10112x64xf32, #tpu.memory_space<vmem_shared>>) offsets(%dma_start3A_144 : memref<128xi32, #tpu.memory_space<vmem>>) semaphore(%run_scoped3A_141 : memref<!tpu.dma_semaphore, #tpu.memory_space<semaphore_mem>>) {add = true}
        %dma_wait3A_148 = arith.constant 0 : i32
        %dma_wait3A_149 = tpu.memref_slice %arg10[%run_scoped3A_67, %dma_wait3A_148] : memref<80x128xi32, #tpu.memory_space<vmem>> -> memref<1x128xi32, #tpu.memory_space<vmem>>
        %dma_wait3A_150 = tpu.memref_squeeze %dma_wait3A_149 : memref<1x128xi32, #tpu.memory_space<vmem>> -> memref<128xi32, #tpu.memory_space<vmem>>
        %dma_wait3A_151 = arith.constant 0 : i32
        %dma_wait3A_152 = arith.constant 0 : i32
        %dma_wait3A_153 = tpu.memref_slice %arg16[%dma_wait3A_151, %dma_wait3A_152] : memref<10112x64xf32, #tpu.memory_space<vmem_shared>> -> memref<10112x64xf32, #tpu.memory_space<vmem_shared>>
        tpu.wait_indirect_dma semaphore(%run_scoped3A_141 : memref<!tpu.dma_semaphore, #tpu.memory_space<semaphore_mem>>) src(%arg11 : memref<128x64xf32, #tpu.memory_space<vmem>>) dst(%dma_wait3A_153 : memref<10112x64xf32, #tpu.memory_space<vmem_shared>>)
        tpu.yield
      }) : () -> ()
      %dma_wait3A_68 = arith.constant 76 : i32
      %dma_wait3A_69 = arith.constant 0 : i32
      %dma_wait3A_70 = tpu.memref_slice %arg10[%dma_wait3A_68, %dma_wait3A_69] : memref<80x128xi32, #tpu.memory_space<vmem>> -> memref<1x128xi32, #tpu.memory_space<vmem>>
      %dma_wait3A_71 = tpu.memref_squeeze %dma_wait3A_70 : memref<1x128xi32, #tpu.memory_space<vmem>> -> memref<128xi32, #tpu.memory_space<vmem>>
      %dma_wait3A_72 = arith.constant 0 : i32
      %dma_wait3A_73 = arith.constant 0 : i32
      %dma_wait3A_74 = tpu.memref_slice %arg17[%dma_wait3A_72, %dma_wait3A_73] : memref<10112x8xf32, #tpu.memory_space<vmem_shared>> -> memref<10112x8xf32, #tpu.memory_space<vmem_shared>>
      tpu.wait_indirect_dma semaphore(%arg22 : memref<!tpu.dma_semaphore, #tpu.memory_space<semaphore_mem>>) src(%arg15 : memref<128x8xf32, #tpu.memory_space<vmem>>) dst(%dma_wait3A_74 : memref<10112x8xf32, #tpu.memory_space<vmem_shared>>)
      %dma_wait3A_75 = arith.constant 77 : i32
      %dma_wait3A_76 = arith.constant 0 : i32
      %dma_wait3A_77 = tpu.memref_slice %arg9[%dma_wait3A_75, %dma_wait3A_76] : memref<80x128xi32, #tpu.memory_space<vmem>> -> memref<1x128xi32, #tpu.memory_space<vmem>>
      %dma_wait3A_78 = tpu.memref_squeeze %dma_wait3A_77 : memref<1x128xi32, #tpu.memory_space<vmem>> -> memref<128xi32, #tpu.memory_space<vmem>>
      %dma_wait3A_79 = arith.constant 0 : i32
      %dma_wait3A_80 = arith.constant 0 : i32
      %dma_wait3A_81 = tpu.memref_slice %arg2[%dma_wait3A_79, %dma_wait3A_80] : memref<10000x64xf32, #tpu.memory_space<hbm>> -> memref<10000x64xf32, #tpu.memory_space<hbm>>
      tpu.wait_indirect_dma semaphore(%arg19 : memref<!tpu.dma_semaphore, #tpu.memory_space<semaphore_mem>>) src(%dma_wait3A_81 : memref<10000x64xf32, #tpu.memory_space<hbm>>) dst(%arg12 : memref<128x64xf32, #tpu.memory_space<vmem>>)
      %dma_start3A_82 = arith.constant 77 : i32
      %dma_start3A_83 = arith.constant 0 : i32
      %dma_start3A_84 = tpu.memref_slice %arg10[%dma_start3A_82, %dma_start3A_83] : memref<80x128xi32, #tpu.memory_space<vmem>> -> memref<1x128xi32, #tpu.memory_space<vmem>>
      %dma_start3A_85 = tpu.memref_squeeze %dma_start3A_84 : memref<1x128xi32, #tpu.memory_space<vmem>> -> memref<128xi32, #tpu.memory_space<vmem>>
      %dma_start3A_86 = arith.constant 0 : i32
      %dma_start3A_87 = arith.constant 0 : i32
      %dma_start3A_88 = tpu.memref_slice %arg17[%dma_start3A_86, %dma_start3A_87] : memref<10112x8xf32, #tpu.memory_space<vmem_shared>> -> memref<10112x8xf32, #tpu.memory_space<vmem_shared>>
      tpu.enqueue_indirect_dma source(%arg15 : memref<128x8xf32, #tpu.memory_space<vmem>>) target(%dma_start3A_88 : memref<10112x8xf32, #tpu.memory_space<vmem_shared>>) offsets(%dma_start3A_85 : memref<128xi32, #tpu.memory_space<vmem>>) semaphore(%arg22 : memref<!tpu.dma_semaphore, #tpu.memory_space<semaphore_mem>>) {add = true}
      %run_scoped3A_89 = arith.constant 77 : i32
      "tpu.region"() ({
        %run_scoped3A_141 = tpu.sem_alloc : memref<!tpu.dma_semaphore, #tpu.memory_space<semaphore_mem>>
        %dma_start3A_142 = arith.constant 0 : i32
        %dma_start3A_143 = tpu.memref_slice %arg10[%run_scoped3A_89, %dma_start3A_142] : memref<80x128xi32, #tpu.memory_space<vmem>> -> memref<1x128xi32, #tpu.memory_space<vmem>>
        %dma_start3A_144 = tpu.memref_squeeze %dma_start3A_143 : memref<1x128xi32, #tpu.memory_space<vmem>> -> memref<128xi32, #tpu.memory_space<vmem>>
        %dma_start3A_145 = arith.constant 0 : i32
        %dma_start3A_146 = arith.constant 0 : i32
        %dma_start3A_147 = tpu.memref_slice %arg16[%dma_start3A_145, %dma_start3A_146] : memref<10112x64xf32, #tpu.memory_space<vmem_shared>> -> memref<10112x64xf32, #tpu.memory_space<vmem_shared>>
        tpu.enqueue_indirect_dma source(%arg12 : memref<128x64xf32, #tpu.memory_space<vmem>>) target(%dma_start3A_147 : memref<10112x64xf32, #tpu.memory_space<vmem_shared>>) offsets(%dma_start3A_144 : memref<128xi32, #tpu.memory_space<vmem>>) semaphore(%run_scoped3A_141 : memref<!tpu.dma_semaphore, #tpu.memory_space<semaphore_mem>>) {add = true}
        %dma_wait3A_148 = arith.constant 0 : i32
        %dma_wait3A_149 = tpu.memref_slice %arg10[%run_scoped3A_89, %dma_wait3A_148] : memref<80x128xi32, #tpu.memory_space<vmem>> -> memref<1x128xi32, #tpu.memory_space<vmem>>
        %dma_wait3A_150 = tpu.memref_squeeze %dma_wait3A_149 : memref<1x128xi32, #tpu.memory_space<vmem>> -> memref<128xi32, #tpu.memory_space<vmem>>
        %dma_wait3A_151 = arith.constant 0 : i32
        %dma_wait3A_152 = arith.constant 0 : i32
        %dma_wait3A_153 = tpu.memref_slice %arg16[%dma_wait3A_151, %dma_wait3A_152] : memref<10112x64xf32, #tpu.memory_space<vmem_shared>> -> memref<10112x64xf32, #tpu.memory_space<vmem_shared>>
        tpu.wait_indirect_dma semaphore(%run_scoped3A_141 : memref<!tpu.dma_semaphore, #tpu.memory_space<semaphore_mem>>) src(%arg12 : memref<128x64xf32, #tpu.memory_space<vmem>>) dst(%dma_wait3A_153 : memref<10112x64xf32, #tpu.memory_space<vmem_shared>>)
        tpu.yield
      }) : () -> ()
      %dma_wait3A_90 = arith.constant 77 : i32
      %dma_wait3A_91 = arith.constant 0 : i32
      %dma_wait3A_92 = tpu.memref_slice %arg10[%dma_wait3A_90, %dma_wait3A_91] : memref<80x128xi32, #tpu.memory_space<vmem>> -> memref<1x128xi32, #tpu.memory_space<vmem>>
      %dma_wait3A_93 = tpu.memref_squeeze %dma_wait3A_92 : memref<1x128xi32, #tpu.memory_space<vmem>> -> memref<128xi32, #tpu.memory_space<vmem>>
      %dma_wait3A_94 = arith.constant 0 : i32
      %dma_wait3A_95 = arith.constant 0 : i32
      %dma_wait3A_96 = tpu.memref_slice %arg17[%dma_wait3A_94, %dma_wait3A_95] : memref<10112x8xf32, #tpu.memory_space<vmem_shared>> -> memref<10112x8xf32, #tpu.memory_space<vmem_shared>>
      tpu.wait_indirect_dma semaphore(%arg22 : memref<!tpu.dma_semaphore, #tpu.memory_space<semaphore_mem>>) src(%arg15 : memref<128x8xf32, #tpu.memory_space<vmem>>) dst(%dma_wait3A_96 : memref<10112x8xf32, #tpu.memory_space<vmem_shared>>)
      %dma_wait3A_97 = arith.constant 78 : i32
      %dma_wait3A_98 = arith.constant 0 : i32
      %dma_wait3A_99 = tpu.memref_slice %arg9[%dma_wait3A_97, %dma_wait3A_98] : memref<80x128xi32, #tpu.memory_space<vmem>> -> memref<1x128xi32, #tpu.memory_space<vmem>>
      %dma_wait3A_100 = tpu.memref_squeeze %dma_wait3A_99 : memref<1x128xi32, #tpu.memory_space<vmem>> -> memref<128xi32, #tpu.memory_space<vmem>>
      %dma_wait3A_101 = arith.constant 0 : i32
      %dma_wait3A_102 = arith.constant 0 : i32
      %dma_wait3A_103 = tpu.memref_slice %arg2[%dma_wait3A_101, %dma_wait3A_102] : memref<10000x64xf32, #tpu.memory_space<hbm>> -> memref<10000x64xf32, #tpu.memory_space<hbm>>
      tpu.wait_indirect_dma semaphore(%arg20 : memref<!tpu.dma_semaphore, #tpu.memory_space<semaphore_mem>>) src(%dma_wait3A_103 : memref<10000x64xf32, #tpu.memory_space<hbm>>) dst(%arg13 : memref<128x64xf32, #tpu.memory_space<vmem>>)
      %dma_start3A_104 = arith.constant 78 : i32
      %dma_start3A_105 = arith.constant 0 : i32
      %dma_start3A_106 = tpu.memref_slice %arg10[%dma_start3A_104, %dma_start3A_105] : memref<80x128xi32, #tpu.memory_space<vmem>> -> memref<1x128xi32, #tpu.memory_space<vmem>>
      %dma_start3A_107 = tpu.memref_squeeze %dma_start3A_106 : memref<1x128xi32, #tpu.memory_space<vmem>> -> memref<128xi32, #tpu.memory_space<vmem>>
      %dma_start3A_108 = arith.constant 0 : i32
      %dma_start3A_109 = arith.constant 0 : i32
      %dma_start3A_110 = tpu.memref_slice %arg17[%dma_start3A_108, %dma_start3A_109] : memref<10112x8xf32, #tpu.memory_space<vmem_shared>> -> memref<10112x8xf32, #tpu.memory_space<vmem_shared>>
      tpu.enqueue_indirect_dma source(%arg15 : memref<128x8xf32, #tpu.memory_space<vmem>>) target(%dma_start3A_110 : memref<10112x8xf32, #tpu.memory_space<vmem_shared>>) offsets(%dma_start3A_107 : memref<128xi32, #tpu.memory_space<vmem>>) semaphore(%arg22 : memref<!tpu.dma_semaphore, #tpu.memory_space<semaphore_mem>>) {add = true}
      %run_scoped3A_111 = arith.constant 78 : i32
      "tpu.region"() ({
        %run_scoped3A_141 = tpu.sem_alloc : memref<!tpu.dma_semaphore, #tpu.memory_space<semaphore_mem>>
        %dma_start3A_142 = arith.constant 0 : i32
        %dma_start3A_143 = tpu.memref_slice %arg10[%run_scoped3A_111, %dma_start3A_142] : memref<80x128xi32, #tpu.memory_space<vmem>> -> memref<1x128xi32, #tpu.memory_space<vmem>>
        %dma_start3A_144 = tpu.memref_squeeze %dma_start3A_143 : memref<1x128xi32, #tpu.memory_space<vmem>> -> memref<128xi32, #tpu.memory_space<vmem>>
        %dma_start3A_145 = arith.constant 0 : i32
        %dma_start3A_146 = arith.constant 0 : i32
        %dma_start3A_147 = tpu.memref_slice %arg16[%dma_start3A_145, %dma_start3A_146] : memref<10112x64xf32, #tpu.memory_space<vmem_shared>> -> memref<10112x64xf32, #tpu.memory_space<vmem_shared>>
        tpu.enqueue_indirect_dma source(%arg13 : memref<128x64xf32, #tpu.memory_space<vmem>>) target(%dma_start3A_147 : memref<10112x64xf32, #tpu.memory_space<vmem_shared>>) offsets(%dma_start3A_144 : memref<128xi32, #tpu.memory_space<vmem>>) semaphore(%run_scoped3A_141 : memref<!tpu.dma_semaphore, #tpu.memory_space<semaphore_mem>>) {add = true}
        %dma_wait3A_148 = arith.constant 0 : i32
        %dma_wait3A_149 = tpu.memref_slice %arg10[%run_scoped3A_111, %dma_wait3A_148] : memref<80x128xi32, #tpu.memory_space<vmem>> -> memref<1x128xi32, #tpu.memory_space<vmem>>
        %dma_wait3A_150 = tpu.memref_squeeze %dma_wait3A_149 : memref<1x128xi32, #tpu.memory_space<vmem>> -> memref<128xi32, #tpu.memory_space<vmem>>
        %dma_wait3A_151 = arith.constant 0 : i32
        %dma_wait3A_152 = arith.constant 0 : i32
        %dma_wait3A_153 = tpu.memref_slice %arg16[%dma_wait3A_151, %dma_wait3A_152] : memref<10112x64xf32, #tpu.memory_space<vmem_shared>> -> memref<10112x64xf32, #tpu.memory_space<vmem_shared>>
        tpu.wait_indirect_dma semaphore(%run_scoped3A_141 : memref<!tpu.dma_semaphore, #tpu.memory_space<semaphore_mem>>) src(%arg13 : memref<128x64xf32, #tpu.memory_space<vmem>>) dst(%dma_wait3A_153 : memref<10112x64xf32, #tpu.memory_space<vmem_shared>>)
        tpu.yield
      }) : () -> ()
      %dma_wait3A_112 = arith.constant 78 : i32
      %dma_wait3A_113 = arith.constant 0 : i32
      %dma_wait3A_114 = tpu.memref_slice %arg10[%dma_wait3A_112, %dma_wait3A_113] : memref<80x128xi32, #tpu.memory_space<vmem>> -> memref<1x128xi32, #tpu.memory_space<vmem>>
      %dma_wait3A_115 = tpu.memref_squeeze %dma_wait3A_114 : memref<1x128xi32, #tpu.memory_space<vmem>> -> memref<128xi32, #tpu.memory_space<vmem>>
      %dma_wait3A_116 = arith.constant 0 : i32
      %dma_wait3A_117 = arith.constant 0 : i32
      %dma_wait3A_118 = tpu.memref_slice %arg17[%dma_wait3A_116, %dma_wait3A_117] : memref<10112x8xf32, #tpu.memory_space<vmem_shared>> -> memref<10112x8xf32, #tpu.memory_space<vmem_shared>>
      tpu.wait_indirect_dma semaphore(%arg22 : memref<!tpu.dma_semaphore, #tpu.memory_space<semaphore_mem>>) src(%arg15 : memref<128x8xf32, #tpu.memory_space<vmem>>) dst(%dma_wait3A_118 : memref<10112x8xf32, #tpu.memory_space<vmem_shared>>)
      %dma_wait3A_119 = arith.constant 79 : i32
      %dma_wait3A_120 = arith.constant 0 : i32
      %dma_wait3A_121 = tpu.memref_slice %arg9[%dma_wait3A_119, %dma_wait3A_120] : memref<80x128xi32, #tpu.memory_space<vmem>> -> memref<1x128xi32, #tpu.memory_space<vmem>>
      %dma_wait3A_122 = tpu.memref_squeeze %dma_wait3A_121 : memref<1x128xi32, #tpu.memory_space<vmem>> -> memref<128xi32, #tpu.memory_space<vmem>>
      %dma_wait3A_123 = arith.constant 0 : i32
      %dma_wait3A_124 = arith.constant 0 : i32
      %dma_wait3A_125 = tpu.memref_slice %arg2[%dma_wait3A_123, %dma_wait3A_124] : memref<10000x64xf32, #tpu.memory_space<hbm>> -> memref<10000x64xf32, #tpu.memory_space<hbm>>
      tpu.wait_indirect_dma semaphore(%arg21 : memref<!tpu.dma_semaphore, #tpu.memory_space<semaphore_mem>>) src(%dma_wait3A_125 : memref<10000x64xf32, #tpu.memory_space<hbm>>) dst(%arg14 : memref<128x64xf32, #tpu.memory_space<vmem>>)
      %dma_start3A_126 = arith.constant 79 : i32
      %dma_start3A_127 = arith.constant 0 : i32
      %dma_start3A_128 = tpu.memref_slice %arg10[%dma_start3A_126, %dma_start3A_127] : memref<80x128xi32, #tpu.memory_space<vmem>> -> memref<1x128xi32, #tpu.memory_space<vmem>>
      %dma_start3A_129 = tpu.memref_squeeze %dma_start3A_128 : memref<1x128xi32, #tpu.memory_space<vmem>> -> memref<128xi32, #tpu.memory_space<vmem>>
      %dma_start3A_130 = arith.constant 0 : i32
      %dma_start3A_131 = arith.constant 0 : i32
      %dma_start3A_132 = tpu.memref_slice %arg17[%dma_start3A_130, %dma_start3A_131] : memref<10112x8xf32, #tpu.memory_space<vmem_shared>> -> memref<10112x8xf32, #tpu.memory_space<vmem_shared>>
      tpu.enqueue_indirect_dma source(%arg15 : memref<128x8xf32, #tpu.memory_space<vmem>>) target(%dma_start3A_132 : memref<10112x8xf32, #tpu.memory_space<vmem_shared>>) offsets(%dma_start3A_129 : memref<128xi32, #tpu.memory_space<vmem>>) semaphore(%arg22 : memref<!tpu.dma_semaphore, #tpu.memory_space<semaphore_mem>>) {add = true}
      %run_scoped3A_133 = arith.constant 79 : i32
      "tpu.region"() ({
        %run_scoped3A_141 = tpu.sem_alloc : memref<!tpu.dma_semaphore, #tpu.memory_space<semaphore_mem>>
        %dma_start3A_142 = arith.constant 0 : i32
        %dma_start3A_143 = tpu.memref_slice %arg10[%run_scoped3A_133, %dma_start3A_142] : memref<80x128xi32, #tpu.memory_space<vmem>> -> memref<1x128xi32, #tpu.memory_space<vmem>>
        %dma_start3A_144 = tpu.memref_squeeze %dma_start3A_143 : memref<1x128xi32, #tpu.memory_space<vmem>> -> memref<128xi32, #tpu.memory_space<vmem>>
        %dma_start3A_145 = arith.constant 0 : i32
        %dma_start3A_146 = arith.constant 0 : i32
        %dma_start3A_147 = tpu.memref_slice %arg16[%dma_start3A_145, %dma_start3A_146] : memref<10112x64xf32, #tpu.memory_space<vmem_shared>> -> memref<10112x64xf32, #tpu.memory_space<vmem_shared>>
        tpu.enqueue_indirect_dma source(%arg14 : memref<128x64xf32, #tpu.memory_space<vmem>>) target(%dma_start3A_147 : memref<10112x64xf32, #tpu.memory_space<vmem_shared>>) offsets(%dma_start3A_144 : memref<128xi32, #tpu.memory_space<vmem>>) semaphore(%run_scoped3A_141 : memref<!tpu.dma_semaphore, #tpu.memory_space<semaphore_mem>>) {add = true}
        %dma_wait3A_148 = arith.constant 0 : i32
        %dma_wait3A_149 = tpu.memref_slice %arg10[%run_scoped3A_133, %dma_wait3A_148] : memref<80x128xi32, #tpu.memory_space<vmem>> -> memref<1x128xi32, #tpu.memory_space<vmem>>
        %dma_wait3A_150 = tpu.memref_squeeze %dma_wait3A_149 : memref<1x128xi32, #tpu.memory_space<vmem>> -> memref<128xi32, #tpu.memory_space<vmem>>
        %dma_wait3A_151 = arith.constant 0 : i32
        %dma_wait3A_152 = arith.constant 0 : i32
        %dma_wait3A_153 = tpu.memref_slice %arg16[%dma_wait3A_151, %dma_wait3A_152] : memref<10112x64xf32, #tpu.memory_space<vmem_shared>> -> memref<10112x64xf32, #tpu.memory_space<vmem_shared>>
        tpu.wait_indirect_dma semaphore(%run_scoped3A_141 : memref<!tpu.dma_semaphore, #tpu.memory_space<semaphore_mem>>) src(%arg14 : memref<128x64xf32, #tpu.memory_space<vmem>>) dst(%dma_wait3A_153 : memref<10112x64xf32, #tpu.memory_space<vmem_shared>>)
        tpu.yield
      }) : () -> ()
      %dma_wait3A_134 = arith.constant 79 : i32
      %dma_wait3A_135 = arith.constant 0 : i32
      %dma_wait3A_136 = tpu.memref_slice %arg10[%dma_wait3A_134, %dma_wait3A_135] : memref<80x128xi32, #tpu.memory_space<vmem>> -> memref<1x128xi32, #tpu.memory_space<vmem>>
      %dma_wait3A_137 = tpu.memref_squeeze %dma_wait3A_136 : memref<1x128xi32, #tpu.memory_space<vmem>> -> memref<128xi32, #tpu.memory_space<vmem>>
      %dma_wait3A_138 = arith.constant 0 : i32
      %dma_wait3A_139 = arith.constant 0 : i32
      %dma_wait3A_140 = tpu.memref_slice %arg17[%dma_wait3A_138, %dma_wait3A_139] : memref<10112x8xf32, #tpu.memory_space<vmem_shared>> -> memref<10112x8xf32, #tpu.memory_space<vmem_shared>>
      tpu.wait_indirect_dma semaphore(%arg22 : memref<!tpu.dma_semaphore, #tpu.memory_space<semaphore_mem>>) src(%arg15 : memref<128x8xf32, #tpu.memory_space<vmem>>) dst(%dma_wait3A_140 : memref<10112x8xf32, #tpu.memory_space<vmem_shared>>)
    } else {
    }
    %eq3A_5 = arith.constant 1 : i32
    %eq3A_6 = arith.cmpi eq, %arg0, %eq3A_5 : i32
    %convert_element_type3A_7 = arith.extui %eq3A_6 : i1 to i32
    %cond3A_8 = arith.constant 0 : i32
    %cond3A_9 = arith.cmpi ne, %convert_element_type3A_7, %cond3A_8 : i32
    scf.if %cond3A_9 {
      %mul3A_19 = arith.constant 80 : i32
      %mul3A_20 = arith.muli %arg1, %mul3A_19 : i32
      %add3A = arith.constant 1280 : i32
      %add3A_21 = arith.addi %add3A, %mul3A_20 : i32
      %run_scoped3A = arith.constant 0 : i32
      "tpu.region"() ({
        %run_scoped3A_142 = tpu.sem_alloc : memref<!tpu.dma_semaphore, #tpu.memory_space<semaphore_mem>>
        %dma_start3A_143 = arith.constant 0 : i32
        %dma_start3A_144 = arith.constant 0 : i32
        %dma_start3A_145 = tpu.memref_slice %arg9[%dma_start3A_143, %dma_start3A_144] : memref<80x128xi32, #tpu.memory_space<vmem>> -> memref<80x128xi32, #tpu.memory_space<vmem>>
        %dma_start3A_146 = arith.constant 0 : i32
        %dma_start3A_147 = tpu.memref_slice %arg3[%run_scoped3A, %add3A_21, %dma_start3A_146] : memref<2x2560x128xi32, #tpu.memory_space<hbm>> -> memref<1x80x128xi32, #tpu.memory_space<hbm>>
        %dma_start3A_148 = tpu.memref_squeeze %dma_start3A_147 : memref<1x80x128xi32, #tpu.memory_space<hbm>> -> memref<80x128xi32, #tpu.memory_space<hbm>>
        %dma_start3A_149 = arith.constant 0 : i32
        %dma_start3A_150 = arith.constant 0 : i32
        %dma_start3A_151 = tpu.memref_slice %arg9[%dma_start3A_149, %dma_start3A_150] : memref<80x128xi32, #tpu.memory_space<vmem>> -> memref<80x128xi32, #tpu.memory_space<vmem>>
        %dma_start3A_152 = arith.constant 0 : i32
        %dma_start3A_153 = tpu.memref_slice %arg3[%run_scoped3A, %add3A_21, %dma_start3A_152] : memref<2x2560x128xi32, #tpu.memory_space<hbm>> -> memref<1x80x128xi32, #tpu.memory_space<hbm>>
        %dma_start3A_154 = tpu.memref_squeeze %dma_start3A_153 : memref<1x80x128xi32, #tpu.memory_space<hbm>> -> memref<80x128xi32, #tpu.memory_space<hbm>>
        tpu.enqueue_dma source(%dma_start3A_154 : memref<80x128xi32, #tpu.memory_space<hbm>>) target(%dma_start3A_151 : memref<80x128xi32, #tpu.memory_space<vmem>>) target_semaphore(%run_scoped3A_142 : memref<!tpu.dma_semaphore, #tpu.memory_space<semaphore_mem>>)
        %dma_wait3A_155 = arith.constant 0 : i32
        %dma_wait3A_156 = arith.constant 0 : i32
        %dma_wait3A_157 = tpu.memref_slice %arg9[%dma_wait3A_155, %dma_wait3A_156] : memref<80x128xi32, #tpu.memory_space<vmem>> -> memref<80x128xi32, #tpu.memory_space<vmem>>
        %dma_wait3A_158 = arith.constant 0 : i32
        %dma_wait3A_159 = tpu.memref_slice %arg3[%run_scoped3A, %add3A_21, %dma_wait3A_158] : memref<2x2560x128xi32, #tpu.memory_space<hbm>> -> memref<1x80x128xi32, #tpu.memory_space<hbm>>
        %dma_wait3A_160 = tpu.memref_squeeze %dma_wait3A_159 : memref<1x80x128xi32, #tpu.memory_space<hbm>> -> memref<80x128xi32, #tpu.memory_space<hbm>>
        %dma_wait3A_161 = arith.constant 0 : i32
        %dma_wait3A_162 = arith.constant 0 : i32
        %dma_wait3A_163 = tpu.memref_slice %arg9[%dma_wait3A_161, %dma_wait3A_162] : memref<80x128xi32, #tpu.memory_space<vmem>> -> memref<80x128xi32, #tpu.memory_space<vmem>>
        %dma_wait3A_164 = arith.constant 0 : i32
        %dma_wait3A_165 = tpu.memref_slice %arg3[%run_scoped3A, %add3A_21, %dma_wait3A_164] : memref<2x2560x128xi32, #tpu.memory_space<hbm>> -> memref<1x80x128xi32, #tpu.memory_space<hbm>>
        %dma_wait3A_166 = tpu.memref_squeeze %dma_wait3A_165 : memref<1x80x128xi32, #tpu.memory_space<hbm>> -> memref<80x128xi32, #tpu.memory_space<hbm>>
        tpu.wait_dma2 semaphore(%run_scoped3A_142 : memref<!tpu.dma_semaphore, #tpu.memory_space<semaphore_mem>>) src(%dma_wait3A_166 : memref<80x128xi32, #tpu.memory_space<hbm>>) dst(%dma_wait3A_163 : memref<80x128xi32, #tpu.memory_space<vmem>>)
        tpu.yield
      }) : () -> ()
      %run_scoped3A_22 = arith.constant 1 : i32
      "tpu.region"() ({
        %run_scoped3A_142 = tpu.sem_alloc : memref<!tpu.dma_semaphore, #tpu.memory_space<semaphore_mem>>
        %dma_start3A_143 = arith.constant 0 : i32
        %dma_start3A_144 = arith.constant 0 : i32
        %dma_start3A_145 = tpu.memref_slice %arg10[%dma_start3A_143, %dma_start3A_144] : memref<80x128xi32, #tpu.memory_space<vmem>> -> memref<80x128xi32, #tpu.memory_space<vmem>>
        %dma_start3A_146 = arith.constant 0 : i32
        %dma_start3A_147 = tpu.memref_slice %arg3[%run_scoped3A_22, %add3A_21, %dma_start3A_146] : memref<2x2560x128xi32, #tpu.memory_space<hbm>> -> memref<1x80x128xi32, #tpu.memory_space<hbm>>
        %dma_start3A_148 = tpu.memref_squeeze %dma_start3A_147 : memref<1x80x128xi32, #tpu.memory_space<hbm>> -> memref<80x128xi32, #tpu.memory_space<hbm>>
        %dma_start3A_149 = arith.constant 0 : i32
        %dma_start3A_150 = arith.constant 0 : i32
        %dma_start3A_151 = tpu.memref_slice %arg10[%dma_start3A_149, %dma_start3A_150] : memref<80x128xi32, #tpu.memory_space<vmem>> -> memref<80x128xi32, #tpu.memory_space<vmem>>
        %dma_start3A_152 = arith.constant 0 : i32
        %dma_start3A_153 = tpu.memref_slice %arg3[%run_scoped3A_22, %add3A_21, %dma_start3A_152] : memref<2x2560x128xi32, #tpu.memory_space<hbm>> -> memref<1x80x128xi32, #tpu.memory_space<hbm>>
        %dma_start3A_154 = tpu.memref_squeeze %dma_start3A_153 : memref<1x80x128xi32, #tpu.memory_space<hbm>> -> memref<80x128xi32, #tpu.memory_space<hbm>>
        tpu.enqueue_dma source(%dma_start3A_154 : memref<80x128xi32, #tpu.memory_space<hbm>>) target(%dma_start3A_151 : memref<80x128xi32, #tpu.memory_space<vmem>>) target_semaphore(%run_scoped3A_142 : memref<!tpu.dma_semaphore, #tpu.memory_space<semaphore_mem>>)
        %dma_wait3A_155 = arith.constant 0 : i32
        %dma_wait3A_156 = arith.constant 0 : i32
        %dma_wait3A_157 = tpu.memref_slice %arg10[%dma_wait3A_155, %dma_wait3A_156] : memref<80x128xi32, #tpu.memory_space<vmem>> -> memref<80x128xi32, #tpu.memory_space<vmem>>
        %dma_wait3A_158 = arith.constant 0 : i32
        %dma_wait3A_159 = tpu.memref_slice %arg3[%run_scoped3A_22, %add3A_21, %dma_wait3A_158] : memref<2x2560x128xi32, #tpu.memory_space<hbm>> -> memref<1x80x128xi32, #tpu.memory_space<hbm>>
        %dma_wait3A_160 = tpu.memref_squeeze %dma_wait3A_159 : memref<1x80x128xi32, #tpu.memory_space<hbm>> -> memref<80x128xi32, #tpu.memory_space<hbm>>
        %dma_wait3A_161 = arith.constant 0 : i32
        %dma_wait3A_162 = arith.constant 0 : i32
        %dma_wait3A_163 = tpu.memref_slice %arg10[%dma_wait3A_161, %dma_wait3A_162] : memref<80x128xi32, #tpu.memory_space<vmem>> -> memref<80x128xi32, #tpu.memory_space<vmem>>
        %dma_wait3A_164 = arith.constant 0 : i32
        %dma_wait3A_165 = tpu.memref_slice %arg3[%run_scoped3A_22, %add3A_21, %dma_wait3A_164] : memref<2x2560x128xi32, #tpu.memory_space<hbm>> -> memref<1x80x128xi32, #tpu.memory_space<hbm>>
        %dma_wait3A_166 = tpu.memref_squeeze %dma_wait3A_165 : memref<1x80x128xi32, #tpu.memory_space<hbm>> -> memref<80x128xi32, #tpu.memory_space<hbm>>
        tpu.wait_dma2 semaphore(%run_scoped3A_142 : memref<!tpu.dma_semaphore, #tpu.memory_space<semaphore_mem>>) src(%dma_wait3A_166 : memref<80x128xi32, #tpu.memory_space<hbm>>) dst(%dma_wait3A_163 : memref<80x128xi32, #tpu.memory_space<vmem>>)
        tpu.yield
      }) : () -> ()
      %dma_start3A = arith.constant 0 : i32
      %dma_start3A_23 = arith.constant 0 : i32
      %dma_start3A_24 = tpu.memref_slice %arg9[%dma_start3A, %dma_start3A_23] : memref<80x128xi32, #tpu.memory_space<vmem>> -> memref<1x128xi32, #tpu.memory_space<vmem>>
      %dma_start3A_25 = tpu.memref_squeeze %dma_start3A_24 : memref<1x128xi32, #tpu.memory_space<vmem>> -> memref<128xi32, #tpu.memory_space<vmem>>
      %dma_start3A_26 = arith.constant 0 : i32
      %dma_start3A_27 = arith.constant 0 : i32
      %dma_start3A_28 = tpu.memref_slice %arg2[%dma_start3A_26, %dma_start3A_27] : memref<10000x64xf32, #tpu.memory_space<hbm>> -> memref<10000x64xf32, #tpu.memory_space<hbm>>
      tpu.enqueue_indirect_dma source(%dma_start3A_28 : memref<10000x64xf32, #tpu.memory_space<hbm>>) target(%arg11 : memref<128x64xf32, #tpu.memory_space<vmem>>) offsets(%dma_start3A_25 : memref<128xi32, #tpu.memory_space<vmem>>) semaphore(%arg18 : memref<!tpu.dma_semaphore, #tpu.memory_space<semaphore_mem>>)
      %dma_start3A_29 = arith.constant 1 : i32
      %dma_start3A_30 = arith.constant 0 : i32
      %dma_start3A_31 = tpu.memref_slice %arg9[%dma_start3A_29, %dma_start3A_30] : memref<80x128xi32, #tpu.memory_space<vmem>> -> memref<1x128xi32, #tpu.memory_space<vmem>>
      %dma_start3A_32 = tpu.memref_squeeze %dma_start3A_31 : memref<1x128xi32, #tpu.memory_space<vmem>> -> memref<128xi32, #tpu.memory_space<vmem>>
      %dma_start3A_33 = arith.constant 0 : i32
      %dma_start3A_34 = arith.constant 0 : i32
      %dma_start3A_35 = tpu.memref_slice %arg2[%dma_start3A_33, %dma_start3A_34] : memref<10000x64xf32, #tpu.memory_space<hbm>> -> memref<10000x64xf32, #tpu.memory_space<hbm>>
      tpu.enqueue_indirect_dma source(%dma_start3A_35 : memref<10000x64xf32, #tpu.memory_space<hbm>>) target(%arg12 : memref<128x64xf32, #tpu.memory_space<vmem>>) offsets(%dma_start3A_32 : memref<128xi32, #tpu.memory_space<vmem>>) semaphore(%arg19 : memref<!tpu.dma_semaphore, #tpu.memory_space<semaphore_mem>>)
      %dma_start3A_36 = arith.constant 2 : i32
      %dma_start3A_37 = arith.constant 0 : i32
      %dma_start3A_38 = tpu.memref_slice %arg9[%dma_start3A_36, %dma_start3A_37] : memref<80x128xi32, #tpu.memory_space<vmem>> -> memref<1x128xi32, #tpu.memory_space<vmem>>
      %dma_start3A_39 = tpu.memref_squeeze %dma_start3A_38 : memref<1x128xi32, #tpu.memory_space<vmem>> -> memref<128xi32, #tpu.memory_space<vmem>>
      %dma_start3A_40 = arith.constant 0 : i32
      %dma_start3A_41 = arith.constant 0 : i32
      %dma_start3A_42 = tpu.memref_slice %arg2[%dma_start3A_40, %dma_start3A_41] : memref<10000x64xf32, #tpu.memory_space<hbm>> -> memref<10000x64xf32, #tpu.memory_space<hbm>>
      tpu.enqueue_indirect_dma source(%dma_start3A_42 : memref<10000x64xf32, #tpu.memory_space<hbm>>) target(%arg13 : memref<128x64xf32, #tpu.memory_space<vmem>>) offsets(%dma_start3A_39 : memref<128xi32, #tpu.memory_space<vmem>>) semaphore(%arg20 : memref<!tpu.dma_semaphore, #tpu.memory_space<semaphore_mem>>)
      %dma_start3A_43 = arith.constant 3 : i32
      %dma_start3A_44 = arith.constant 0 : i32
      %dma_start3A_45 = tpu.memref_slice %arg9[%dma_start3A_43, %dma_start3A_44] : memref<80x128xi32, #tpu.memory_space<vmem>> -> memref<1x128xi32, #tpu.memory_space<vmem>>
      %dma_start3A_46 = tpu.memref_squeeze %dma_start3A_45 : memref<1x128xi32, #tpu.memory_space<vmem>> -> memref<128xi32, #tpu.memory_space<vmem>>
      %dma_start3A_47 = arith.constant 0 : i32
      %dma_start3A_48 = arith.constant 0 : i32
      %dma_start3A_49 = tpu.memref_slice %arg2[%dma_start3A_47, %dma_start3A_48] : memref<10000x64xf32, #tpu.memory_space<hbm>> -> memref<10000x64xf32, #tpu.memory_space<hbm>>
      tpu.enqueue_indirect_dma source(%dma_start3A_49 : memref<10000x64xf32, #tpu.memory_space<hbm>>) target(%arg14 : memref<128x64xf32, #tpu.memory_space<vmem>>) offsets(%dma_start3A_46 : memref<128xi32, #tpu.memory_space<vmem>>) semaphore(%arg21 : memref<!tpu.dma_semaphore, #tpu.memory_space<semaphore_mem>>)
      %scan3A = arith.constant 0 : i32
      %scan3A_50 = arith.constant 0 : i32
      %scan3A_51 = arith.constant 19 : i32
      %scan3A_52 = arith.addi %scan3A_50, %scan3A_51 : i32
      %scan3A_53 = arith.constant 1 : i32
      scf.for %scan3A_142 = %scan3A_50 to %scan3A_52 step %scan3A_53  : i32 {
        %mul3A_143 = arith.constant 4 : i32
        %mul3A_144 = arith.muli %mul3A_143, %scan3A_142 : i32
        %add3A_145 = arith.constant 0 : i32
        %add3A_146 = arith.addi %mul3A_144, %add3A_145 : i32
        %dma_wait3A_147 = arith.constant 0 : i32
        %dma_wait3A_148 = tpu.memref_slice %arg9[%add3A_146, %dma_wait3A_147] : memref<80x128xi32, #tpu.memory_space<vmem>> -> memref<1x128xi32, #tpu.memory_space<vmem>>
        %dma_wait3A_149 = tpu.memref_squeeze %dma_wait3A_148 : memref<1x128xi32, #tpu.memory_space<vmem>> -> memref<128xi32, #tpu.memory_space<vmem>>
        %dma_wait3A_150 = arith.constant 0 : i32
        %dma_wait3A_151 = arith.constant 0 : i32
        %dma_wait3A_152 = tpu.memref_slice %arg2[%dma_wait3A_150, %dma_wait3A_151] : memref<10000x64xf32, #tpu.memory_space<hbm>> -> memref<10000x64xf32, #tpu.memory_space<hbm>>
        tpu.wait_indirect_dma semaphore(%arg18 : memref<!tpu.dma_semaphore, #tpu.memory_space<semaphore_mem>>) src(%dma_wait3A_152 : memref<10000x64xf32, #tpu.memory_space<hbm>>) dst(%arg11 : memref<128x64xf32, #tpu.memory_space<vmem>>)
        %dma_start3A_153 = arith.constant 0 : i32
        %dma_start3A_154 = tpu.memref_slice %arg10[%add3A_146, %dma_start3A_153] : memref<80x128xi32, #tpu.memory_space<vmem>> -> memref<1x128xi32, #tpu.memory_space<vmem>>
        %dma_start3A_155 = tpu.memref_squeeze %dma_start3A_154 : memref<1x128xi32, #tpu.memory_space<vmem>> -> memref<128xi32, #tpu.memory_space<vmem>>
        %dma_start3A_156 = arith.constant 0 : i32
        %dma_start3A_157 = arith.constant 0 : i32
        %dma_start3A_158 = tpu.memref_slice %arg17[%dma_start3A_156, %dma_start3A_157] : memref<10112x8xf32, #tpu.memory_space<vmem_shared>> -> memref<10112x8xf32, #tpu.memory_space<vmem_shared>>
        tpu.enqueue_indirect_dma source(%arg15 : memref<128x8xf32, #tpu.memory_space<vmem>>) target(%dma_start3A_158 : memref<10112x8xf32, #tpu.memory_space<vmem_shared>>) offsets(%dma_start3A_155 : memref<128xi32, #tpu.memory_space<vmem>>) semaphore(%arg22 : memref<!tpu.dma_semaphore, #tpu.memory_space<semaphore_mem>>) {add = true}
        "tpu.region"() ({
          %run_scoped3A_265 = tpu.sem_alloc : memref<!tpu.dma_semaphore, #tpu.memory_space<semaphore_mem>>
          %dma_start3A_266 = arith.constant 0 : i32
          %dma_start3A_267 = tpu.memref_slice %arg10[%add3A_146, %dma_start3A_266] : memref<80x128xi32, #tpu.memory_space<vmem>> -> memref<1x128xi32, #tpu.memory_space<vmem>>
          %dma_start3A_268 = tpu.memref_squeeze %dma_start3A_267 : memref<1x128xi32, #tpu.memory_space<vmem>> -> memref<128xi32, #tpu.memory_space<vmem>>
          %dma_start3A_269 = arith.constant 0 : i32
          %dma_start3A_270 = arith.constant 0 : i32
          %dma_start3A_271 = tpu.memref_slice %arg16[%dma_start3A_269, %dma_start3A_270] : memref<10112x64xf32, #tpu.memory_space<vmem_shared>> -> memref<10112x64xf32, #tpu.memory_space<vmem_shared>>
          tpu.enqueue_indirect_dma source(%arg11 : memref<128x64xf32, #tpu.memory_space<vmem>>) target(%dma_start3A_271 : memref<10112x64xf32, #tpu.memory_space<vmem_shared>>) offsets(%dma_start3A_268 : memref<128xi32, #tpu.memory_space<vmem>>) semaphore(%run_scoped3A_265 : memref<!tpu.dma_semaphore, #tpu.memory_space<semaphore_mem>>) {add = true}
          %dma_wait3A_272 = arith.constant 0 : i32
          %dma_wait3A_273 = tpu.memref_slice %arg10[%add3A_146, %dma_wait3A_272] : memref<80x128xi32, #tpu.memory_space<vmem>> -> memref<1x128xi32, #tpu.memory_space<vmem>>
          %dma_wait3A_274 = tpu.memref_squeeze %dma_wait3A_273 : memref<1x128xi32, #tpu.memory_space<vmem>> -> memref<128xi32, #tpu.memory_space<vmem>>
          %dma_wait3A_275 = arith.constant 0 : i32
          %dma_wait3A_276 = arith.constant 0 : i32
          %dma_wait3A_277 = tpu.memref_slice %arg16[%dma_wait3A_275, %dma_wait3A_276] : memref<10112x64xf32, #tpu.memory_space<vmem_shared>> -> memref<10112x64xf32, #tpu.memory_space<vmem_shared>>
          tpu.wait_indirect_dma semaphore(%run_scoped3A_265 : memref<!tpu.dma_semaphore, #tpu.memory_space<semaphore_mem>>) src(%arg11 : memref<128x64xf32, #tpu.memory_space<vmem>>) dst(%dma_wait3A_277 : memref<10112x64xf32, #tpu.memory_space<vmem_shared>>)
          tpu.yield
        }) : () -> ()
        %dma_wait3A_159 = arith.constant 0 : i32
        %dma_wait3A_160 = tpu.memref_slice %arg10[%add3A_146, %dma_wait3A_159] : memref<80x128xi32, #tpu.memory_space<vmem>> -> memref<1x128xi32, #tpu.memory_space<vmem>>
        %dma_wait3A_161 = tpu.memref_squeeze %dma_wait3A_160 : memref<1x128xi32, #tpu.memory_space<vmem>> -> memref<128xi32, #tpu.memory_space<vmem>>
        %dma_wait3A_162 = arith.constant 0 : i32
        %dma_wait3A_163 = arith.constant 0 : i32
        %dma_wait3A_164 = tpu.memref_slice %arg17[%dma_wait3A_162, %dma_wait3A_163] : memref<10112x8xf32, #tpu.memory_space<vmem_shared>> -> memref<10112x8xf32, #tpu.memory_space<vmem_shared>>
        tpu.wait_indirect_dma semaphore(%arg22 : memref<!tpu.dma_semaphore, #tpu.memory_space<semaphore_mem>>) src(%arg15 : memref<128x8xf32, #tpu.memory_space<vmem>>) dst(%dma_wait3A_164 : memref<10112x8xf32, #tpu.memory_space<vmem_shared>>)
        %add3A_165 = arith.constant 4 : i32
        %add3A_166 = arith.addi %mul3A_144, %add3A_165 : i32
        %add3A_167 = arith.constant 0 : i32
        %add3A_168 = arith.addi %add3A_166, %add3A_167 : i32
        %dma_start3A_169 = arith.constant 0 : i32
        %dma_start3A_170 = tpu.memref_slice %arg9[%add3A_168, %dma_start3A_169] : memref<80x128xi32, #tpu.memory_space<vmem>> -> memref<1x128xi32, #tpu.memory_space<vmem>>
        %dma_start3A_171 = tpu.memref_squeeze %dma_start3A_170 : memref<1x128xi32, #tpu.memory_space<vmem>> -> memref<128xi32, #tpu.memory_space<vmem>>
        %dma_start3A_172 = arith.constant 0 : i32
        %dma_start3A_173 = arith.constant 0 : i32
        %dma_start3A_174 = tpu.memref_slice %arg2[%dma_start3A_172, %dma_start3A_173] : memref<10000x64xf32, #tpu.memory_space<hbm>> -> memref<10000x64xf32, #tpu.memory_space<hbm>>
        tpu.enqueue_indirect_dma source(%dma_start3A_174 : memref<10000x64xf32, #tpu.memory_space<hbm>>) target(%arg11 : memref<128x64xf32, #tpu.memory_space<vmem>>) offsets(%dma_start3A_171 : memref<128xi32, #tpu.memory_space<vmem>>) semaphore(%arg18 : memref<!tpu.dma_semaphore, #tpu.memory_space<semaphore_mem>>)
        %add3A_175 = arith.constant 1 : i32
        %add3A_176 = arith.addi %mul3A_144, %add3A_175 : i32
        %dma_wait3A_177 = arith.constant 0 : i32
        %dma_wait3A_178 = tpu.memref_slice %arg9[%add3A_176, %dma_wait3A_177] : memref<80x128xi32, #tpu.memory_space<vmem>> -> memref<1x128xi32, #tpu.memory_space<vmem>>
        %dma_wait3A_179 = tpu.memref_squeeze %dma_wait3A_178 : memref<1x128xi32, #tpu.memory_space<vmem>> -> memref<128xi32, #tpu.memory_space<vmem>>
        %dma_wait3A_180 = arith.constant 0 : i32
        %dma_wait3A_181 = arith.constant 0 : i32
        %dma_wait3A_182 = tpu.memref_slice %arg2[%dma_wait3A_180, %dma_wait3A_181] : memref<10000x64xf32, #tpu.memory_space<hbm>> -> memref<10000x64xf32, #tpu.memory_space<hbm>>
        tpu.wait_indirect_dma semaphore(%arg19 : memref<!tpu.dma_semaphore, #tpu.memory_space<semaphore_mem>>) src(%dma_wait3A_182 : memref<10000x64xf32, #tpu.memory_space<hbm>>) dst(%arg12 : memref<128x64xf32, #tpu.memory_space<vmem>>)
        %dma_start3A_183 = arith.constant 0 : i32
        %dma_start3A_184 = tpu.memref_slice %arg10[%add3A_176, %dma_start3A_183] : memref<80x128xi32, #tpu.memory_space<vmem>> -> memref<1x128xi32, #tpu.memory_space<vmem>>
        %dma_start3A_185 = tpu.memref_squeeze %dma_start3A_184 : memref<1x128xi32, #tpu.memory_space<vmem>> -> memref<128xi32, #tpu.memory_space<vmem>>
        %dma_start3A_186 = arith.constant 0 : i32
        %dma_start3A_187 = arith.constant 0 : i32
        %dma_start3A_188 = tpu.memref_slice %arg17[%dma_start3A_186, %dma_start3A_187] : memref<10112x8xf32, #tpu.memory_space<vmem_shared>> -> memref<10112x8xf32, #tpu.memory_space<vmem_shared>>
        tpu.enqueue_indirect_dma source(%arg15 : memref<128x8xf32, #tpu.memory_space<vmem>>) target(%dma_start3A_188 : memref<10112x8xf32, #tpu.memory_space<vmem_shared>>) offsets(%dma_start3A_185 : memref<128xi32, #tpu.memory_space<vmem>>) semaphore(%arg22 : memref<!tpu.dma_semaphore, #tpu.memory_space<semaphore_mem>>) {add = true}
        "tpu.region"() ({
          %run_scoped3A_265 = tpu.sem_alloc : memref<!tpu.dma_semaphore, #tpu.memory_space<semaphore_mem>>
          %dma_start3A_266 = arith.constant 0 : i32
          %dma_start3A_267 = tpu.memref_slice %arg10[%add3A_176, %dma_start3A_266] : memref<80x128xi32, #tpu.memory_space<vmem>> -> memref<1x128xi32, #tpu.memory_space<vmem>>
          %dma_start3A_268 = tpu.memref_squeeze %dma_start3A_267 : memref<1x128xi32, #tpu.memory_space<vmem>> -> memref<128xi32, #tpu.memory_space<vmem>>
          %dma_start3A_269 = arith.constant 0 : i32
          %dma_start3A_270 = arith.constant 0 : i32
          %dma_start3A_271 = tpu.memref_slice %arg16[%dma_start3A_269, %dma_start3A_270] : memref<10112x64xf32, #tpu.memory_space<vmem_shared>> -> memref<10112x64xf32, #tpu.memory_space<vmem_shared>>
          tpu.enqueue_indirect_dma source(%arg12 : memref<128x64xf32, #tpu.memory_space<vmem>>) target(%dma_start3A_271 : memref<10112x64xf32, #tpu.memory_space<vmem_shared>>) offsets(%dma_start3A_268 : memref<128xi32, #tpu.memory_space<vmem>>) semaphore(%run_scoped3A_265 : memref<!tpu.dma_semaphore, #tpu.memory_space<semaphore_mem>>) {add = true}
          %dma_wait3A_272 = arith.constant 0 : i32
          %dma_wait3A_273 = tpu.memref_slice %arg10[%add3A_176, %dma_wait3A_272] : memref<80x128xi32, #tpu.memory_space<vmem>> -> memref<1x128xi32, #tpu.memory_space<vmem>>
          %dma_wait3A_274 = tpu.memref_squeeze %dma_wait3A_273 : memref<1x128xi32, #tpu.memory_space<vmem>> -> memref<128xi32, #tpu.memory_space<vmem>>
          %dma_wait3A_275 = arith.constant 0 : i32
          %dma_wait3A_276 = arith.constant 0 : i32
          %dma_wait3A_277 = tpu.memref_slice %arg16[%dma_wait3A_275, %dma_wait3A_276] : memref<10112x64xf32, #tpu.memory_space<vmem_shared>> -> memref<10112x64xf32, #tpu.memory_space<vmem_shared>>
          tpu.wait_indirect_dma semaphore(%run_scoped3A_265 : memref<!tpu.dma_semaphore, #tpu.memory_space<semaphore_mem>>) src(%arg12 : memref<128x64xf32, #tpu.memory_space<vmem>>) dst(%dma_wait3A_277 : memref<10112x64xf32, #tpu.memory_space<vmem_shared>>)
          tpu.yield
        }) : () -> ()
        %dma_wait3A_189 = arith.constant 0 : i32
        %dma_wait3A_190 = tpu.memref_slice %arg10[%add3A_176, %dma_wait3A_189] : memref<80x128xi32, #tpu.memory_space<vmem>> -> memref<1x128xi32, #tpu.memory_space<vmem>>
        %dma_wait3A_191 = tpu.memref_squeeze %dma_wait3A_190 : memref<1x128xi32, #tpu.memory_space<vmem>> -> memref<128xi32, #tpu.memory_space<vmem>>
        %dma_wait3A_192 = arith.constant 0 : i32
        %dma_wait3A_193 = arith.constant 0 : i32
        %dma_wait3A_194 = tpu.memref_slice %arg17[%dma_wait3A_192, %dma_wait3A_193] : memref<10112x8xf32, #tpu.memory_space<vmem_shared>> -> memref<10112x8xf32, #tpu.memory_space<vmem_shared>>
        tpu.wait_indirect_dma semaphore(%arg22 : memref<!tpu.dma_semaphore, #tpu.memory_space<semaphore_mem>>) src(%arg15 : memref<128x8xf32, #tpu.memory_space<vmem>>) dst(%dma_wait3A_194 : memref<10112x8xf32, #tpu.memory_space<vmem_shared>>)
        %add3A_195 = arith.constant 4 : i32
        %add3A_196 = arith.addi %mul3A_144, %add3A_195 : i32
        %add3A_197 = arith.constant 1 : i32
        %add3A_198 = arith.addi %add3A_196, %add3A_197 : i32
        %dma_start3A_199 = arith.constant 0 : i32
        %dma_start3A_200 = tpu.memref_slice %arg9[%add3A_198, %dma_start3A_199] : memref<80x128xi32, #tpu.memory_space<vmem>> -> memref<1x128xi32, #tpu.memory_space<vmem>>
        %dma_start3A_201 = tpu.memref_squeeze %dma_start3A_200 : memref<1x128xi32, #tpu.memory_space<vmem>> -> memref<128xi32, #tpu.memory_space<vmem>>
        %dma_start3A_202 = arith.constant 0 : i32
        %dma_start3A_203 = arith.constant 0 : i32
        %dma_start3A_204 = tpu.memref_slice %arg2[%dma_start3A_202, %dma_start3A_203] : memref<10000x64xf32, #tpu.memory_space<hbm>> -> memref<10000x64xf32, #tpu.memory_space<hbm>>
        tpu.enqueue_indirect_dma source(%dma_start3A_204 : memref<10000x64xf32, #tpu.memory_space<hbm>>) target(%arg12 : memref<128x64xf32, #tpu.memory_space<vmem>>) offsets(%dma_start3A_201 : memref<128xi32, #tpu.memory_space<vmem>>) semaphore(%arg19 : memref<!tpu.dma_semaphore, #tpu.memory_space<semaphore_mem>>)
        %add3A_205 = arith.constant 2 : i32
        %add3A_206 = arith.addi %mul3A_144, %add3A_205 : i32
        %dma_wait3A_207 = arith.constant 0 : i32
        %dma_wait3A_208 = tpu.memref_slice %arg9[%add3A_206, %dma_wait3A_207] : memref<80x128xi32, #tpu.memory_space<vmem>> -> memref<1x128xi32, #tpu.memory_space<vmem>>
        %dma_wait3A_209 = tpu.memref_squeeze %dma_wait3A_208 : memref<1x128xi32, #tpu.memory_space<vmem>> -> memref<128xi32, #tpu.memory_space<vmem>>
        %dma_wait3A_210 = arith.constant 0 : i32
        %dma_wait3A_211 = arith.constant 0 : i32
        %dma_wait3A_212 = tpu.memref_slice %arg2[%dma_wait3A_210, %dma_wait3A_211] : memref<10000x64xf32, #tpu.memory_space<hbm>> -> memref<10000x64xf32, #tpu.memory_space<hbm>>
        tpu.wait_indirect_dma semaphore(%arg20 : memref<!tpu.dma_semaphore, #tpu.memory_space<semaphore_mem>>) src(%dma_wait3A_212 : memref<10000x64xf32, #tpu.memory_space<hbm>>) dst(%arg13 : memref<128x64xf32, #tpu.memory_space<vmem>>)
        %dma_start3A_213 = arith.constant 0 : i32
        %dma_start3A_214 = tpu.memref_slice %arg10[%add3A_206, %dma_start3A_213] : memref<80x128xi32, #tpu.memory_space<vmem>> -> memref<1x128xi32, #tpu.memory_space<vmem>>
        %dma_start3A_215 = tpu.memref_squeeze %dma_start3A_214 : memref<1x128xi32, #tpu.memory_space<vmem>> -> memref<128xi32, #tpu.memory_space<vmem>>
        %dma_start3A_216 = arith.constant 0 : i32
        %dma_start3A_217 = arith.constant 0 : i32
        %dma_start3A_218 = tpu.memref_slice %arg17[%dma_start3A_216, %dma_start3A_217] : memref<10112x8xf32, #tpu.memory_space<vmem_shared>> -> memref<10112x8xf32, #tpu.memory_space<vmem_shared>>
        tpu.enqueue_indirect_dma source(%arg15 : memref<128x8xf32, #tpu.memory_space<vmem>>) target(%dma_start3A_218 : memref<10112x8xf32, #tpu.memory_space<vmem_shared>>) offsets(%dma_start3A_215 : memref<128xi32, #tpu.memory_space<vmem>>) semaphore(%arg22 : memref<!tpu.dma_semaphore, #tpu.memory_space<semaphore_mem>>) {add = true}
        "tpu.region"() ({
          %run_scoped3A_265 = tpu.sem_alloc : memref<!tpu.dma_semaphore, #tpu.memory_space<semaphore_mem>>
          %dma_start3A_266 = arith.constant 0 : i32
          %dma_start3A_267 = tpu.memref_slice %arg10[%add3A_206, %dma_start3A_266] : memref<80x128xi32, #tpu.memory_space<vmem>> -> memref<1x128xi32, #tpu.memory_space<vmem>>
          %dma_start3A_268 = tpu.memref_squeeze %dma_start3A_267 : memref<1x128xi32, #tpu.memory_space<vmem>> -> memref<128xi32, #tpu.memory_space<vmem>>
          %dma_start3A_269 = arith.constant 0 : i32
          %dma_start3A_270 = arith.constant 0 : i32
          %dma_start3A_271 = tpu.memref_slice %arg16[%dma_start3A_269, %dma_start3A_270] : memref<10112x64xf32, #tpu.memory_space<vmem_shared>> -> memref<10112x64xf32, #tpu.memory_space<vmem_shared>>
          tpu.enqueue_indirect_dma source(%arg13 : memref<128x64xf32, #tpu.memory_space<vmem>>) target(%dma_start3A_271 : memref<10112x64xf32, #tpu.memory_space<vmem_shared>>) offsets(%dma_start3A_268 : memref<128xi32, #tpu.memory_space<vmem>>) semaphore(%run_scoped3A_265 : memref<!tpu.dma_semaphore, #tpu.memory_space<semaphore_mem>>) {add = true}
          %dma_wait3A_272 = arith.constant 0 : i32
          %dma_wait3A_273 = tpu.memref_slice %arg10[%add3A_206, %dma_wait3A_272] : memref<80x128xi32, #tpu.memory_space<vmem>> -> memref<1x128xi32, #tpu.memory_space<vmem>>
          %dma_wait3A_274 = tpu.memref_squeeze %dma_wait3A_273 : memref<1x128xi32, #tpu.memory_space<vmem>> -> memref<128xi32, #tpu.memory_space<vmem>>
          %dma_wait3A_275 = arith.constant 0 : i32
          %dma_wait3A_276 = arith.constant 0 : i32
          %dma_wait3A_277 = tpu.memref_slice %arg16[%dma_wait3A_275, %dma_wait3A_276] : memref<10112x64xf32, #tpu.memory_space<vmem_shared>> -> memref<10112x64xf32, #tpu.memory_space<vmem_shared>>
          tpu.wait_indirect_dma semaphore(%run_scoped3A_265 : memref<!tpu.dma_semaphore, #tpu.memory_space<semaphore_mem>>) src(%arg13 : memref<128x64xf32, #tpu.memory_space<vmem>>) dst(%dma_wait3A_277 : memref<10112x64xf32, #tpu.memory_space<vmem_shared>>)
          tpu.yield
        }) : () -> ()
        %dma_wait3A_219 = arith.constant 0 : i32
        %dma_wait3A_220 = tpu.memref_slice %arg10[%add3A_206, %dma_wait3A_219] : memref<80x128xi32, #tpu.memory_space<vmem>> -> memref<1x128xi32, #tpu.memory_space<vmem>>
        %dma_wait3A_221 = tpu.memref_squeeze %dma_wait3A_220 : memref<1x128xi32, #tpu.memory_space<vmem>> -> memref<128xi32, #tpu.memory_space<vmem>>
        %dma_wait3A_222 = arith.constant 0 : i32
        %dma_wait3A_223 = arith.constant 0 : i32
        %dma_wait3A_224 = tpu.memref_slice %arg17[%dma_wait3A_222, %dma_wait3A_223] : memref<10112x8xf32, #tpu.memory_space<vmem_shared>> -> memref<10112x8xf32, #tpu.memory_space<vmem_shared>>
        tpu.wait_indirect_dma semaphore(%arg22 : memref<!tpu.dma_semaphore, #tpu.memory_space<semaphore_mem>>) src(%arg15 : memref<128x8xf32, #tpu.memory_space<vmem>>) dst(%dma_wait3A_224 : memref<10112x8xf32, #tpu.memory_space<vmem_shared>>)
        %add3A_225 = arith.constant 4 : i32
        %add3A_226 = arith.addi %mul3A_144, %add3A_225 : i32
        %add3A_227 = arith.constant 2 : i32
        %add3A_228 = arith.addi %add3A_226, %add3A_227 : i32
        %dma_start3A_229 = arith.constant 0 : i32
        %dma_start3A_230 = tpu.memref_slice %arg9[%add3A_228, %dma_start3A_229] : memref<80x128xi32, #tpu.memory_space<vmem>> -> memref<1x128xi32, #tpu.memory_space<vmem>>
        %dma_start3A_231 = tpu.memref_squeeze %dma_start3A_230 : memref<1x128xi32, #tpu.memory_space<vmem>> -> memref<128xi32, #tpu.memory_space<vmem>>
        %dma_start3A_232 = arith.constant 0 : i32
        %dma_start3A_233 = arith.constant 0 : i32
        %dma_start3A_234 = tpu.memref_slice %arg2[%dma_start3A_232, %dma_start3A_233] : memref<10000x64xf32, #tpu.memory_space<hbm>> -> memref<10000x64xf32, #tpu.memory_space<hbm>>
        tpu.enqueue_indirect_dma source(%dma_start3A_234 : memref<10000x64xf32, #tpu.memory_space<hbm>>) target(%arg13 : memref<128x64xf32, #tpu.memory_space<vmem>>) offsets(%dma_start3A_231 : memref<128xi32, #tpu.memory_space<vmem>>) semaphore(%arg20 : memref<!tpu.dma_semaphore, #tpu.memory_space<semaphore_mem>>)
        %add3A_235 = arith.constant 3 : i32
        %add3A_236 = arith.addi %mul3A_144, %add3A_235 : i32
        %dma_wait3A_237 = arith.constant 0 : i32
        %dma_wait3A_238 = tpu.memref_slice %arg9[%add3A_236, %dma_wait3A_237] : memref<80x128xi32, #tpu.memory_space<vmem>> -> memref<1x128xi32, #tpu.memory_space<vmem>>
        %dma_wait3A_239 = tpu.memref_squeeze %dma_wait3A_238 : memref<1x128xi32, #tpu.memory_space<vmem>> -> memref<128xi32, #tpu.memory_space<vmem>>
        %dma_wait3A_240 = arith.constant 0 : i32
        %dma_wait3A_241 = arith.constant 0 : i32
        %dma_wait3A_242 = tpu.memref_slice %arg2[%dma_wait3A_240, %dma_wait3A_241] : memref<10000x64xf32, #tpu.memory_space<hbm>> -> memref<10000x64xf32, #tpu.memory_space<hbm>>
        tpu.wait_indirect_dma semaphore(%arg21 : memref<!tpu.dma_semaphore, #tpu.memory_space<semaphore_mem>>) src(%dma_wait3A_242 : memref<10000x64xf32, #tpu.memory_space<hbm>>) dst(%arg14 : memref<128x64xf32, #tpu.memory_space<vmem>>)
        %dma_start3A_243 = arith.constant 0 : i32
        %dma_start3A_244 = tpu.memref_slice %arg10[%add3A_236, %dma_start3A_243] : memref<80x128xi32, #tpu.memory_space<vmem>> -> memref<1x128xi32, #tpu.memory_space<vmem>>
        %dma_start3A_245 = tpu.memref_squeeze %dma_start3A_244 : memref<1x128xi32, #tpu.memory_space<vmem>> -> memref<128xi32, #tpu.memory_space<vmem>>
        %dma_start3A_246 = arith.constant 0 : i32
        %dma_start3A_247 = arith.constant 0 : i32
        %dma_start3A_248 = tpu.memref_slice %arg17[%dma_start3A_246, %dma_start3A_247] : memref<10112x8xf32, #tpu.memory_space<vmem_shared>> -> memref<10112x8xf32, #tpu.memory_space<vmem_shared>>
        tpu.enqueue_indirect_dma source(%arg15 : memref<128x8xf32, #tpu.memory_space<vmem>>) target(%dma_start3A_248 : memref<10112x8xf32, #tpu.memory_space<vmem_shared>>) offsets(%dma_start3A_245 : memref<128xi32, #tpu.memory_space<vmem>>) semaphore(%arg22 : memref<!tpu.dma_semaphore, #tpu.memory_space<semaphore_mem>>) {add = true}
        "tpu.region"() ({
          %run_scoped3A_265 = tpu.sem_alloc : memref<!tpu.dma_semaphore, #tpu.memory_space<semaphore_mem>>
          %dma_start3A_266 = arith.constant 0 : i32
          %dma_start3A_267 = tpu.memref_slice %arg10[%add3A_236, %dma_start3A_266] : memref<80x128xi32, #tpu.memory_space<vmem>> -> memref<1x128xi32, #tpu.memory_space<vmem>>
          %dma_start3A_268 = tpu.memref_squeeze %dma_start3A_267 : memref<1x128xi32, #tpu.memory_space<vmem>> -> memref<128xi32, #tpu.memory_space<vmem>>
          %dma_start3A_269 = arith.constant 0 : i32
          %dma_start3A_270 = arith.constant 0 : i32
          %dma_start3A_271 = tpu.memref_slice %arg16[%dma_start3A_269, %dma_start3A_270] : memref<10112x64xf32, #tpu.memory_space<vmem_shared>> -> memref<10112x64xf32, #tpu.memory_space<vmem_shared>>
          tpu.enqueue_indirect_dma source(%arg14 : memref<128x64xf32, #tpu.memory_space<vmem>>) target(%dma_start3A_271 : memref<10112x64xf32, #tpu.memory_space<vmem_shared>>) offsets(%dma_start3A_268 : memref<128xi32, #tpu.memory_space<vmem>>) semaphore(%run_scoped3A_265 : memref<!tpu.dma_semaphore, #tpu.memory_space<semaphore_mem>>) {add = true}
          %dma_wait3A_272 = arith.constant 0 : i32
          %dma_wait3A_273 = tpu.memref_slice %arg10[%add3A_236, %dma_wait3A_272] : memref<80x128xi32, #tpu.memory_space<vmem>> -> memref<1x128xi32, #tpu.memory_space<vmem>>
          %dma_wait3A_274 = tpu.memref_squeeze %dma_wait3A_273 : memref<1x128xi32, #tpu.memory_space<vmem>> -> memref<128xi32, #tpu.memory_space<vmem>>
          %dma_wait3A_275 = arith.constant 0 : i32
          %dma_wait3A_276 = arith.constant 0 : i32
          %dma_wait3A_277 = tpu.memref_slice %arg16[%dma_wait3A_275, %dma_wait3A_276] : memref<10112x64xf32, #tpu.memory_space<vmem_shared>> -> memref<10112x64xf32, #tpu.memory_space<vmem_shared>>
          tpu.wait_indirect_dma semaphore(%run_scoped3A_265 : memref<!tpu.dma_semaphore, #tpu.memory_space<semaphore_mem>>) src(%arg14 : memref<128x64xf32, #tpu.memory_space<vmem>>) dst(%dma_wait3A_277 : memref<10112x64xf32, #tpu.memory_space<vmem_shared>>)
          tpu.yield
        }) : () -> ()
        %dma_wait3A_249 = arith.constant 0 : i32
        %dma_wait3A_250 = tpu.memref_slice %arg10[%add3A_236, %dma_wait3A_249] : memref<80x128xi32, #tpu.memory_space<vmem>> -> memref<1x128xi32, #tpu.memory_space<vmem>>
        %dma_wait3A_251 = tpu.memref_squeeze %dma_wait3A_250 : memref<1x128xi32, #tpu.memory_space<vmem>> -> memref<128xi32, #tpu.memory_space<vmem>>
        %dma_wait3A_252 = arith.constant 0 : i32
        %dma_wait3A_253 = arith.constant 0 : i32
        %dma_wait3A_254 = tpu.memref_slice %arg17[%dma_wait3A_252, %dma_wait3A_253] : memref<10112x8xf32, #tpu.memory_space<vmem_shared>> -> memref<10112x8xf32, #tpu.memory_space<vmem_shared>>
        tpu.wait_indirect_dma semaphore(%arg22 : memref<!tpu.dma_semaphore, #tpu.memory_space<semaphore_mem>>) src(%arg15 : memref<128x8xf32, #tpu.memory_space<vmem>>) dst(%dma_wait3A_254 : memref<10112x8xf32, #tpu.memory_space<vmem_shared>>)
        %add3A_255 = arith.constant 4 : i32
        %add3A_256 = arith.addi %mul3A_144, %add3A_255 : i32
        %add3A_257 = arith.constant 3 : i32
        %add3A_258 = arith.addi %add3A_256, %add3A_257 : i32
        %dma_start3A_259 = arith.constant 0 : i32
        %dma_start3A_260 = tpu.memref_slice %arg9[%add3A_258, %dma_start3A_259] : memref<80x128xi32, #tpu.memory_space<vmem>> -> memref<1x128xi32, #tpu.memory_space<vmem>>
        %dma_start3A_261 = tpu.memref_squeeze %dma_start3A_260 : memref<1x128xi32, #tpu.memory_space<vmem>> -> memref<128xi32, #tpu.memory_space<vmem>>
        %dma_start3A_262 = arith.constant 0 : i32
        %dma_start3A_263 = arith.constant 0 : i32
        %dma_start3A_264 = tpu.memref_slice %arg2[%dma_start3A_262, %dma_start3A_263] : memref<10000x64xf32, #tpu.memory_space<hbm>> -> memref<10000x64xf32, #tpu.memory_space<hbm>>
        tpu.enqueue_indirect_dma source(%dma_start3A_264 : memref<10000x64xf32, #tpu.memory_space<hbm>>) target(%arg14 : memref<128x64xf32, #tpu.memory_space<vmem>>) offsets(%dma_start3A_261 : memref<128xi32, #tpu.memory_space<vmem>>) semaphore(%arg21 : memref<!tpu.dma_semaphore, #tpu.memory_space<semaphore_mem>>)
      }
      %scan3A_54 = arith.constant 19 : i32
      %dma_wait3A = arith.constant 76 : i32
      %dma_wait3A_55 = arith.constant 0 : i32
      %dma_wait3A_56 = tpu.memref_slice %arg9[%dma_wait3A, %dma_wait3A_55] : memref<80x128xi32, #tpu.memory_space<vmem>> -> memref<1x128xi32, #tpu.memory_space<vmem>>
      %dma_wait3A_57 = tpu.memref_squeeze %dma_wait3A_56 : memref<1x128xi32, #tpu.memory_space<vmem>> -> memref<128xi32, #tpu.memory_space<vmem>>
      %dma_wait3A_58 = arith.constant 0 : i32
      %dma_wait3A_59 = arith.constant 0 : i32
      %dma_wait3A_60 = tpu.memref_slice %arg2[%dma_wait3A_58, %dma_wait3A_59] : memref<10000x64xf32, #tpu.memory_space<hbm>> -> memref<10000x64xf32, #tpu.memory_space<hbm>>
      tpu.wait_indirect_dma semaphore(%arg18 : memref<!tpu.dma_semaphore, #tpu.memory_space<semaphore_mem>>) src(%dma_wait3A_60 : memref<10000x64xf32, #tpu.memory_space<hbm>>) dst(%arg11 : memref<128x64xf32, #tpu.memory_space<vmem>>)
      %dma_start3A_61 = arith.constant 76 : i32
      %dma_start3A_62 = arith.constant 0 : i32
      %dma_start3A_63 = tpu.memref_slice %arg10[%dma_start3A_61, %dma_start3A_62] : memref<80x128xi32, #tpu.memory_space<vmem>> -> memref<1x128xi32, #tpu.memory_space<vmem>>
      %dma_start3A_64 = tpu.memref_squeeze %dma_start3A_63 : memref<1x128xi32, #tpu.memory_space<vmem>> -> memref<128xi32, #tpu.memory_space<vmem>>
      %dma_start3A_65 = arith.constant 0 : i32
      %dma_start3A_66 = arith.constant 0 : i32
      %dma_start3A_67 = tpu.memref_slice %arg17[%dma_start3A_65, %dma_start3A_66] : memref<10112x8xf32, #tpu.memory_space<vmem_shared>> -> memref<10112x8xf32, #tpu.memory_space<vmem_shared>>
      tpu.enqueue_indirect_dma source(%arg15 : memref<128x8xf32, #tpu.memory_space<vmem>>) target(%dma_start3A_67 : memref<10112x8xf32, #tpu.memory_space<vmem_shared>>) offsets(%dma_start3A_64 : memref<128xi32, #tpu.memory_space<vmem>>) semaphore(%arg22 : memref<!tpu.dma_semaphore, #tpu.memory_space<semaphore_mem>>) {add = true}
      %run_scoped3A_68 = arith.constant 76 : i32
      "tpu.region"() ({
        %run_scoped3A_142 = tpu.sem_alloc : memref<!tpu.dma_semaphore, #tpu.memory_space<semaphore_mem>>
        %dma_start3A_143 = arith.constant 0 : i32
        %dma_start3A_144 = tpu.memref_slice %arg10[%run_scoped3A_68, %dma_start3A_143] : memref<80x128xi32, #tpu.memory_space<vmem>> -> memref<1x128xi32, #tpu.memory_space<vmem>>
        %dma_start3A_145 = tpu.memref_squeeze %dma_start3A_144 : memref<1x128xi32, #tpu.memory_space<vmem>> -> memref<128xi32, #tpu.memory_space<vmem>>
        %dma_start3A_146 = arith.constant 0 : i32
        %dma_start3A_147 = arith.constant 0 : i32
        %dma_start3A_148 = tpu.memref_slice %arg16[%dma_start3A_146, %dma_start3A_147] : memref<10112x64xf32, #tpu.memory_space<vmem_shared>> -> memref<10112x64xf32, #tpu.memory_space<vmem_shared>>
        tpu.enqueue_indirect_dma source(%arg11 : memref<128x64xf32, #tpu.memory_space<vmem>>) target(%dma_start3A_148 : memref<10112x64xf32, #tpu.memory_space<vmem_shared>>) offsets(%dma_start3A_145 : memref<128xi32, #tpu.memory_space<vmem>>) semaphore(%run_scoped3A_142 : memref<!tpu.dma_semaphore, #tpu.memory_space<semaphore_mem>>) {add = true}
        %dma_wait3A_149 = arith.constant 0 : i32
        %dma_wait3A_150 = tpu.memref_slice %arg10[%run_scoped3A_68, %dma_wait3A_149] : memref<80x128xi32, #tpu.memory_space<vmem>> -> memref<1x128xi32, #tpu.memory_space<vmem>>
        %dma_wait3A_151 = tpu.memref_squeeze %dma_wait3A_150 : memref<1x128xi32, #tpu.memory_space<vmem>> -> memref<128xi32, #tpu.memory_space<vmem>>
        %dma_wait3A_152 = arith.constant 0 : i32
        %dma_wait3A_153 = arith.constant 0 : i32
        %dma_wait3A_154 = tpu.memref_slice %arg16[%dma_wait3A_152, %dma_wait3A_153] : memref<10112x64xf32, #tpu.memory_space<vmem_shared>> -> memref<10112x64xf32, #tpu.memory_space<vmem_shared>>
        tpu.wait_indirect_dma semaphore(%run_scoped3A_142 : memref<!tpu.dma_semaphore, #tpu.memory_space<semaphore_mem>>) src(%arg11 : memref<128x64xf32, #tpu.memory_space<vmem>>) dst(%dma_wait3A_154 : memref<10112x64xf32, #tpu.memory_space<vmem_shared>>)
        tpu.yield
      }) : () -> ()
      %dma_wait3A_69 = arith.constant 76 : i32
      %dma_wait3A_70 = arith.constant 0 : i32
      %dma_wait3A_71 = tpu.memref_slice %arg10[%dma_wait3A_69, %dma_wait3A_70] : memref<80x128xi32, #tpu.memory_space<vmem>> -> memref<1x128xi32, #tpu.memory_space<vmem>>
      %dma_wait3A_72 = tpu.memref_squeeze %dma_wait3A_71 : memref<1x128xi32, #tpu.memory_space<vmem>> -> memref<128xi32, #tpu.memory_space<vmem>>
      %dma_wait3A_73 = arith.constant 0 : i32
      %dma_wait3A_74 = arith.constant 0 : i32
      %dma_wait3A_75 = tpu.memref_slice %arg17[%dma_wait3A_73, %dma_wait3A_74] : memref<10112x8xf32, #tpu.memory_space<vmem_shared>> -> memref<10112x8xf32, #tpu.memory_space<vmem_shared>>
      tpu.wait_indirect_dma semaphore(%arg22 : memref<!tpu.dma_semaphore, #tpu.memory_space<semaphore_mem>>) src(%arg15 : memref<128x8xf32, #tpu.memory_space<vmem>>) dst(%dma_wait3A_75 : memref<10112x8xf32, #tpu.memory_space<vmem_shared>>)
      %dma_wait3A_76 = arith.constant 77 : i32
      %dma_wait3A_77 = arith.constant 0 : i32
      %dma_wait3A_78 = tpu.memref_slice %arg9[%dma_wait3A_76, %dma_wait3A_77] : memref<80x128xi32, #tpu.memory_space<vmem>> -> memref<1x128xi32, #tpu.memory_space<vmem>>
      %dma_wait3A_79 = tpu.memref_squeeze %dma_wait3A_78 : memref<1x128xi32, #tpu.memory_space<vmem>> -> memref<128xi32, #tpu.memory_space<vmem>>
      %dma_wait3A_80 = arith.constant 0 : i32
      %dma_wait3A_81 = arith.constant 0 : i32
      %dma_wait3A_82 = tpu.memref_slice %arg2[%dma_wait3A_80, %dma_wait3A_81] : memref<10000x64xf32, #tpu.memory_space<hbm>> -> memref<10000x64xf32, #tpu.memory_space<hbm>>
      tpu.wait_indirect_dma semaphore(%arg19 : memref<!tpu.dma_semaphore, #tpu.memory_space<semaphore_mem>>) src(%dma_wait3A_82 : memref<10000x64xf32, #tpu.memory_space<hbm>>) dst(%arg12 : memref<128x64xf32, #tpu.memory_space<vmem>>)
      %dma_start3A_83 = arith.constant 77 : i32
      %dma_start3A_84 = arith.constant 0 : i32
      %dma_start3A_85 = tpu.memref_slice %arg10[%dma_start3A_83, %dma_start3A_84] : memref<80x128xi32, #tpu.memory_space<vmem>> -> memref<1x128xi32, #tpu.memory_space<vmem>>
      %dma_start3A_86 = tpu.memref_squeeze %dma_start3A_85 : memref<1x128xi32, #tpu.memory_space<vmem>> -> memref<128xi32, #tpu.memory_space<vmem>>
      %dma_start3A_87 = arith.constant 0 : i32
      %dma_start3A_88 = arith.constant 0 : i32
      %dma_start3A_89 = tpu.memref_slice %arg17[%dma_start3A_87, %dma_start3A_88] : memref<10112x8xf32, #tpu.memory_space<vmem_shared>> -> memref<10112x8xf32, #tpu.memory_space<vmem_shared>>
      tpu.enqueue_indirect_dma source(%arg15 : memref<128x8xf32, #tpu.memory_space<vmem>>) target(%dma_start3A_89 : memref<10112x8xf32, #tpu.memory_space<vmem_shared>>) offsets(%dma_start3A_86 : memref<128xi32, #tpu.memory_space<vmem>>) semaphore(%arg22 : memref<!tpu.dma_semaphore, #tpu.memory_space<semaphore_mem>>) {add = true}
      %run_scoped3A_90 = arith.constant 77 : i32
      "tpu.region"() ({
        %run_scoped3A_142 = tpu.sem_alloc : memref<!tpu.dma_semaphore, #tpu.memory_space<semaphore_mem>>
        %dma_start3A_143 = arith.constant 0 : i32
        %dma_start3A_144 = tpu.memref_slice %arg10[%run_scoped3A_90, %dma_start3A_143] : memref<80x128xi32, #tpu.memory_space<vmem>> -> memref<1x128xi32, #tpu.memory_space<vmem>>
        %dma_start3A_145 = tpu.memref_squeeze %dma_start3A_144 : memref<1x128xi32, #tpu.memory_space<vmem>> -> memref<128xi32, #tpu.memory_space<vmem>>
        %dma_start3A_146 = arith.constant 0 : i32
        %dma_start3A_147 = arith.constant 0 : i32
        %dma_start3A_148 = tpu.memref_slice %arg16[%dma_start3A_146, %dma_start3A_147] : memref<10112x64xf32, #tpu.memory_space<vmem_shared>> -> memref<10112x64xf32, #tpu.memory_space<vmem_shared>>
        tpu.enqueue_indirect_dma source(%arg12 : memref<128x64xf32, #tpu.memory_space<vmem>>) target(%dma_start3A_148 : memref<10112x64xf32, #tpu.memory_space<vmem_shared>>) offsets(%dma_start3A_145 : memref<128xi32, #tpu.memory_space<vmem>>) semaphore(%run_scoped3A_142 : memref<!tpu.dma_semaphore, #tpu.memory_space<semaphore_mem>>) {add = true}
        %dma_wait3A_149 = arith.constant 0 : i32
        %dma_wait3A_150 = tpu.memref_slice %arg10[%run_scoped3A_90, %dma_wait3A_149] : memref<80x128xi32, #tpu.memory_space<vmem>> -> memref<1x128xi32, #tpu.memory_space<vmem>>
        %dma_wait3A_151 = tpu.memref_squeeze %dma_wait3A_150 : memref<1x128xi32, #tpu.memory_space<vmem>> -> memref<128xi32, #tpu.memory_space<vmem>>
        %dma_wait3A_152 = arith.constant 0 : i32
        %dma_wait3A_153 = arith.constant 0 : i32
        %dma_wait3A_154 = tpu.memref_slice %arg16[%dma_wait3A_152, %dma_wait3A_153] : memref<10112x64xf32, #tpu.memory_space<vmem_shared>> -> memref<10112x64xf32, #tpu.memory_space<vmem_shared>>
        tpu.wait_indirect_dma semaphore(%run_scoped3A_142 : memref<!tpu.dma_semaphore, #tpu.memory_space<semaphore_mem>>) src(%arg12 : memref<128x64xf32, #tpu.memory_space<vmem>>) dst(%dma_wait3A_154 : memref<10112x64xf32, #tpu.memory_space<vmem_shared>>)
        tpu.yield
      }) : () -> ()
      %dma_wait3A_91 = arith.constant 77 : i32
      %dma_wait3A_92 = arith.constant 0 : i32
      %dma_wait3A_93 = tpu.memref_slice %arg10[%dma_wait3A_91, %dma_wait3A_92] : memref<80x128xi32, #tpu.memory_space<vmem>> -> memref<1x128xi32, #tpu.memory_space<vmem>>
      %dma_wait3A_94 = tpu.memref_squeeze %dma_wait3A_93 : memref<1x128xi32, #tpu.memory_space<vmem>> -> memref<128xi32, #tpu.memory_space<vmem>>
      %dma_wait3A_95 = arith.constant 0 : i32
      %dma_wait3A_96 = arith.constant 0 : i32
      %dma_wait3A_97 = tpu.memref_slice %arg17[%dma_wait3A_95, %dma_wait3A_96] : memref<10112x8xf32, #tpu.memory_space<vmem_shared>> -> memref<10112x8xf32, #tpu.memory_space<vmem_shared>>
      tpu.wait_indirect_dma semaphore(%arg22 : memref<!tpu.dma_semaphore, #tpu.memory_space<semaphore_mem>>) src(%arg15 : memref<128x8xf32, #tpu.memory_space<vmem>>) dst(%dma_wait3A_97 : memref<10112x8xf32, #tpu.memory_space<vmem_shared>>)
      %dma_wait3A_98 = arith.constant 78 : i32
      %dma_wait3A_99 = arith.constant 0 : i32
      %dma_wait3A_100 = tpu.memref_slice %arg9[%dma_wait3A_98, %dma_wait3A_99] : memref<80x128xi32, #tpu.memory_space<vmem>> -> memref<1x128xi32, #tpu.memory_space<vmem>>
      %dma_wait3A_101 = tpu.memref_squeeze %dma_wait3A_100 : memref<1x128xi32, #tpu.memory_space<vmem>> -> memref<128xi32, #tpu.memory_space<vmem>>
      %dma_wait3A_102 = arith.constant 0 : i32
      %dma_wait3A_103 = arith.constant 0 : i32
      %dma_wait3A_104 = tpu.memref_slice %arg2[%dma_wait3A_102, %dma_wait3A_103] : memref<10000x64xf32, #tpu.memory_space<hbm>> -> memref<10000x64xf32, #tpu.memory_space<hbm>>
      tpu.wait_indirect_dma semaphore(%arg20 : memref<!tpu.dma_semaphore, #tpu.memory_space<semaphore_mem>>) src(%dma_wait3A_104 : memref<10000x64xf32, #tpu.memory_space<hbm>>) dst(%arg13 : memref<128x64xf32, #tpu.memory_space<vmem>>)
      %dma_start3A_105 = arith.constant 78 : i32
      %dma_start3A_106 = arith.constant 0 : i32
      %dma_start3A_107 = tpu.memref_slice %arg10[%dma_start3A_105, %dma_start3A_106] : memref<80x128xi32, #tpu.memory_space<vmem>> -> memref<1x128xi32, #tpu.memory_space<vmem>>
      %dma_start3A_108 = tpu.memref_squeeze %dma_start3A_107 : memref<1x128xi32, #tpu.memory_space<vmem>> -> memref<128xi32, #tpu.memory_space<vmem>>
      %dma_start3A_109 = arith.constant 0 : i32
      %dma_start3A_110 = arith.constant 0 : i32
      %dma_start3A_111 = tpu.memref_slice %arg17[%dma_start3A_109, %dma_start3A_110] : memref<10112x8xf32, #tpu.memory_space<vmem_shared>> -> memref<10112x8xf32, #tpu.memory_space<vmem_shared>>
      tpu.enqueue_indirect_dma source(%arg15 : memref<128x8xf32, #tpu.memory_space<vmem>>) target(%dma_start3A_111 : memref<10112x8xf32, #tpu.memory_space<vmem_shared>>) offsets(%dma_start3A_108 : memref<128xi32, #tpu.memory_space<vmem>>) semaphore(%arg22 : memref<!tpu.dma_semaphore, #tpu.memory_space<semaphore_mem>>) {add = true}
      %run_scoped3A_112 = arith.constant 78 : i32
      "tpu.region"() ({
        %run_scoped3A_142 = tpu.sem_alloc : memref<!tpu.dma_semaphore, #tpu.memory_space<semaphore_mem>>
        %dma_start3A_143 = arith.constant 0 : i32
        %dma_start3A_144 = tpu.memref_slice %arg10[%run_scoped3A_112, %dma_start3A_143] : memref<80x128xi32, #tpu.memory_space<vmem>> -> memref<1x128xi32, #tpu.memory_space<vmem>>
        %dma_start3A_145 = tpu.memref_squeeze %dma_start3A_144 : memref<1x128xi32, #tpu.memory_space<vmem>> -> memref<128xi32, #tpu.memory_space<vmem>>
        %dma_start3A_146 = arith.constant 0 : i32
        %dma_start3A_147 = arith.constant 0 : i32
        %dma_start3A_148 = tpu.memref_slice %arg16[%dma_start3A_146, %dma_start3A_147] : memref<10112x64xf32, #tpu.memory_space<vmem_shared>> -> memref<10112x64xf32, #tpu.memory_space<vmem_shared>>
        tpu.enqueue_indirect_dma source(%arg13 : memref<128x64xf32, #tpu.memory_space<vmem>>) target(%dma_start3A_148 : memref<10112x64xf32, #tpu.memory_space<vmem_shared>>) offsets(%dma_start3A_145 : memref<128xi32, #tpu.memory_space<vmem>>) semaphore(%run_scoped3A_142 : memref<!tpu.dma_semaphore, #tpu.memory_space<semaphore_mem>>) {add = true}
        %dma_wait3A_149 = arith.constant 0 : i32
        %dma_wait3A_150 = tpu.memref_slice %arg10[%run_scoped3A_112, %dma_wait3A_149] : memref<80x128xi32, #tpu.memory_space<vmem>> -> memref<1x128xi32, #tpu.memory_space<vmem>>
        %dma_wait3A_151 = tpu.memref_squeeze %dma_wait3A_150 : memref<1x128xi32, #tpu.memory_space<vmem>> -> memref<128xi32, #tpu.memory_space<vmem>>
        %dma_wait3A_152 = arith.constant 0 : i32
        %dma_wait3A_153 = arith.constant 0 : i32
        %dma_wait3A_154 = tpu.memref_slice %arg16[%dma_wait3A_152, %dma_wait3A_153] : memref<10112x64xf32, #tpu.memory_space<vmem_shared>> -> memref<10112x64xf32, #tpu.memory_space<vmem_shared>>
        tpu.wait_indirect_dma semaphore(%run_scoped3A_142 : memref<!tpu.dma_semaphore, #tpu.memory_space<semaphore_mem>>) src(%arg13 : memref<128x64xf32, #tpu.memory_space<vmem>>) dst(%dma_wait3A_154 : memref<10112x64xf32, #tpu.memory_space<vmem_shared>>)
        tpu.yield
      }) : () -> ()
      %dma_wait3A_113 = arith.constant 78 : i32
      %dma_wait3A_114 = arith.constant 0 : i32
      %dma_wait3A_115 = tpu.memref_slice %arg10[%dma_wait3A_113, %dma_wait3A_114] : memref<80x128xi32, #tpu.memory_space<vmem>> -> memref<1x128xi32, #tpu.memory_space<vmem>>
      %dma_wait3A_116 = tpu.memref_squeeze %dma_wait3A_115 : memref<1x128xi32, #tpu.memory_space<vmem>> -> memref<128xi32, #tpu.memory_space<vmem>>
      %dma_wait3A_117 = arith.constant 0 : i32
      %dma_wait3A_118 = arith.constant 0 : i32
      %dma_wait3A_119 = tpu.memref_slice %arg17[%dma_wait3A_117, %dma_wait3A_118] : memref<10112x8xf32, #tpu.memory_space<vmem_shared>> -> memref<10112x8xf32, #tpu.memory_space<vmem_shared>>
      tpu.wait_indirect_dma semaphore(%arg22 : memref<!tpu.dma_semaphore, #tpu.memory_space<semaphore_mem>>) src(%arg15 : memref<128x8xf32, #tpu.memory_space<vmem>>) dst(%dma_wait3A_119 : memref<10112x8xf32, #tpu.memory_space<vmem_shared>>)
      %dma_wait3A_120 = arith.constant 79 : i32
      %dma_wait3A_121 = arith.constant 0 : i32
      %dma_wait3A_122 = tpu.memref_slice %arg9[%dma_wait3A_120, %dma_wait3A_121] : memref<80x128xi32, #tpu.memory_space<vmem>> -> memref<1x128xi32, #tpu.memory_space<vmem>>
      %dma_wait3A_123 = tpu.memref_squeeze %dma_wait3A_122 : memref<1x128xi32, #tpu.memory_space<vmem>> -> memref<128xi32, #tpu.memory_space<vmem>>
      %dma_wait3A_124 = arith.constant 0 : i32
      %dma_wait3A_125 = arith.constant 0 : i32
      %dma_wait3A_126 = tpu.memref_slice %arg2[%dma_wait3A_124, %dma_wait3A_125] : memref<10000x64xf32, #tpu.memory_space<hbm>> -> memref<10000x64xf32, #tpu.memory_space<hbm>>
      tpu.wait_indirect_dma semaphore(%arg21 : memref<!tpu.dma_semaphore, #tpu.memory_space<semaphore_mem>>) src(%dma_wait3A_126 : memref<10000x64xf32, #tpu.memory_space<hbm>>) dst(%arg14 : memref<128x64xf32, #tpu.memory_space<vmem>>)
      %dma_start3A_127 = arith.constant 79 : i32
      %dma_start3A_128 = arith.constant 0 : i32
      %dma_start3A_129 = tpu.memref_slice %arg10[%dma_start3A_127, %dma_start3A_128] : memref<80x128xi32, #tpu.memory_space<vmem>> -> memref<1x128xi32, #tpu.memory_space<vmem>>
      %dma_start3A_130 = tpu.memref_squeeze %dma_start3A_129 : memref<1x128xi32, #tpu.memory_space<vmem>> -> memref<128xi32, #tpu.memory_space<vmem>>
      %dma_start3A_131 = arith.constant 0 : i32
      %dma_start3A_132 = arith.constant 0 : i32
      %dma_start3A_133 = tpu.memref_slice %arg17[%dma_start3A_131, %dma_start3A_132] : memref<10112x8xf32, #tpu.memory_space<vmem_shared>> -> memref<10112x8xf32, #tpu.memory_space<vmem_shared>>
      tpu.enqueue_indirect_dma source(%arg15 : memref<128x8xf32, #tpu.memory_space<vmem>>) target(%dma_start3A_133 : memref<10112x8xf32, #tpu.memory_space<vmem_shared>>) offsets(%dma_start3A_130 : memref<128xi32, #tpu.memory_space<vmem>>) semaphore(%arg22 : memref<!tpu.dma_semaphore, #tpu.memory_space<semaphore_mem>>) {add = true}
      %run_scoped3A_134 = arith.constant 79 : i32
      "tpu.region"() ({
        %run_scoped3A_142 = tpu.sem_alloc : memref<!tpu.dma_semaphore, #tpu.memory_space<semaphore_mem>>
        %dma_start3A_143 = arith.constant 0 : i32
        %dma_start3A_144 = tpu.memref_slice %arg10[%run_scoped3A_134, %dma_start3A_143] : memref<80x128xi32, #tpu.memory_space<vmem>> -> memref<1x128xi32, #tpu.memory_space<vmem>>
        %dma_start3A_145 = tpu.memref_squeeze %dma_start3A_144 : memref<1x128xi32, #tpu.memory_space<vmem>> -> memref<128xi32, #tpu.memory_space<vmem>>
        %dma_start3A_146 = arith.constant 0 : i32
        %dma_start3A_147 = arith.constant 0 : i32
        %dma_start3A_148 = tpu.memref_slice %arg16[%dma_start3A_146, %dma_start3A_147] : memref<10112x64xf32, #tpu.memory_space<vmem_shared>> -> memref<10112x64xf32, #tpu.memory_space<vmem_shared>>
        tpu.enqueue_indirect_dma source(%arg14 : memref<128x64xf32, #tpu.memory_space<vmem>>) target(%dma_start3A_148 : memref<10112x64xf32, #tpu.memory_space<vmem_shared>>) offsets(%dma_start3A_145 : memref<128xi32, #tpu.memory_space<vmem>>) semaphore(%run_scoped3A_142 : memref<!tpu.dma_semaphore, #tpu.memory_space<semaphore_mem>>) {add = true}
        %dma_wait3A_149 = arith.constant 0 : i32
        %dma_wait3A_150 = tpu.memref_slice %arg10[%run_scoped3A_134, %dma_wait3A_149] : memref<80x128xi32, #tpu.memory_space<vmem>> -> memref<1x128xi32, #tpu.memory_space<vmem>>
        %dma_wait3A_151 = tpu.memref_squeeze %dma_wait3A_150 : memref<1x128xi32, #tpu.memory_space<vmem>> -> memref<128xi32, #tpu.memory_space<vmem>>
        %dma_wait3A_152 = arith.constant 0 : i32
        %dma_wait3A_153 = arith.constant 0 : i32
        %dma_wait3A_154 = tpu.memref_slice %arg16[%dma_wait3A_152, %dma_wait3A_153] : memref<10112x64xf32, #tpu.memory_space<vmem_shared>> -> memref<10112x64xf32, #tpu.memory_space<vmem_shared>>
        tpu.wait_indirect_dma semaphore(%run_scoped3A_142 : memref<!tpu.dma_semaphore, #tpu.memory_space<semaphore_mem>>) src(%arg14 : memref<128x64xf32, #tpu.memory_space<vmem>>) dst(%dma_wait3A_154 : memref<10112x64xf32, #tpu.memory_space<vmem_shared>>)
        tpu.yield
      }) : () -> ()
      %dma_wait3A_135 = arith.constant 79 : i32
      %dma_wait3A_136 = arith.constant 0 : i32
      %dma_wait3A_137 = tpu.memref_slice %arg10[%dma_wait3A_135, %dma_wait3A_136] : memref<80x128xi32, #tpu.memory_space<vmem>> -> memref<1x128xi32, #tpu.memory_space<vmem>>
      %dma_wait3A_138 = tpu.memref_squeeze %dma_wait3A_137 : memref<1x128xi32, #tpu.memory_space<vmem>> -> memref<128xi32, #tpu.memory_space<vmem>>
      %dma_wait3A_139 = arith.constant 0 : i32
      %dma_wait3A_140 = arith.constant 0 : i32
      %dma_wait3A_141 = tpu.memref_slice %arg17[%dma_wait3A_139, %dma_wait3A_140] : memref<10112x8xf32, #tpu.memory_space<vmem_shared>> -> memref<10112x8xf32, #tpu.memory_space<vmem_shared>>
      tpu.wait_indirect_dma semaphore(%arg22 : memref<!tpu.dma_semaphore, #tpu.memory_space<semaphore_mem>>) src(%arg15 : memref<128x8xf32, #tpu.memory_space<vmem>>) dst(%dma_wait3A_141 : memref<10112x8xf32, #tpu.memory_space<vmem_shared>>)
    } else {
    }
    %barrier3A_10 = arith.constant 0 : index
    tpu.barrier barrier_id(%barrier3A_10)
    %mul3A_11 = arith.constant 632 : i32
    %mul3A_12 = arith.muli %arg1, %mul3A_11 : i32
    %mul3A_13 = arith.constant 632 : i32
    %mul3A_14 = arith.muli %arg1, %mul3A_13 : i32
    "tpu.region"() ({
      %run_scoped3A = tpu.sem_alloc : memref<!tpu.dma_semaphore, #tpu.memory_space<semaphore_mem>>
      %dma_start3A = arith.constant 0 : i32
      %dma_start3A_19 = tpu.memref_slice %arg7[%arg0, %mul3A_14, %dma_start3A] : memref<2x10112x64xf32, #tpu.memory_space<hbm>> -> memref<1x632x64xf32, #tpu.memory_space<hbm>>
      %dma_start3A_20 = tpu.memref_squeeze %dma_start3A_19 : memref<1x632x64xf32, #tpu.memory_space<hbm>> -> memref<632x64xf32, #tpu.memory_space<hbm>>
      %dma_start3A_21 = arith.constant 0 : i32
      %dma_start3A_22 = tpu.memref_slice %arg16[%mul3A_12, %dma_start3A_21] : memref<10112x64xf32, #tpu.memory_space<vmem_shared>> -> memref<632x64xf32, #tpu.memory_space<vmem_shared>>
      tpu.enqueue_dma source(%dma_start3A_22 : memref<632x64xf32, #tpu.memory_space<vmem_shared>>) target(%dma_start3A_20 : memref<632x64xf32, #tpu.memory_space<hbm>>) target_semaphore(%run_scoped3A : memref<!tpu.dma_semaphore, #tpu.memory_space<semaphore_mem>>)
      %dma_wait3A = arith.constant 0 : i32
      %dma_wait3A_23 = tpu.memref_slice %arg7[%arg0, %mul3A_14, %dma_wait3A] : memref<2x10112x64xf32, #tpu.memory_space<hbm>> -> memref<1x632x64xf32, #tpu.memory_space<hbm>>
      %dma_wait3A_24 = tpu.memref_squeeze %dma_wait3A_23 : memref<1x632x64xf32, #tpu.memory_space<hbm>> -> memref<632x64xf32, #tpu.memory_space<hbm>>
      %dma_wait3A_25 = arith.constant 0 : i32
      %dma_wait3A_26 = tpu.memref_slice %arg16[%mul3A_12, %dma_wait3A_25] : memref<10112x64xf32, #tpu.memory_space<vmem_shared>> -> memref<632x64xf32, #tpu.memory_space<vmem_shared>>
      tpu.wait_dma2 semaphore(%run_scoped3A : memref<!tpu.dma_semaphore, #tpu.memory_space<semaphore_mem>>) src(%dma_wait3A_26 : memref<632x64xf32, #tpu.memory_space<vmem_shared>>) dst(%dma_wait3A_24 : memref<632x64xf32, #tpu.memory_space<hbm>>)
      tpu.yield
    }) : () -> ()
    %mul3A_15 = arith.constant 632 : i32
    %mul3A_16 = arith.muli %arg1, %mul3A_15 : i32
    %mul3A_17 = arith.constant 632 : i32
    %mul3A_18 = arith.muli %arg1, %mul3A_17 : i32
    "tpu.region"() ({
      %run_scoped3A = tpu.sem_alloc : memref<!tpu.dma_semaphore, #tpu.memory_space<semaphore_mem>>
      %dma_start3A = arith.constant 0 : i32
      %dma_start3A_19 = tpu.memref_slice %arg8[%arg0, %mul3A_18, %dma_start3A] : memref<2x10112x8xf32, #tpu.memory_space<hbm>> -> memref<1x632x8xf32, #tpu.memory_space<hbm>>
      %dma_start3A_20 = tpu.memref_squeeze %dma_start3A_19 : memref<1x632x8xf32, #tpu.memory_space<hbm>> -> memref<632x8xf32, #tpu.memory_space<hbm>>
      %dma_start3A_21 = arith.constant 0 : i32
      %dma_start3A_22 = tpu.memref_slice %arg17[%mul3A_16, %dma_start3A_21] : memref<10112x8xf32, #tpu.memory_space<vmem_shared>> -> memref<632x8xf32, #tpu.memory_space<vmem_shared>>
      tpu.enqueue_dma source(%dma_start3A_22 : memref<632x8xf32, #tpu.memory_space<vmem_shared>>) target(%dma_start3A_20 : memref<632x8xf32, #tpu.memory_space<hbm>>) target_semaphore(%run_scoped3A : memref<!tpu.dma_semaphore, #tpu.memory_space<semaphore_mem>>)
      %dma_wait3A = arith.constant 0 : i32
      %dma_wait3A_23 = tpu.memref_slice %arg8[%arg0, %mul3A_18, %dma_wait3A] : memref<2x10112x8xf32, #tpu.memory_space<hbm>> -> memref<1x632x8xf32, #tpu.memory_space<hbm>>
      %dma_wait3A_24 = tpu.memref_squeeze %dma_wait3A_23 : memref<1x632x8xf32, #tpu.memory_space<hbm>> -> memref<632x8xf32, #tpu.memory_space<hbm>>
      %dma_wait3A_25 = arith.constant 0 : i32
      %dma_wait3A_26 = tpu.memref_slice %arg17[%mul3A_16, %dma_wait3A_25] : memref<10112x8xf32, #tpu.memory_space<vmem_shared>> -> memref<632x8xf32, #tpu.memory_space<vmem_shared>>
      tpu.wait_dma2 semaphore(%run_scoped3A : memref<!tpu.dma_semaphore, #tpu.memory_space<semaphore_mem>>) src(%dma_wait3A_26 : memref<632x8xf32, #tpu.memory_space<vmem_shared>>) dst(%dma_wait3A_24 : memref<632x8xf32, #tpu.memory_space<hbm>>)
      tpu.yield
    }) : () -> ()
    return
  }
}

#map = affine_map<(d0, d1) -> (0, 0)>
#map1 = affine_map<(d0, d1) -> (0, 0, 0)>
module attributes {stable_mosaic.version = 14 : i64} {
  func.func @sage_seg(%arg0: i32, %arg1: i32, %arg2: memref<10000x64xf32, #tpu.memory_space<hbm>>, %arg3: memref<2x2560x128xi32, #tpu.memory_space<hbm>>, %arg4: memref<632x64xf32, #tpu.memory_space<hbm>>, %arg5: memref<2x10112x64xf32, #tpu.memory_space<hbm>>, %arg6: memref<80x128xi32, #tpu.memory_space<vmem>>, %arg7: memref<80x128xi32, #tpu.memory_space<vmem>>, %arg8: memref<128x64xf32, #tpu.memory_space<vmem>>, %arg9: memref<128x64xf32, #tpu.memory_space<vmem>>, %arg10: memref<128x64xf32, #tpu.memory_space<vmem>>, %arg11: memref<128x64xf32, #tpu.memory_space<vmem>>, %arg12: memref<10112x64xf32, #tpu.memory_space<vmem_shared>>, %arg13: memref<!tpu.dma_semaphore, #tpu.memory_space<semaphore_mem>>, %arg14: memref<!tpu.dma_semaphore, #tpu.memory_space<semaphore_mem>>, %arg15: memref<!tpu.dma_semaphore, #tpu.memory_space<semaphore_mem>>, %arg16: memref<!tpu.dma_semaphore, #tpu.memory_space<semaphore_mem>>, %arg17: memref<!tpu.dma_semaphore, #tpu.memory_space<semaphore_mem>>) attributes {dimension_semantics = [#tpu.dimension_semantics<core_parallel>, #tpu.dimension_semantics<subcore_parallel>], iteration_bounds = array<i64: 2, 16>, scalar_prefetch = 0 : i64, scratch_operands = 12 : i64, tpu.core_type = #tpu.core_type<sc_vector_subcore>, window_params = [{transform_indices = #map}, {transform_indices = #map1}, {transform_indices = #map}, {transform_indices = #map1}]} {
    %mul3A = arith.constant 632 : i32
    %mul3A_0 = arith.muli %arg1, %mul3A : i32
    "tpu.region"() ({
      %run_scoped3A = tpu.sem_alloc : memref<!tpu.dma_semaphore, #tpu.memory_space<semaphore_mem>>
      %dma_start3A = arith.constant 0 : i32
      %dma_start3A_13 = tpu.memref_slice %arg12[%mul3A_0, %dma_start3A] : memref<10112x64xf32, #tpu.memory_space<vmem_shared>> -> memref<632x64xf32, #tpu.memory_space<vmem_shared>>
      tpu.enqueue_dma source(%arg4 : memref<632x64xf32, #tpu.memory_space<hbm>>) target(%dma_start3A_13 : memref<632x64xf32, #tpu.memory_space<vmem_shared>>) target_semaphore(%run_scoped3A : memref<!tpu.dma_semaphore, #tpu.memory_space<semaphore_mem>>)
      %dma_wait3A = arith.constant 0 : i32
      %dma_wait3A_14 = tpu.memref_slice %arg12[%mul3A_0, %dma_wait3A] : memref<10112x64xf32, #tpu.memory_space<vmem_shared>> -> memref<632x64xf32, #tpu.memory_space<vmem_shared>>
      tpu.wait_dma2 semaphore(%run_scoped3A : memref<!tpu.dma_semaphore, #tpu.memory_space<semaphore_mem>>) src(%arg4 : memref<632x64xf32, #tpu.memory_space<hbm>>) dst(%dma_wait3A_14 : memref<632x64xf32, #tpu.memory_space<vmem_shared>>)
      tpu.yield
    }) : () -> ()
    %barrier3A = arith.constant 0 : index
    tpu.barrier barrier_id(%barrier3A)
    %eq3A = arith.constant 0 : i32
    %eq3A_1 = arith.cmpi eq, %arg0, %eq3A : i32
    %convert_element_type3A = arith.extui %eq3A_1 : i1 to i32
    %cond3A = arith.constant 0 : i32
    %cond3A_2 = arith.cmpi ne, %convert_element_type3A, %cond3A : i32
    scf.if %cond3A_2 {
      %mul3A_13 = arith.constant 80 : i32
      %mul3A_14 = arith.muli %arg1, %mul3A_13 : i32
      %run_scoped3A = arith.constant 0 : i32
      "tpu.region"() ({
        %run_scoped3A_79 = tpu.sem_alloc : memref<!tpu.dma_semaphore, #tpu.memory_space<semaphore_mem>>
        %dma_start3A_80 = arith.constant 0 : i32
        %dma_start3A_81 = arith.constant 0 : i32
        %dma_start3A_82 = tpu.memref_slice %arg6[%dma_start3A_80, %dma_start3A_81] : memref<80x128xi32, #tpu.memory_space<vmem>> -> memref<80x128xi32, #tpu.memory_space<vmem>>
        %dma_start3A_83 = arith.constant 0 : i32
        %dma_start3A_84 = tpu.memref_slice %arg3[%run_scoped3A, %mul3A_14, %dma_start3A_83] : memref<2x2560x128xi32, #tpu.memory_space<hbm>> -> memref<1x80x128xi32, #tpu.memory_space<hbm>>
        %dma_start3A_85 = tpu.memref_squeeze %dma_start3A_84 : memref<1x80x128xi32, #tpu.memory_space<hbm>> -> memref<80x128xi32, #tpu.memory_space<hbm>>
        %dma_start3A_86 = arith.constant 0 : i32
        %dma_start3A_87 = arith.constant 0 : i32
        %dma_start3A_88 = tpu.memref_slice %arg6[%dma_start3A_86, %dma_start3A_87] : memref<80x128xi32, #tpu.memory_space<vmem>> -> memref<80x128xi32, #tpu.memory_space<vmem>>
        %dma_start3A_89 = arith.constant 0 : i32
        %dma_start3A_90 = tpu.memref_slice %arg3[%run_scoped3A, %mul3A_14, %dma_start3A_89] : memref<2x2560x128xi32, #tpu.memory_space<hbm>> -> memref<1x80x128xi32, #tpu.memory_space<hbm>>
        %dma_start3A_91 = tpu.memref_squeeze %dma_start3A_90 : memref<1x80x128xi32, #tpu.memory_space<hbm>> -> memref<80x128xi32, #tpu.memory_space<hbm>>
        tpu.enqueue_dma source(%dma_start3A_91 : memref<80x128xi32, #tpu.memory_space<hbm>>) target(%dma_start3A_88 : memref<80x128xi32, #tpu.memory_space<vmem>>) target_semaphore(%run_scoped3A_79 : memref<!tpu.dma_semaphore, #tpu.memory_space<semaphore_mem>>)
        %dma_wait3A_92 = arith.constant 0 : i32
        %dma_wait3A_93 = arith.constant 0 : i32
        %dma_wait3A_94 = tpu.memref_slice %arg6[%dma_wait3A_92, %dma_wait3A_93] : memref<80x128xi32, #tpu.memory_space<vmem>> -> memref<80x128xi32, #tpu.memory_space<vmem>>
        %dma_wait3A_95 = arith.constant 0 : i32
        %dma_wait3A_96 = tpu.memref_slice %arg3[%run_scoped3A, %mul3A_14, %dma_wait3A_95] : memref<2x2560x128xi32, #tpu.memory_space<hbm>> -> memref<1x80x128xi32, #tpu.memory_space<hbm>>
        %dma_wait3A_97 = tpu.memref_squeeze %dma_wait3A_96 : memref<1x80x128xi32, #tpu.memory_space<hbm>> -> memref<80x128xi32, #tpu.memory_space<hbm>>
        %dma_wait3A_98 = arith.constant 0 : i32
        %dma_wait3A_99 = arith.constant 0 : i32
        %dma_wait3A_100 = tpu.memref_slice %arg6[%dma_wait3A_98, %dma_wait3A_99] : memref<80x128xi32, #tpu.memory_space<vmem>> -> memref<80x128xi32, #tpu.memory_space<vmem>>
        %dma_wait3A_101 = arith.constant 0 : i32
        %dma_wait3A_102 = tpu.memref_slice %arg3[%run_scoped3A, %mul3A_14, %dma_wait3A_101] : memref<2x2560x128xi32, #tpu.memory_space<hbm>> -> memref<1x80x128xi32, #tpu.memory_space<hbm>>
        %dma_wait3A_103 = tpu.memref_squeeze %dma_wait3A_102 : memref<1x80x128xi32, #tpu.memory_space<hbm>> -> memref<80x128xi32, #tpu.memory_space<hbm>>
        tpu.wait_dma2 semaphore(%run_scoped3A_79 : memref<!tpu.dma_semaphore, #tpu.memory_space<semaphore_mem>>) src(%dma_wait3A_103 : memref<80x128xi32, #tpu.memory_space<hbm>>) dst(%dma_wait3A_100 : memref<80x128xi32, #tpu.memory_space<vmem>>)
        tpu.yield
      }) : () -> ()
      %run_scoped3A_15 = arith.constant 1 : i32
      "tpu.region"() ({
        %run_scoped3A_79 = tpu.sem_alloc : memref<!tpu.dma_semaphore, #tpu.memory_space<semaphore_mem>>
        %dma_start3A_80 = arith.constant 0 : i32
        %dma_start3A_81 = arith.constant 0 : i32
        %dma_start3A_82 = tpu.memref_slice %arg7[%dma_start3A_80, %dma_start3A_81] : memref<80x128xi32, #tpu.memory_space<vmem>> -> memref<80x128xi32, #tpu.memory_space<vmem>>
        %dma_start3A_83 = arith.constant 0 : i32
        %dma_start3A_84 = tpu.memref_slice %arg3[%run_scoped3A_15, %mul3A_14, %dma_start3A_83] : memref<2x2560x128xi32, #tpu.memory_space<hbm>> -> memref<1x80x128xi32, #tpu.memory_space<hbm>>
        %dma_start3A_85 = tpu.memref_squeeze %dma_start3A_84 : memref<1x80x128xi32, #tpu.memory_space<hbm>> -> memref<80x128xi32, #tpu.memory_space<hbm>>
        %dma_start3A_86 = arith.constant 0 : i32
        %dma_start3A_87 = arith.constant 0 : i32
        %dma_start3A_88 = tpu.memref_slice %arg7[%dma_start3A_86, %dma_start3A_87] : memref<80x128xi32, #tpu.memory_space<vmem>> -> memref<80x128xi32, #tpu.memory_space<vmem>>
        %dma_start3A_89 = arith.constant 0 : i32
        %dma_start3A_90 = tpu.memref_slice %arg3[%run_scoped3A_15, %mul3A_14, %dma_start3A_89] : memref<2x2560x128xi32, #tpu.memory_space<hbm>> -> memref<1x80x128xi32, #tpu.memory_space<hbm>>
        %dma_start3A_91 = tpu.memref_squeeze %dma_start3A_90 : memref<1x80x128xi32, #tpu.memory_space<hbm>> -> memref<80x128xi32, #tpu.memory_space<hbm>>
        tpu.enqueue_dma source(%dma_start3A_91 : memref<80x128xi32, #tpu.memory_space<hbm>>) target(%dma_start3A_88 : memref<80x128xi32, #tpu.memory_space<vmem>>) target_semaphore(%run_scoped3A_79 : memref<!tpu.dma_semaphore, #tpu.memory_space<semaphore_mem>>)
        %dma_wait3A_92 = arith.constant 0 : i32
        %dma_wait3A_93 = arith.constant 0 : i32
        %dma_wait3A_94 = tpu.memref_slice %arg7[%dma_wait3A_92, %dma_wait3A_93] : memref<80x128xi32, #tpu.memory_space<vmem>> -> memref<80x128xi32, #tpu.memory_space<vmem>>
        %dma_wait3A_95 = arith.constant 0 : i32
        %dma_wait3A_96 = tpu.memref_slice %arg3[%run_scoped3A_15, %mul3A_14, %dma_wait3A_95] : memref<2x2560x128xi32, #tpu.memory_space<hbm>> -> memref<1x80x128xi32, #tpu.memory_space<hbm>>
        %dma_wait3A_97 = tpu.memref_squeeze %dma_wait3A_96 : memref<1x80x128xi32, #tpu.memory_space<hbm>> -> memref<80x128xi32, #tpu.memory_space<hbm>>
        %dma_wait3A_98 = arith.constant 0 : i32
        %dma_wait3A_99 = arith.constant 0 : i32
        %dma_wait3A_100 = tpu.memref_slice %arg7[%dma_wait3A_98, %dma_wait3A_99] : memref<80x128xi32, #tpu.memory_space<vmem>> -> memref<80x128xi32, #tpu.memory_space<vmem>>
        %dma_wait3A_101 = arith.constant 0 : i32
        %dma_wait3A_102 = tpu.memref_slice %arg3[%run_scoped3A_15, %mul3A_14, %dma_wait3A_101] : memref<2x2560x128xi32, #tpu.memory_space<hbm>> -> memref<1x80x128xi32, #tpu.memory_space<hbm>>
        %dma_wait3A_103 = tpu.memref_squeeze %dma_wait3A_102 : memref<1x80x128xi32, #tpu.memory_space<hbm>> -> memref<80x128xi32, #tpu.memory_space<hbm>>
        tpu.wait_dma2 semaphore(%run_scoped3A_79 : memref<!tpu.dma_semaphore, #tpu.memory_space<semaphore_mem>>) src(%dma_wait3A_103 : memref<80x128xi32, #tpu.memory_space<hbm>>) dst(%dma_wait3A_100 : memref<80x128xi32, #tpu.memory_space<vmem>>)
        tpu.yield
      }) : () -> ()
      %dma_start3A = arith.constant 0 : i32
      %dma_start3A_16 = arith.constant 0 : i32
      %dma_start3A_17 = tpu.memref_slice %arg6[%dma_start3A, %dma_start3A_16] : memref<80x128xi32, #tpu.memory_space<vmem>> -> memref<1x128xi32, #tpu.memory_space<vmem>>
      %dma_start3A_18 = tpu.memref_squeeze %dma_start3A_17 : memref<1x128xi32, #tpu.memory_space<vmem>> -> memref<128xi32, #tpu.memory_space<vmem>>
      %dma_start3A_19 = arith.constant 0 : i32
      %dma_start3A_20 = arith.constant 0 : i32
      %dma_start3A_21 = tpu.memref_slice %arg2[%dma_start3A_19, %dma_start3A_20] : memref<10000x64xf32, #tpu.memory_space<hbm>> -> memref<10000x64xf32, #tpu.memory_space<hbm>>
      tpu.enqueue_indirect_dma source(%dma_start3A_21 : memref<10000x64xf32, #tpu.memory_space<hbm>>) target(%arg8 : memref<128x64xf32, #tpu.memory_space<vmem>>) offsets(%dma_start3A_18 : memref<128xi32, #tpu.memory_space<vmem>>) semaphore(%arg13 : memref<!tpu.dma_semaphore, #tpu.memory_space<semaphore_mem>>)
      %dma_start3A_22 = arith.constant 1 : i32
      %dma_start3A_23 = arith.constant 0 : i32
      %dma_start3A_24 = tpu.memref_slice %arg6[%dma_start3A_22, %dma_start3A_23] : memref<80x128xi32, #tpu.memory_space<vmem>> -> memref<1x128xi32, #tpu.memory_space<vmem>>
      %dma_start3A_25 = tpu.memref_squeeze %dma_start3A_24 : memref<1x128xi32, #tpu.memory_space<vmem>> -> memref<128xi32, #tpu.memory_space<vmem>>
      %dma_start3A_26 = arith.constant 0 : i32
      %dma_start3A_27 = arith.constant 0 : i32
      %dma_start3A_28 = tpu.memref_slice %arg2[%dma_start3A_26, %dma_start3A_27] : memref<10000x64xf32, #tpu.memory_space<hbm>> -> memref<10000x64xf32, #tpu.memory_space<hbm>>
      tpu.enqueue_indirect_dma source(%dma_start3A_28 : memref<10000x64xf32, #tpu.memory_space<hbm>>) target(%arg9 : memref<128x64xf32, #tpu.memory_space<vmem>>) offsets(%dma_start3A_25 : memref<128xi32, #tpu.memory_space<vmem>>) semaphore(%arg14 : memref<!tpu.dma_semaphore, #tpu.memory_space<semaphore_mem>>)
      %dma_start3A_29 = arith.constant 2 : i32
      %dma_start3A_30 = arith.constant 0 : i32
      %dma_start3A_31 = tpu.memref_slice %arg6[%dma_start3A_29, %dma_start3A_30] : memref<80x128xi32, #tpu.memory_space<vmem>> -> memref<1x128xi32, #tpu.memory_space<vmem>>
      %dma_start3A_32 = tpu.memref_squeeze %dma_start3A_31 : memref<1x128xi32, #tpu.memory_space<vmem>> -> memref<128xi32, #tpu.memory_space<vmem>>
      %dma_start3A_33 = arith.constant 0 : i32
      %dma_start3A_34 = arith.constant 0 : i32
      %dma_start3A_35 = tpu.memref_slice %arg2[%dma_start3A_33, %dma_start3A_34] : memref<10000x64xf32, #tpu.memory_space<hbm>> -> memref<10000x64xf32, #tpu.memory_space<hbm>>
      tpu.enqueue_indirect_dma source(%dma_start3A_35 : memref<10000x64xf32, #tpu.memory_space<hbm>>) target(%arg10 : memref<128x64xf32, #tpu.memory_space<vmem>>) offsets(%dma_start3A_32 : memref<128xi32, #tpu.memory_space<vmem>>) semaphore(%arg15 : memref<!tpu.dma_semaphore, #tpu.memory_space<semaphore_mem>>)
      %dma_start3A_36 = arith.constant 3 : i32
      %dma_start3A_37 = arith.constant 0 : i32
      %dma_start3A_38 = tpu.memref_slice %arg6[%dma_start3A_36, %dma_start3A_37] : memref<80x128xi32, #tpu.memory_space<vmem>> -> memref<1x128xi32, #tpu.memory_space<vmem>>
      %dma_start3A_39 = tpu.memref_squeeze %dma_start3A_38 : memref<1x128xi32, #tpu.memory_space<vmem>> -> memref<128xi32, #tpu.memory_space<vmem>>
      %dma_start3A_40 = arith.constant 0 : i32
      %dma_start3A_41 = arith.constant 0 : i32
      %dma_start3A_42 = tpu.memref_slice %arg2[%dma_start3A_40, %dma_start3A_41] : memref<10000x64xf32, #tpu.memory_space<hbm>> -> memref<10000x64xf32, #tpu.memory_space<hbm>>
      tpu.enqueue_indirect_dma source(%dma_start3A_42 : memref<10000x64xf32, #tpu.memory_space<hbm>>) target(%arg11 : memref<128x64xf32, #tpu.memory_space<vmem>>) offsets(%dma_start3A_39 : memref<128xi32, #tpu.memory_space<vmem>>) semaphore(%arg16 : memref<!tpu.dma_semaphore, #tpu.memory_space<semaphore_mem>>)
      %scan3A = arith.constant 0 : i32
      %scan3A_43 = arith.constant 0 : i32
      %scan3A_44 = arith.constant 19 : i32
      %scan3A_45 = arith.addi %scan3A_43, %scan3A_44 : i32
      %scan3A_46 = arith.constant 1 : i32
      scf.for %scan3A_79 = %scan3A_43 to %scan3A_45 step %scan3A_46  : i32 {
        %mul3A_80 = arith.constant 4 : i32
        %mul3A_81 = arith.muli %mul3A_80, %scan3A_79 : i32
        %add3A = arith.constant 0 : i32
        %add3A_82 = arith.addi %mul3A_81, %add3A : i32
        %dma_wait3A_83 = arith.constant 0 : i32
        %dma_wait3A_84 = tpu.memref_slice %arg6[%add3A_82, %dma_wait3A_83] : memref<80x128xi32, #tpu.memory_space<vmem>> -> memref<1x128xi32, #tpu.memory_space<vmem>>
        %dma_wait3A_85 = tpu.memref_squeeze %dma_wait3A_84 : memref<1x128xi32, #tpu.memory_space<vmem>> -> memref<128xi32, #tpu.memory_space<vmem>>
        %dma_wait3A_86 = arith.constant 0 : i32
        %dma_wait3A_87 = arith.constant 0 : i32
        %dma_wait3A_88 = tpu.memref_slice %arg2[%dma_wait3A_86, %dma_wait3A_87] : memref<10000x64xf32, #tpu.memory_space<hbm>> -> memref<10000x64xf32, #tpu.memory_space<hbm>>
        tpu.wait_indirect_dma semaphore(%arg13 : memref<!tpu.dma_semaphore, #tpu.memory_space<semaphore_mem>>) src(%dma_wait3A_88 : memref<10000x64xf32, #tpu.memory_space<hbm>>) dst(%arg8 : memref<128x64xf32, #tpu.memory_space<vmem>>)
        "tpu.region"() ({
          %run_scoped3A_153 = tpu.sem_alloc : memref<!tpu.dma_semaphore, #tpu.memory_space<semaphore_mem>>
          %dma_start3A_154 = arith.constant 0 : i32
          %dma_start3A_155 = tpu.memref_slice %arg7[%add3A_82, %dma_start3A_154] : memref<80x128xi32, #tpu.memory_space<vmem>> -> memref<1x128xi32, #tpu.memory_space<vmem>>
          %dma_start3A_156 = tpu.memref_squeeze %dma_start3A_155 : memref<1x128xi32, #tpu.memory_space<vmem>> -> memref<128xi32, #tpu.memory_space<vmem>>
          %dma_start3A_157 = arith.constant 0 : i32
          %dma_start3A_158 = arith.constant 0 : i32
          %dma_start3A_159 = tpu.memref_slice %arg12[%dma_start3A_157, %dma_start3A_158] : memref<10112x64xf32, #tpu.memory_space<vmem_shared>> -> memref<10112x64xf32, #tpu.memory_space<vmem_shared>>
          tpu.enqueue_indirect_dma source(%arg8 : memref<128x64xf32, #tpu.memory_space<vmem>>) target(%dma_start3A_159 : memref<10112x64xf32, #tpu.memory_space<vmem_shared>>) offsets(%dma_start3A_156 : memref<128xi32, #tpu.memory_space<vmem>>) semaphore(%run_scoped3A_153 : memref<!tpu.dma_semaphore, #tpu.memory_space<semaphore_mem>>) {add = true}
          %dma_wait3A_160 = arith.constant 0 : i32
          %dma_wait3A_161 = tpu.memref_slice %arg7[%add3A_82, %dma_wait3A_160] : memref<80x128xi32, #tpu.memory_space<vmem>> -> memref<1x128xi32, #tpu.memory_space<vmem>>
          %dma_wait3A_162 = tpu.memref_squeeze %dma_wait3A_161 : memref<1x128xi32, #tpu.memory_space<vmem>> -> memref<128xi32, #tpu.memory_space<vmem>>
          %dma_wait3A_163 = arith.constant 0 : i32
          %dma_wait3A_164 = arith.constant 0 : i32
          %dma_wait3A_165 = tpu.memref_slice %arg12[%dma_wait3A_163, %dma_wait3A_164] : memref<10112x64xf32, #tpu.memory_space<vmem_shared>> -> memref<10112x64xf32, #tpu.memory_space<vmem_shared>>
          tpu.wait_indirect_dma semaphore(%run_scoped3A_153 : memref<!tpu.dma_semaphore, #tpu.memory_space<semaphore_mem>>) src(%arg8 : memref<128x64xf32, #tpu.memory_space<vmem>>) dst(%dma_wait3A_165 : memref<10112x64xf32, #tpu.memory_space<vmem_shared>>)
          tpu.yield
        }) : () -> ()
        %add3A_89 = arith.constant 4 : i32
        %add3A_90 = arith.addi %mul3A_81, %add3A_89 : i32
        %add3A_91 = arith.constant 0 : i32
        %add3A_92 = arith.addi %add3A_90, %add3A_91 : i32
        %dma_start3A_93 = arith.constant 0 : i32
        %dma_start3A_94 = tpu.memref_slice %arg6[%add3A_92, %dma_start3A_93] : memref<80x128xi32, #tpu.memory_space<vmem>> -> memref<1x128xi32, #tpu.memory_space<vmem>>
        %dma_start3A_95 = tpu.memref_squeeze %dma_start3A_94 : memref<1x128xi32, #tpu.memory_space<vmem>> -> memref<128xi32, #tpu.memory_space<vmem>>
        %dma_start3A_96 = arith.constant 0 : i32
        %dma_start3A_97 = arith.constant 0 : i32
        %dma_start3A_98 = tpu.memref_slice %arg2[%dma_start3A_96, %dma_start3A_97] : memref<10000x64xf32, #tpu.memory_space<hbm>> -> memref<10000x64xf32, #tpu.memory_space<hbm>>
        tpu.enqueue_indirect_dma source(%dma_start3A_98 : memref<10000x64xf32, #tpu.memory_space<hbm>>) target(%arg8 : memref<128x64xf32, #tpu.memory_space<vmem>>) offsets(%dma_start3A_95 : memref<128xi32, #tpu.memory_space<vmem>>) semaphore(%arg13 : memref<!tpu.dma_semaphore, #tpu.memory_space<semaphore_mem>>)
        %add3A_99 = arith.constant 1 : i32
        %add3A_100 = arith.addi %mul3A_81, %add3A_99 : i32
        %dma_wait3A_101 = arith.constant 0 : i32
        %dma_wait3A_102 = tpu.memref_slice %arg6[%add3A_100, %dma_wait3A_101] : memref<80x128xi32, #tpu.memory_space<vmem>> -> memref<1x128xi32, #tpu.memory_space<vmem>>
        %dma_wait3A_103 = tpu.memref_squeeze %dma_wait3A_102 : memref<1x128xi32, #tpu.memory_space<vmem>> -> memref<128xi32, #tpu.memory_space<vmem>>
        %dma_wait3A_104 = arith.constant 0 : i32
        %dma_wait3A_105 = arith.constant 0 : i32
        %dma_wait3A_106 = tpu.memref_slice %arg2[%dma_wait3A_104, %dma_wait3A_105] : memref<10000x64xf32, #tpu.memory_space<hbm>> -> memref<10000x64xf32, #tpu.memory_space<hbm>>
        tpu.wait_indirect_dma semaphore(%arg14 : memref<!tpu.dma_semaphore, #tpu.memory_space<semaphore_mem>>) src(%dma_wait3A_106 : memref<10000x64xf32, #tpu.memory_space<hbm>>) dst(%arg9 : memref<128x64xf32, #tpu.memory_space<vmem>>)
        "tpu.region"() ({
          %run_scoped3A_153 = tpu.sem_alloc : memref<!tpu.dma_semaphore, #tpu.memory_space<semaphore_mem>>
          %dma_start3A_154 = arith.constant 0 : i32
          %dma_start3A_155 = tpu.memref_slice %arg7[%add3A_100, %dma_start3A_154] : memref<80x128xi32, #tpu.memory_space<vmem>> -> memref<1x128xi32, #tpu.memory_space<vmem>>
          %dma_start3A_156 = tpu.memref_squeeze %dma_start3A_155 : memref<1x128xi32, #tpu.memory_space<vmem>> -> memref<128xi32, #tpu.memory_space<vmem>>
          %dma_start3A_157 = arith.constant 0 : i32
          %dma_start3A_158 = arith.constant 0 : i32
          %dma_start3A_159 = tpu.memref_slice %arg12[%dma_start3A_157, %dma_start3A_158] : memref<10112x64xf32, #tpu.memory_space<vmem_shared>> -> memref<10112x64xf32, #tpu.memory_space<vmem_shared>>
          tpu.enqueue_indirect_dma source(%arg9 : memref<128x64xf32, #tpu.memory_space<vmem>>) target(%dma_start3A_159 : memref<10112x64xf32, #tpu.memory_space<vmem_shared>>) offsets(%dma_start3A_156 : memref<128xi32, #tpu.memory_space<vmem>>) semaphore(%run_scoped3A_153 : memref<!tpu.dma_semaphore, #tpu.memory_space<semaphore_mem>>) {add = true}
          %dma_wait3A_160 = arith.constant 0 : i32
          %dma_wait3A_161 = tpu.memref_slice %arg7[%add3A_100, %dma_wait3A_160] : memref<80x128xi32, #tpu.memory_space<vmem>> -> memref<1x128xi32, #tpu.memory_space<vmem>>
          %dma_wait3A_162 = tpu.memref_squeeze %dma_wait3A_161 : memref<1x128xi32, #tpu.memory_space<vmem>> -> memref<128xi32, #tpu.memory_space<vmem>>
          %dma_wait3A_163 = arith.constant 0 : i32
          %dma_wait3A_164 = arith.constant 0 : i32
          %dma_wait3A_165 = tpu.memref_slice %arg12[%dma_wait3A_163, %dma_wait3A_164] : memref<10112x64xf32, #tpu.memory_space<vmem_shared>> -> memref<10112x64xf32, #tpu.memory_space<vmem_shared>>
          tpu.wait_indirect_dma semaphore(%run_scoped3A_153 : memref<!tpu.dma_semaphore, #tpu.memory_space<semaphore_mem>>) src(%arg9 : memref<128x64xf32, #tpu.memory_space<vmem>>) dst(%dma_wait3A_165 : memref<10112x64xf32, #tpu.memory_space<vmem_shared>>)
          tpu.yield
        }) : () -> ()
        %add3A_107 = arith.constant 4 : i32
        %add3A_108 = arith.addi %mul3A_81, %add3A_107 : i32
        %add3A_109 = arith.constant 1 : i32
        %add3A_110 = arith.addi %add3A_108, %add3A_109 : i32
        %dma_start3A_111 = arith.constant 0 : i32
        %dma_start3A_112 = tpu.memref_slice %arg6[%add3A_110, %dma_start3A_111] : memref<80x128xi32, #tpu.memory_space<vmem>> -> memref<1x128xi32, #tpu.memory_space<vmem>>
        %dma_start3A_113 = tpu.memref_squeeze %dma_start3A_112 : memref<1x128xi32, #tpu.memory_space<vmem>> -> memref<128xi32, #tpu.memory_space<vmem>>
        %dma_start3A_114 = arith.constant 0 : i32
        %dma_start3A_115 = arith.constant 0 : i32
        %dma_start3A_116 = tpu.memref_slice %arg2[%dma_start3A_114, %dma_start3A_115] : memref<10000x64xf32, #tpu.memory_space<hbm>> -> memref<10000x64xf32, #tpu.memory_space<hbm>>
        tpu.enqueue_indirect_dma source(%dma_start3A_116 : memref<10000x64xf32, #tpu.memory_space<hbm>>) target(%arg9 : memref<128x64xf32, #tpu.memory_space<vmem>>) offsets(%dma_start3A_113 : memref<128xi32, #tpu.memory_space<vmem>>) semaphore(%arg14 : memref<!tpu.dma_semaphore, #tpu.memory_space<semaphore_mem>>)
        %add3A_117 = arith.constant 2 : i32
        %add3A_118 = arith.addi %mul3A_81, %add3A_117 : i32
        %dma_wait3A_119 = arith.constant 0 : i32
        %dma_wait3A_120 = tpu.memref_slice %arg6[%add3A_118, %dma_wait3A_119] : memref<80x128xi32, #tpu.memory_space<vmem>> -> memref<1x128xi32, #tpu.memory_space<vmem>>
        %dma_wait3A_121 = tpu.memref_squeeze %dma_wait3A_120 : memref<1x128xi32, #tpu.memory_space<vmem>> -> memref<128xi32, #tpu.memory_space<vmem>>
        %dma_wait3A_122 = arith.constant 0 : i32
        %dma_wait3A_123 = arith.constant 0 : i32
        %dma_wait3A_124 = tpu.memref_slice %arg2[%dma_wait3A_122, %dma_wait3A_123] : memref<10000x64xf32, #tpu.memory_space<hbm>> -> memref<10000x64xf32, #tpu.memory_space<hbm>>
        tpu.wait_indirect_dma semaphore(%arg15 : memref<!tpu.dma_semaphore, #tpu.memory_space<semaphore_mem>>) src(%dma_wait3A_124 : memref<10000x64xf32, #tpu.memory_space<hbm>>) dst(%arg10 : memref<128x64xf32, #tpu.memory_space<vmem>>)
        "tpu.region"() ({
          %run_scoped3A_153 = tpu.sem_alloc : memref<!tpu.dma_semaphore, #tpu.memory_space<semaphore_mem>>
          %dma_start3A_154 = arith.constant 0 : i32
          %dma_start3A_155 = tpu.memref_slice %arg7[%add3A_118, %dma_start3A_154] : memref<80x128xi32, #tpu.memory_space<vmem>> -> memref<1x128xi32, #tpu.memory_space<vmem>>
          %dma_start3A_156 = tpu.memref_squeeze %dma_start3A_155 : memref<1x128xi32, #tpu.memory_space<vmem>> -> memref<128xi32, #tpu.memory_space<vmem>>
          %dma_start3A_157 = arith.constant 0 : i32
          %dma_start3A_158 = arith.constant 0 : i32
          %dma_start3A_159 = tpu.memref_slice %arg12[%dma_start3A_157, %dma_start3A_158] : memref<10112x64xf32, #tpu.memory_space<vmem_shared>> -> memref<10112x64xf32, #tpu.memory_space<vmem_shared>>
          tpu.enqueue_indirect_dma source(%arg10 : memref<128x64xf32, #tpu.memory_space<vmem>>) target(%dma_start3A_159 : memref<10112x64xf32, #tpu.memory_space<vmem_shared>>) offsets(%dma_start3A_156 : memref<128xi32, #tpu.memory_space<vmem>>) semaphore(%run_scoped3A_153 : memref<!tpu.dma_semaphore, #tpu.memory_space<semaphore_mem>>) {add = true}
          %dma_wait3A_160 = arith.constant 0 : i32
          %dma_wait3A_161 = tpu.memref_slice %arg7[%add3A_118, %dma_wait3A_160] : memref<80x128xi32, #tpu.memory_space<vmem>> -> memref<1x128xi32, #tpu.memory_space<vmem>>
          %dma_wait3A_162 = tpu.memref_squeeze %dma_wait3A_161 : memref<1x128xi32, #tpu.memory_space<vmem>> -> memref<128xi32, #tpu.memory_space<vmem>>
          %dma_wait3A_163 = arith.constant 0 : i32
          %dma_wait3A_164 = arith.constant 0 : i32
          %dma_wait3A_165 = tpu.memref_slice %arg12[%dma_wait3A_163, %dma_wait3A_164] : memref<10112x64xf32, #tpu.memory_space<vmem_shared>> -> memref<10112x64xf32, #tpu.memory_space<vmem_shared>>
          tpu.wait_indirect_dma semaphore(%run_scoped3A_153 : memref<!tpu.dma_semaphore, #tpu.memory_space<semaphore_mem>>) src(%arg10 : memref<128x64xf32, #tpu.memory_space<vmem>>) dst(%dma_wait3A_165 : memref<10112x64xf32, #tpu.memory_space<vmem_shared>>)
          tpu.yield
        }) : () -> ()
        %add3A_125 = arith.constant 4 : i32
        %add3A_126 = arith.addi %mul3A_81, %add3A_125 : i32
        %add3A_127 = arith.constant 2 : i32
        %add3A_128 = arith.addi %add3A_126, %add3A_127 : i32
        %dma_start3A_129 = arith.constant 0 : i32
        %dma_start3A_130 = tpu.memref_slice %arg6[%add3A_128, %dma_start3A_129] : memref<80x128xi32, #tpu.memory_space<vmem>> -> memref<1x128xi32, #tpu.memory_space<vmem>>
        %dma_start3A_131 = tpu.memref_squeeze %dma_start3A_130 : memref<1x128xi32, #tpu.memory_space<vmem>> -> memref<128xi32, #tpu.memory_space<vmem>>
        %dma_start3A_132 = arith.constant 0 : i32
        %dma_start3A_133 = arith.constant 0 : i32
        %dma_start3A_134 = tpu.memref_slice %arg2[%dma_start3A_132, %dma_start3A_133] : memref<10000x64xf32, #tpu.memory_space<hbm>> -> memref<10000x64xf32, #tpu.memory_space<hbm>>
        tpu.enqueue_indirect_dma source(%dma_start3A_134 : memref<10000x64xf32, #tpu.memory_space<hbm>>) target(%arg10 : memref<128x64xf32, #tpu.memory_space<vmem>>) offsets(%dma_start3A_131 : memref<128xi32, #tpu.memory_space<vmem>>) semaphore(%arg15 : memref<!tpu.dma_semaphore, #tpu.memory_space<semaphore_mem>>)
        %add3A_135 = arith.constant 3 : i32
        %add3A_136 = arith.addi %mul3A_81, %add3A_135 : i32
        %dma_wait3A_137 = arith.constant 0 : i32
        %dma_wait3A_138 = tpu.memref_slice %arg6[%add3A_136, %dma_wait3A_137] : memref<80x128xi32, #tpu.memory_space<vmem>> -> memref<1x128xi32, #tpu.memory_space<vmem>>
        %dma_wait3A_139 = tpu.memref_squeeze %dma_wait3A_138 : memref<1x128xi32, #tpu.memory_space<vmem>> -> memref<128xi32, #tpu.memory_space<vmem>>
        %dma_wait3A_140 = arith.constant 0 : i32
        %dma_wait3A_141 = arith.constant 0 : i32
        %dma_wait3A_142 = tpu.memref_slice %arg2[%dma_wait3A_140, %dma_wait3A_141] : memref<10000x64xf32, #tpu.memory_space<hbm>> -> memref<10000x64xf32, #tpu.memory_space<hbm>>
        tpu.wait_indirect_dma semaphore(%arg16 : memref<!tpu.dma_semaphore, #tpu.memory_space<semaphore_mem>>) src(%dma_wait3A_142 : memref<10000x64xf32, #tpu.memory_space<hbm>>) dst(%arg11 : memref<128x64xf32, #tpu.memory_space<vmem>>)
        "tpu.region"() ({
          %run_scoped3A_153 = tpu.sem_alloc : memref<!tpu.dma_semaphore, #tpu.memory_space<semaphore_mem>>
          %dma_start3A_154 = arith.constant 0 : i32
          %dma_start3A_155 = tpu.memref_slice %arg7[%add3A_136, %dma_start3A_154] : memref<80x128xi32, #tpu.memory_space<vmem>> -> memref<1x128xi32, #tpu.memory_space<vmem>>
          %dma_start3A_156 = tpu.memref_squeeze %dma_start3A_155 : memref<1x128xi32, #tpu.memory_space<vmem>> -> memref<128xi32, #tpu.memory_space<vmem>>
          %dma_start3A_157 = arith.constant 0 : i32
          %dma_start3A_158 = arith.constant 0 : i32
          %dma_start3A_159 = tpu.memref_slice %arg12[%dma_start3A_157, %dma_start3A_158] : memref<10112x64xf32, #tpu.memory_space<vmem_shared>> -> memref<10112x64xf32, #tpu.memory_space<vmem_shared>>
          tpu.enqueue_indirect_dma source(%arg11 : memref<128x64xf32, #tpu.memory_space<vmem>>) target(%dma_start3A_159 : memref<10112x64xf32, #tpu.memory_space<vmem_shared>>) offsets(%dma_start3A_156 : memref<128xi32, #tpu.memory_space<vmem>>) semaphore(%run_scoped3A_153 : memref<!tpu.dma_semaphore, #tpu.memory_space<semaphore_mem>>) {add = true}
          %dma_wait3A_160 = arith.constant 0 : i32
          %dma_wait3A_161 = tpu.memref_slice %arg7[%add3A_136, %dma_wait3A_160] : memref<80x128xi32, #tpu.memory_space<vmem>> -> memref<1x128xi32, #tpu.memory_space<vmem>>
          %dma_wait3A_162 = tpu.memref_squeeze %dma_wait3A_161 : memref<1x128xi32, #tpu.memory_space<vmem>> -> memref<128xi32, #tpu.memory_space<vmem>>
          %dma_wait3A_163 = arith.constant 0 : i32
          %dma_wait3A_164 = arith.constant 0 : i32
          %dma_wait3A_165 = tpu.memref_slice %arg12[%dma_wait3A_163, %dma_wait3A_164] : memref<10112x64xf32, #tpu.memory_space<vmem_shared>> -> memref<10112x64xf32, #tpu.memory_space<vmem_shared>>
          tpu.wait_indirect_dma semaphore(%run_scoped3A_153 : memref<!tpu.dma_semaphore, #tpu.memory_space<semaphore_mem>>) src(%arg11 : memref<128x64xf32, #tpu.memory_space<vmem>>) dst(%dma_wait3A_165 : memref<10112x64xf32, #tpu.memory_space<vmem_shared>>)
          tpu.yield
        }) : () -> ()
        %add3A_143 = arith.constant 4 : i32
        %add3A_144 = arith.addi %mul3A_81, %add3A_143 : i32
        %add3A_145 = arith.constant 3 : i32
        %add3A_146 = arith.addi %add3A_144, %add3A_145 : i32
        %dma_start3A_147 = arith.constant 0 : i32
        %dma_start3A_148 = tpu.memref_slice %arg6[%add3A_146, %dma_start3A_147] : memref<80x128xi32, #tpu.memory_space<vmem>> -> memref<1x128xi32, #tpu.memory_space<vmem>>
        %dma_start3A_149 = tpu.memref_squeeze %dma_start3A_148 : memref<1x128xi32, #tpu.memory_space<vmem>> -> memref<128xi32, #tpu.memory_space<vmem>>
        %dma_start3A_150 = arith.constant 0 : i32
        %dma_start3A_151 = arith.constant 0 : i32
        %dma_start3A_152 = tpu.memref_slice %arg2[%dma_start3A_150, %dma_start3A_151] : memref<10000x64xf32, #tpu.memory_space<hbm>> -> memref<10000x64xf32, #tpu.memory_space<hbm>>
        tpu.enqueue_indirect_dma source(%dma_start3A_152 : memref<10000x64xf32, #tpu.memory_space<hbm>>) target(%arg11 : memref<128x64xf32, #tpu.memory_space<vmem>>) offsets(%dma_start3A_149 : memref<128xi32, #tpu.memory_space<vmem>>) semaphore(%arg16 : memref<!tpu.dma_semaphore, #tpu.memory_space<semaphore_mem>>)
      }
      %scan3A_47 = arith.constant 19 : i32
      %dma_wait3A = arith.constant 76 : i32
      %dma_wait3A_48 = arith.constant 0 : i32
      %dma_wait3A_49 = tpu.memref_slice %arg6[%dma_wait3A, %dma_wait3A_48] : memref<80x128xi32, #tpu.memory_space<vmem>> -> memref<1x128xi32, #tpu.memory_space<vmem>>
      %dma_wait3A_50 = tpu.memref_squeeze %dma_wait3A_49 : memref<1x128xi32, #tpu.memory_space<vmem>> -> memref<128xi32, #tpu.memory_space<vmem>>
      %dma_wait3A_51 = arith.constant 0 : i32
      %dma_wait3A_52 = arith.constant 0 : i32
      %dma_wait3A_53 = tpu.memref_slice %arg2[%dma_wait3A_51, %dma_wait3A_52] : memref<10000x64xf32, #tpu.memory_space<hbm>> -> memref<10000x64xf32, #tpu.memory_space<hbm>>
      tpu.wait_indirect_dma semaphore(%arg13 : memref<!tpu.dma_semaphore, #tpu.memory_space<semaphore_mem>>) src(%dma_wait3A_53 : memref<10000x64xf32, #tpu.memory_space<hbm>>) dst(%arg8 : memref<128x64xf32, #tpu.memory_space<vmem>>)
      %run_scoped3A_54 = arith.constant 76 : i32
      "tpu.region"() ({
        %run_scoped3A_79 = tpu.sem_alloc : memref<!tpu.dma_semaphore, #tpu.memory_space<semaphore_mem>>
        %dma_start3A_80 = arith.constant 0 : i32
        %dma_start3A_81 = tpu.memref_slice %arg7[%run_scoped3A_54, %dma_start3A_80] : memref<80x128xi32, #tpu.memory_space<vmem>> -> memref<1x128xi32, #tpu.memory_space<vmem>>
        %dma_start3A_82 = tpu.memref_squeeze %dma_start3A_81 : memref<1x128xi32, #tpu.memory_space<vmem>> -> memref<128xi32, #tpu.memory_space<vmem>>
        %dma_start3A_83 = arith.constant 0 : i32
        %dma_start3A_84 = arith.constant 0 : i32
        %dma_start3A_85 = tpu.memref_slice %arg12[%dma_start3A_83, %dma_start3A_84] : memref<10112x64xf32, #tpu.memory_space<vmem_shared>> -> memref<10112x64xf32, #tpu.memory_space<vmem_shared>>
        tpu.enqueue_indirect_dma source(%arg8 : memref<128x64xf32, #tpu.memory_space<vmem>>) target(%dma_start3A_85 : memref<10112x64xf32, #tpu.memory_space<vmem_shared>>) offsets(%dma_start3A_82 : memref<128xi32, #tpu.memory_space<vmem>>) semaphore(%run_scoped3A_79 : memref<!tpu.dma_semaphore, #tpu.memory_space<semaphore_mem>>) {add = true}
        %dma_wait3A_86 = arith.constant 0 : i32
        %dma_wait3A_87 = tpu.memref_slice %arg7[%run_scoped3A_54, %dma_wait3A_86] : memref<80x128xi32, #tpu.memory_space<vmem>> -> memref<1x128xi32, #tpu.memory_space<vmem>>
        %dma_wait3A_88 = tpu.memref_squeeze %dma_wait3A_87 : memref<1x128xi32, #tpu.memory_space<vmem>> -> memref<128xi32, #tpu.memory_space<vmem>>
        %dma_wait3A_89 = arith.constant 0 : i32
        %dma_wait3A_90 = arith.constant 0 : i32
        %dma_wait3A_91 = tpu.memref_slice %arg12[%dma_wait3A_89, %dma_wait3A_90] : memref<10112x64xf32, #tpu.memory_space<vmem_shared>> -> memref<10112x64xf32, #tpu.memory_space<vmem_shared>>
        tpu.wait_indirect_dma semaphore(%run_scoped3A_79 : memref<!tpu.dma_semaphore, #tpu.memory_space<semaphore_mem>>) src(%arg8 : memref<128x64xf32, #tpu.memory_space<vmem>>) dst(%dma_wait3A_91 : memref<10112x64xf32, #tpu.memory_space<vmem_shared>>)
        tpu.yield
      }) : () -> ()
      %dma_wait3A_55 = arith.constant 77 : i32
      %dma_wait3A_56 = arith.constant 0 : i32
      %dma_wait3A_57 = tpu.memref_slice %arg6[%dma_wait3A_55, %dma_wait3A_56] : memref<80x128xi32, #tpu.memory_space<vmem>> -> memref<1x128xi32, #tpu.memory_space<vmem>>
      %dma_wait3A_58 = tpu.memref_squeeze %dma_wait3A_57 : memref<1x128xi32, #tpu.memory_space<vmem>> -> memref<128xi32, #tpu.memory_space<vmem>>
      %dma_wait3A_59 = arith.constant 0 : i32
      %dma_wait3A_60 = arith.constant 0 : i32
      %dma_wait3A_61 = tpu.memref_slice %arg2[%dma_wait3A_59, %dma_wait3A_60] : memref<10000x64xf32, #tpu.memory_space<hbm>> -> memref<10000x64xf32, #tpu.memory_space<hbm>>
      tpu.wait_indirect_dma semaphore(%arg14 : memref<!tpu.dma_semaphore, #tpu.memory_space<semaphore_mem>>) src(%dma_wait3A_61 : memref<10000x64xf32, #tpu.memory_space<hbm>>) dst(%arg9 : memref<128x64xf32, #tpu.memory_space<vmem>>)
      %run_scoped3A_62 = arith.constant 77 : i32
      "tpu.region"() ({
        %run_scoped3A_79 = tpu.sem_alloc : memref<!tpu.dma_semaphore, #tpu.memory_space<semaphore_mem>>
        %dma_start3A_80 = arith.constant 0 : i32
        %dma_start3A_81 = tpu.memref_slice %arg7[%run_scoped3A_62, %dma_start3A_80] : memref<80x128xi32, #tpu.memory_space<vmem>> -> memref<1x128xi32, #tpu.memory_space<vmem>>
        %dma_start3A_82 = tpu.memref_squeeze %dma_start3A_81 : memref<1x128xi32, #tpu.memory_space<vmem>> -> memref<128xi32, #tpu.memory_space<vmem>>
        %dma_start3A_83 = arith.constant 0 : i32
        %dma_start3A_84 = arith.constant 0 : i32
        %dma_start3A_85 = tpu.memref_slice %arg12[%dma_start3A_83, %dma_start3A_84] : memref<10112x64xf32, #tpu.memory_space<vmem_shared>> -> memref<10112x64xf32, #tpu.memory_space<vmem_shared>>
        tpu.enqueue_indirect_dma source(%arg9 : memref<128x64xf32, #tpu.memory_space<vmem>>) target(%dma_start3A_85 : memref<10112x64xf32, #tpu.memory_space<vmem_shared>>) offsets(%dma_start3A_82 : memref<128xi32, #tpu.memory_space<vmem>>) semaphore(%run_scoped3A_79 : memref<!tpu.dma_semaphore, #tpu.memory_space<semaphore_mem>>) {add = true}
        %dma_wait3A_86 = arith.constant 0 : i32
        %dma_wait3A_87 = tpu.memref_slice %arg7[%run_scoped3A_62, %dma_wait3A_86] : memref<80x128xi32, #tpu.memory_space<vmem>> -> memref<1x128xi32, #tpu.memory_space<vmem>>
        %dma_wait3A_88 = tpu.memref_squeeze %dma_wait3A_87 : memref<1x128xi32, #tpu.memory_space<vmem>> -> memref<128xi32, #tpu.memory_space<vmem>>
        %dma_wait3A_89 = arith.constant 0 : i32
        %dma_wait3A_90 = arith.constant 0 : i32
        %dma_wait3A_91 = tpu.memref_slice %arg12[%dma_wait3A_89, %dma_wait3A_90] : memref<10112x64xf32, #tpu.memory_space<vmem_shared>> -> memref<10112x64xf32, #tpu.memory_space<vmem_shared>>
        tpu.wait_indirect_dma semaphore(%run_scoped3A_79 : memref<!tpu.dma_semaphore, #tpu.memory_space<semaphore_mem>>) src(%arg9 : memref<128x64xf32, #tpu.memory_space<vmem>>) dst(%dma_wait3A_91 : memref<10112x64xf32, #tpu.memory_space<vmem_shared>>)
        tpu.yield
      }) : () -> ()
      %dma_wait3A_63 = arith.constant 78 : i32
      %dma_wait3A_64 = arith.constant 0 : i32
      %dma_wait3A_65 = tpu.memref_slice %arg6[%dma_wait3A_63, %dma_wait3A_64] : memref<80x128xi32, #tpu.memory_space<vmem>> -> memref<1x128xi32, #tpu.memory_space<vmem>>
      %dma_wait3A_66 = tpu.memref_squeeze %dma_wait3A_65 : memref<1x128xi32, #tpu.memory_space<vmem>> -> memref<128xi32, #tpu.memory_space<vmem>>
      %dma_wait3A_67 = arith.constant 0 : i32
      %dma_wait3A_68 = arith.constant 0 : i32
      %dma_wait3A_69 = tpu.memref_slice %arg2[%dma_wait3A_67, %dma_wait3A_68] : memref<10000x64xf32, #tpu.memory_space<hbm>> -> memref<10000x64xf32, #tpu.memory_space<hbm>>
      tpu.wait_indirect_dma semaphore(%arg15 : memref<!tpu.dma_semaphore, #tpu.memory_space<semaphore_mem>>) src(%dma_wait3A_69 : memref<10000x64xf32, #tpu.memory_space<hbm>>) dst(%arg10 : memref<128x64xf32, #tpu.memory_space<vmem>>)
      %run_scoped3A_70 = arith.constant 78 : i32
      "tpu.region"() ({
        %run_scoped3A_79 = tpu.sem_alloc : memref<!tpu.dma_semaphore, #tpu.memory_space<semaphore_mem>>
        %dma_start3A_80 = arith.constant 0 : i32
        %dma_start3A_81 = tpu.memref_slice %arg7[%run_scoped3A_70, %dma_start3A_80] : memref<80x128xi32, #tpu.memory_space<vmem>> -> memref<1x128xi32, #tpu.memory_space<vmem>>
        %dma_start3A_82 = tpu.memref_squeeze %dma_start3A_81 : memref<1x128xi32, #tpu.memory_space<vmem>> -> memref<128xi32, #tpu.memory_space<vmem>>
        %dma_start3A_83 = arith.constant 0 : i32
        %dma_start3A_84 = arith.constant 0 : i32
        %dma_start3A_85 = tpu.memref_slice %arg12[%dma_start3A_83, %dma_start3A_84] : memref<10112x64xf32, #tpu.memory_space<vmem_shared>> -> memref<10112x64xf32, #tpu.memory_space<vmem_shared>>
        tpu.enqueue_indirect_dma source(%arg10 : memref<128x64xf32, #tpu.memory_space<vmem>>) target(%dma_start3A_85 : memref<10112x64xf32, #tpu.memory_space<vmem_shared>>) offsets(%dma_start3A_82 : memref<128xi32, #tpu.memory_space<vmem>>) semaphore(%run_scoped3A_79 : memref<!tpu.dma_semaphore, #tpu.memory_space<semaphore_mem>>) {add = true}
        %dma_wait3A_86 = arith.constant 0 : i32
        %dma_wait3A_87 = tpu.memref_slice %arg7[%run_scoped3A_70, %dma_wait3A_86] : memref<80x128xi32, #tpu.memory_space<vmem>> -> memref<1x128xi32, #tpu.memory_space<vmem>>
        %dma_wait3A_88 = tpu.memref_squeeze %dma_wait3A_87 : memref<1x128xi32, #tpu.memory_space<vmem>> -> memref<128xi32, #tpu.memory_space<vmem>>
        %dma_wait3A_89 = arith.constant 0 : i32
        %dma_wait3A_90 = arith.constant 0 : i32
        %dma_wait3A_91 = tpu.memref_slice %arg12[%dma_wait3A_89, %dma_wait3A_90] : memref<10112x64xf32, #tpu.memory_space<vmem_shared>> -> memref<10112x64xf32, #tpu.memory_space<vmem_shared>>
        tpu.wait_indirect_dma semaphore(%run_scoped3A_79 : memref<!tpu.dma_semaphore, #tpu.memory_space<semaphore_mem>>) src(%arg10 : memref<128x64xf32, #tpu.memory_space<vmem>>) dst(%dma_wait3A_91 : memref<10112x64xf32, #tpu.memory_space<vmem_shared>>)
        tpu.yield
      }) : () -> ()
      %dma_wait3A_71 = arith.constant 79 : i32
      %dma_wait3A_72 = arith.constant 0 : i32
      %dma_wait3A_73 = tpu.memref_slice %arg6[%dma_wait3A_71, %dma_wait3A_72] : memref<80x128xi32, #tpu.memory_space<vmem>> -> memref<1x128xi32, #tpu.memory_space<vmem>>
      %dma_wait3A_74 = tpu.memref_squeeze %dma_wait3A_73 : memref<1x128xi32, #tpu.memory_space<vmem>> -> memref<128xi32, #tpu.memory_space<vmem>>
      %dma_wait3A_75 = arith.constant 0 : i32
      %dma_wait3A_76 = arith.constant 0 : i32
      %dma_wait3A_77 = tpu.memref_slice %arg2[%dma_wait3A_75, %dma_wait3A_76] : memref<10000x64xf32, #tpu.memory_space<hbm>> -> memref<10000x64xf32, #tpu.memory_space<hbm>>
      tpu.wait_indirect_dma semaphore(%arg16 : memref<!tpu.dma_semaphore, #tpu.memory_space<semaphore_mem>>) src(%dma_wait3A_77 : memref<10000x64xf32, #tpu.memory_space<hbm>>) dst(%arg11 : memref<128x64xf32, #tpu.memory_space<vmem>>)
      %run_scoped3A_78 = arith.constant 79 : i32
      "tpu.region"() ({
        %run_scoped3A_79 = tpu.sem_alloc : memref<!tpu.dma_semaphore, #tpu.memory_space<semaphore_mem>>
        %dma_start3A_80 = arith.constant 0 : i32
        %dma_start3A_81 = tpu.memref_slice %arg7[%run_scoped3A_78, %dma_start3A_80] : memref<80x128xi32, #tpu.memory_space<vmem>> -> memref<1x128xi32, #tpu.memory_space<vmem>>
        %dma_start3A_82 = tpu.memref_squeeze %dma_start3A_81 : memref<1x128xi32, #tpu.memory_space<vmem>> -> memref<128xi32, #tpu.memory_space<vmem>>
        %dma_start3A_83 = arith.constant 0 : i32
        %dma_start3A_84 = arith.constant 0 : i32
        %dma_start3A_85 = tpu.memref_slice %arg12[%dma_start3A_83, %dma_start3A_84] : memref<10112x64xf32, #tpu.memory_space<vmem_shared>> -> memref<10112x64xf32, #tpu.memory_space<vmem_shared>>
        tpu.enqueue_indirect_dma source(%arg11 : memref<128x64xf32, #tpu.memory_space<vmem>>) target(%dma_start3A_85 : memref<10112x64xf32, #tpu.memory_space<vmem_shared>>) offsets(%dma_start3A_82 : memref<128xi32, #tpu.memory_space<vmem>>) semaphore(%run_scoped3A_79 : memref<!tpu.dma_semaphore, #tpu.memory_space<semaphore_mem>>) {add = true}
        %dma_wait3A_86 = arith.constant 0 : i32
        %dma_wait3A_87 = tpu.memref_slice %arg7[%run_scoped3A_78, %dma_wait3A_86] : memref<80x128xi32, #tpu.memory_space<vmem>> -> memref<1x128xi32, #tpu.memory_space<vmem>>
        %dma_wait3A_88 = tpu.memref_squeeze %dma_wait3A_87 : memref<1x128xi32, #tpu.memory_space<vmem>> -> memref<128xi32, #tpu.memory_space<vmem>>
        %dma_wait3A_89 = arith.constant 0 : i32
        %dma_wait3A_90 = arith.constant 0 : i32
        %dma_wait3A_91 = tpu.memref_slice %arg12[%dma_wait3A_89, %dma_wait3A_90] : memref<10112x64xf32, #tpu.memory_space<vmem_shared>> -> memref<10112x64xf32, #tpu.memory_space<vmem_shared>>
        tpu.wait_indirect_dma semaphore(%run_scoped3A_79 : memref<!tpu.dma_semaphore, #tpu.memory_space<semaphore_mem>>) src(%arg11 : memref<128x64xf32, #tpu.memory_space<vmem>>) dst(%dma_wait3A_91 : memref<10112x64xf32, #tpu.memory_space<vmem_shared>>)
        tpu.yield
      }) : () -> ()
    } else {
    }
    %eq3A_3 = arith.constant 1 : i32
    %eq3A_4 = arith.cmpi eq, %arg0, %eq3A_3 : i32
    %convert_element_type3A_5 = arith.extui %eq3A_4 : i1 to i32
    %cond3A_6 = arith.constant 0 : i32
    %cond3A_7 = arith.cmpi ne, %convert_element_type3A_5, %cond3A_6 : i32
    scf.if %cond3A_7 {
      %mul3A_13 = arith.constant 80 : i32
      %mul3A_14 = arith.muli %arg1, %mul3A_13 : i32
      %add3A = arith.constant 1280 : i32
      %add3A_15 = arith.addi %add3A, %mul3A_14 : i32
      %run_scoped3A = arith.constant 0 : i32
      "tpu.region"() ({
        %run_scoped3A_80 = tpu.sem_alloc : memref<!tpu.dma_semaphore, #tpu.memory_space<semaphore_mem>>
        %dma_start3A_81 = arith.constant 0 : i32
        %dma_start3A_82 = arith.constant 0 : i32
        %dma_start3A_83 = tpu.memref_slice %arg6[%dma_start3A_81, %dma_start3A_82] : memref<80x128xi32, #tpu.memory_space<vmem>> -> memref<80x128xi32, #tpu.memory_space<vmem>>
        %dma_start3A_84 = arith.constant 0 : i32
        %dma_start3A_85 = tpu.memref_slice %arg3[%run_scoped3A, %add3A_15, %dma_start3A_84] : memref<2x2560x128xi32, #tpu.memory_space<hbm>> -> memref<1x80x128xi32, #tpu.memory_space<hbm>>
        %dma_start3A_86 = tpu.memref_squeeze %dma_start3A_85 : memref<1x80x128xi32, #tpu.memory_space<hbm>> -> memref<80x128xi32, #tpu.memory_space<hbm>>
        %dma_start3A_87 = arith.constant 0 : i32
        %dma_start3A_88 = arith.constant 0 : i32
        %dma_start3A_89 = tpu.memref_slice %arg6[%dma_start3A_87, %dma_start3A_88] : memref<80x128xi32, #tpu.memory_space<vmem>> -> memref<80x128xi32, #tpu.memory_space<vmem>>
        %dma_start3A_90 = arith.constant 0 : i32
        %dma_start3A_91 = tpu.memref_slice %arg3[%run_scoped3A, %add3A_15, %dma_start3A_90] : memref<2x2560x128xi32, #tpu.memory_space<hbm>> -> memref<1x80x128xi32, #tpu.memory_space<hbm>>
        %dma_start3A_92 = tpu.memref_squeeze %dma_start3A_91 : memref<1x80x128xi32, #tpu.memory_space<hbm>> -> memref<80x128xi32, #tpu.memory_space<hbm>>
        tpu.enqueue_dma source(%dma_start3A_92 : memref<80x128xi32, #tpu.memory_space<hbm>>) target(%dma_start3A_89 : memref<80x128xi32, #tpu.memory_space<vmem>>) target_semaphore(%run_scoped3A_80 : memref<!tpu.dma_semaphore, #tpu.memory_space<semaphore_mem>>)
        %dma_wait3A_93 = arith.constant 0 : i32
        %dma_wait3A_94 = arith.constant 0 : i32
        %dma_wait3A_95 = tpu.memref_slice %arg6[%dma_wait3A_93, %dma_wait3A_94] : memref<80x128xi32, #tpu.memory_space<vmem>> -> memref<80x128xi32, #tpu.memory_space<vmem>>
        %dma_wait3A_96 = arith.constant 0 : i32
        %dma_wait3A_97 = tpu.memref_slice %arg3[%run_scoped3A, %add3A_15, %dma_wait3A_96] : memref<2x2560x128xi32, #tpu.memory_space<hbm>> -> memref<1x80x128xi32, #tpu.memory_space<hbm>>
        %dma_wait3A_98 = tpu.memref_squeeze %dma_wait3A_97 : memref<1x80x128xi32, #tpu.memory_space<hbm>> -> memref<80x128xi32, #tpu.memory_space<hbm>>
        %dma_wait3A_99 = arith.constant 0 : i32
        %dma_wait3A_100 = arith.constant 0 : i32
        %dma_wait3A_101 = tpu.memref_slice %arg6[%dma_wait3A_99, %dma_wait3A_100] : memref<80x128xi32, #tpu.memory_space<vmem>> -> memref<80x128xi32, #tpu.memory_space<vmem>>
        %dma_wait3A_102 = arith.constant 0 : i32
        %dma_wait3A_103 = tpu.memref_slice %arg3[%run_scoped3A, %add3A_15, %dma_wait3A_102] : memref<2x2560x128xi32, #tpu.memory_space<hbm>> -> memref<1x80x128xi32, #tpu.memory_space<hbm>>
        %dma_wait3A_104 = tpu.memref_squeeze %dma_wait3A_103 : memref<1x80x128xi32, #tpu.memory_space<hbm>> -> memref<80x128xi32, #tpu.memory_space<hbm>>
        tpu.wait_dma2 semaphore(%run_scoped3A_80 : memref<!tpu.dma_semaphore, #tpu.memory_space<semaphore_mem>>) src(%dma_wait3A_104 : memref<80x128xi32, #tpu.memory_space<hbm>>) dst(%dma_wait3A_101 : memref<80x128xi32, #tpu.memory_space<vmem>>)
        tpu.yield
      }) : () -> ()
      %run_scoped3A_16 = arith.constant 1 : i32
      "tpu.region"() ({
        %run_scoped3A_80 = tpu.sem_alloc : memref<!tpu.dma_semaphore, #tpu.memory_space<semaphore_mem>>
        %dma_start3A_81 = arith.constant 0 : i32
        %dma_start3A_82 = arith.constant 0 : i32
        %dma_start3A_83 = tpu.memref_slice %arg7[%dma_start3A_81, %dma_start3A_82] : memref<80x128xi32, #tpu.memory_space<vmem>> -> memref<80x128xi32, #tpu.memory_space<vmem>>
        %dma_start3A_84 = arith.constant 0 : i32
        %dma_start3A_85 = tpu.memref_slice %arg3[%run_scoped3A_16, %add3A_15, %dma_start3A_84] : memref<2x2560x128xi32, #tpu.memory_space<hbm>> -> memref<1x80x128xi32, #tpu.memory_space<hbm>>
        %dma_start3A_86 = tpu.memref_squeeze %dma_start3A_85 : memref<1x80x128xi32, #tpu.memory_space<hbm>> -> memref<80x128xi32, #tpu.memory_space<hbm>>
        %dma_start3A_87 = arith.constant 0 : i32
        %dma_start3A_88 = arith.constant 0 : i32
        %dma_start3A_89 = tpu.memref_slice %arg7[%dma_start3A_87, %dma_start3A_88] : memref<80x128xi32, #tpu.memory_space<vmem>> -> memref<80x128xi32, #tpu.memory_space<vmem>>
        %dma_start3A_90 = arith.constant 0 : i32
        %dma_start3A_91 = tpu.memref_slice %arg3[%run_scoped3A_16, %add3A_15, %dma_start3A_90] : memref<2x2560x128xi32, #tpu.memory_space<hbm>> -> memref<1x80x128xi32, #tpu.memory_space<hbm>>
        %dma_start3A_92 = tpu.memref_squeeze %dma_start3A_91 : memref<1x80x128xi32, #tpu.memory_space<hbm>> -> memref<80x128xi32, #tpu.memory_space<hbm>>
        tpu.enqueue_dma source(%dma_start3A_92 : memref<80x128xi32, #tpu.memory_space<hbm>>) target(%dma_start3A_89 : memref<80x128xi32, #tpu.memory_space<vmem>>) target_semaphore(%run_scoped3A_80 : memref<!tpu.dma_semaphore, #tpu.memory_space<semaphore_mem>>)
        %dma_wait3A_93 = arith.constant 0 : i32
        %dma_wait3A_94 = arith.constant 0 : i32
        %dma_wait3A_95 = tpu.memref_slice %arg7[%dma_wait3A_93, %dma_wait3A_94] : memref<80x128xi32, #tpu.memory_space<vmem>> -> memref<80x128xi32, #tpu.memory_space<vmem>>
        %dma_wait3A_96 = arith.constant 0 : i32
        %dma_wait3A_97 = tpu.memref_slice %arg3[%run_scoped3A_16, %add3A_15, %dma_wait3A_96] : memref<2x2560x128xi32, #tpu.memory_space<hbm>> -> memref<1x80x128xi32, #tpu.memory_space<hbm>>
        %dma_wait3A_98 = tpu.memref_squeeze %dma_wait3A_97 : memref<1x80x128xi32, #tpu.memory_space<hbm>> -> memref<80x128xi32, #tpu.memory_space<hbm>>
        %dma_wait3A_99 = arith.constant 0 : i32
        %dma_wait3A_100 = arith.constant 0 : i32
        %dma_wait3A_101 = tpu.memref_slice %arg7[%dma_wait3A_99, %dma_wait3A_100] : memref<80x128xi32, #tpu.memory_space<vmem>> -> memref<80x128xi32, #tpu.memory_space<vmem>>
        %dma_wait3A_102 = arith.constant 0 : i32
        %dma_wait3A_103 = tpu.memref_slice %arg3[%run_scoped3A_16, %add3A_15, %dma_wait3A_102] : memref<2x2560x128xi32, #tpu.memory_space<hbm>> -> memref<1x80x128xi32, #tpu.memory_space<hbm>>
        %dma_wait3A_104 = tpu.memref_squeeze %dma_wait3A_103 : memref<1x80x128xi32, #tpu.memory_space<hbm>> -> memref<80x128xi32, #tpu.memory_space<hbm>>
        tpu.wait_dma2 semaphore(%run_scoped3A_80 : memref<!tpu.dma_semaphore, #tpu.memory_space<semaphore_mem>>) src(%dma_wait3A_104 : memref<80x128xi32, #tpu.memory_space<hbm>>) dst(%dma_wait3A_101 : memref<80x128xi32, #tpu.memory_space<vmem>>)
        tpu.yield
      }) : () -> ()
      %dma_start3A = arith.constant 0 : i32
      %dma_start3A_17 = arith.constant 0 : i32
      %dma_start3A_18 = tpu.memref_slice %arg6[%dma_start3A, %dma_start3A_17] : memref<80x128xi32, #tpu.memory_space<vmem>> -> memref<1x128xi32, #tpu.memory_space<vmem>>
      %dma_start3A_19 = tpu.memref_squeeze %dma_start3A_18 : memref<1x128xi32, #tpu.memory_space<vmem>> -> memref<128xi32, #tpu.memory_space<vmem>>
      %dma_start3A_20 = arith.constant 0 : i32
      %dma_start3A_21 = arith.constant 0 : i32
      %dma_start3A_22 = tpu.memref_slice %arg2[%dma_start3A_20, %dma_start3A_21] : memref<10000x64xf32, #tpu.memory_space<hbm>> -> memref<10000x64xf32, #tpu.memory_space<hbm>>
      tpu.enqueue_indirect_dma source(%dma_start3A_22 : memref<10000x64xf32, #tpu.memory_space<hbm>>) target(%arg8 : memref<128x64xf32, #tpu.memory_space<vmem>>) offsets(%dma_start3A_19 : memref<128xi32, #tpu.memory_space<vmem>>) semaphore(%arg13 : memref<!tpu.dma_semaphore, #tpu.memory_space<semaphore_mem>>)
      %dma_start3A_23 = arith.constant 1 : i32
      %dma_start3A_24 = arith.constant 0 : i32
      %dma_start3A_25 = tpu.memref_slice %arg6[%dma_start3A_23, %dma_start3A_24] : memref<80x128xi32, #tpu.memory_space<vmem>> -> memref<1x128xi32, #tpu.memory_space<vmem>>
      %dma_start3A_26 = tpu.memref_squeeze %dma_start3A_25 : memref<1x128xi32, #tpu.memory_space<vmem>> -> memref<128xi32, #tpu.memory_space<vmem>>
      %dma_start3A_27 = arith.constant 0 : i32
      %dma_start3A_28 = arith.constant 0 : i32
      %dma_start3A_29 = tpu.memref_slice %arg2[%dma_start3A_27, %dma_start3A_28] : memref<10000x64xf32, #tpu.memory_space<hbm>> -> memref<10000x64xf32, #tpu.memory_space<hbm>>
      tpu.enqueue_indirect_dma source(%dma_start3A_29 : memref<10000x64xf32, #tpu.memory_space<hbm>>) target(%arg9 : memref<128x64xf32, #tpu.memory_space<vmem>>) offsets(%dma_start3A_26 : memref<128xi32, #tpu.memory_space<vmem>>) semaphore(%arg14 : memref<!tpu.dma_semaphore, #tpu.memory_space<semaphore_mem>>)
      %dma_start3A_30 = arith.constant 2 : i32
      %dma_start3A_31 = arith.constant 0 : i32
      %dma_start3A_32 = tpu.memref_slice %arg6[%dma_start3A_30, %dma_start3A_31] : memref<80x128xi32, #tpu.memory_space<vmem>> -> memref<1x128xi32, #tpu.memory_space<vmem>>
      %dma_start3A_33 = tpu.memref_squeeze %dma_start3A_32 : memref<1x128xi32, #tpu.memory_space<vmem>> -> memref<128xi32, #tpu.memory_space<vmem>>
      %dma_start3A_34 = arith.constant 0 : i32
      %dma_start3A_35 = arith.constant 0 : i32
      %dma_start3A_36 = tpu.memref_slice %arg2[%dma_start3A_34, %dma_start3A_35] : memref<10000x64xf32, #tpu.memory_space<hbm>> -> memref<10000x64xf32, #tpu.memory_space<hbm>>
      tpu.enqueue_indirect_dma source(%dma_start3A_36 : memref<10000x64xf32, #tpu.memory_space<hbm>>) target(%arg10 : memref<128x64xf32, #tpu.memory_space<vmem>>) offsets(%dma_start3A_33 : memref<128xi32, #tpu.memory_space<vmem>>) semaphore(%arg15 : memref<!tpu.dma_semaphore, #tpu.memory_space<semaphore_mem>>)
      %dma_start3A_37 = arith.constant 3 : i32
      %dma_start3A_38 = arith.constant 0 : i32
      %dma_start3A_39 = tpu.memref_slice %arg6[%dma_start3A_37, %dma_start3A_38] : memref<80x128xi32, #tpu.memory_space<vmem>> -> memref<1x128xi32, #tpu.memory_space<vmem>>
      %dma_start3A_40 = tpu.memref_squeeze %dma_start3A_39 : memref<1x128xi32, #tpu.memory_space<vmem>> -> memref<128xi32, #tpu.memory_space<vmem>>
      %dma_start3A_41 = arith.constant 0 : i32
      %dma_start3A_42 = arith.constant 0 : i32
      %dma_start3A_43 = tpu.memref_slice %arg2[%dma_start3A_41, %dma_start3A_42] : memref<10000x64xf32, #tpu.memory_space<hbm>> -> memref<10000x64xf32, #tpu.memory_space<hbm>>
      tpu.enqueue_indirect_dma source(%dma_start3A_43 : memref<10000x64xf32, #tpu.memory_space<hbm>>) target(%arg11 : memref<128x64xf32, #tpu.memory_space<vmem>>) offsets(%dma_start3A_40 : memref<128xi32, #tpu.memory_space<vmem>>) semaphore(%arg16 : memref<!tpu.dma_semaphore, #tpu.memory_space<semaphore_mem>>)
      %scan3A = arith.constant 0 : i32
      %scan3A_44 = arith.constant 0 : i32
      %scan3A_45 = arith.constant 19 : i32
      %scan3A_46 = arith.addi %scan3A_44, %scan3A_45 : i32
      %scan3A_47 = arith.constant 1 : i32
      scf.for %scan3A_80 = %scan3A_44 to %scan3A_46 step %scan3A_47  : i32 {
        %mul3A_81 = arith.constant 4 : i32
        %mul3A_82 = arith.muli %mul3A_81, %scan3A_80 : i32
        %add3A_83 = arith.constant 0 : i32
        %add3A_84 = arith.addi %mul3A_82, %add3A_83 : i32
        %dma_wait3A_85 = arith.constant 0 : i32
        %dma_wait3A_86 = tpu.memref_slice %arg6[%add3A_84, %dma_wait3A_85] : memref<80x128xi32, #tpu.memory_space<vmem>> -> memref<1x128xi32, #tpu.memory_space<vmem>>
        %dma_wait3A_87 = tpu.memref_squeeze %dma_wait3A_86 : memref<1x128xi32, #tpu.memory_space<vmem>> -> memref<128xi32, #tpu.memory_space<vmem>>
        %dma_wait3A_88 = arith.constant 0 : i32
        %dma_wait3A_89 = arith.constant 0 : i32
        %dma_wait3A_90 = tpu.memref_slice %arg2[%dma_wait3A_88, %dma_wait3A_89] : memref<10000x64xf32, #tpu.memory_space<hbm>> -> memref<10000x64xf32, #tpu.memory_space<hbm>>
        tpu.wait_indirect_dma semaphore(%arg13 : memref<!tpu.dma_semaphore, #tpu.memory_space<semaphore_mem>>) src(%dma_wait3A_90 : memref<10000x64xf32, #tpu.memory_space<hbm>>) dst(%arg8 : memref<128x64xf32, #tpu.memory_space<vmem>>)
        "tpu.region"() ({
          %run_scoped3A_155 = tpu.sem_alloc : memref<!tpu.dma_semaphore, #tpu.memory_space<semaphore_mem>>
          %dma_start3A_156 = arith.constant 0 : i32
          %dma_start3A_157 = tpu.memref_slice %arg7[%add3A_84, %dma_start3A_156] : memref<80x128xi32, #tpu.memory_space<vmem>> -> memref<1x128xi32, #tpu.memory_space<vmem>>
          %dma_start3A_158 = tpu.memref_squeeze %dma_start3A_157 : memref<1x128xi32, #tpu.memory_space<vmem>> -> memref<128xi32, #tpu.memory_space<vmem>>
          %dma_start3A_159 = arith.constant 0 : i32
          %dma_start3A_160 = arith.constant 0 : i32
          %dma_start3A_161 = tpu.memref_slice %arg12[%dma_start3A_159, %dma_start3A_160] : memref<10112x64xf32, #tpu.memory_space<vmem_shared>> -> memref<10112x64xf32, #tpu.memory_space<vmem_shared>>
          tpu.enqueue_indirect_dma source(%arg8 : memref<128x64xf32, #tpu.memory_space<vmem>>) target(%dma_start3A_161 : memref<10112x64xf32, #tpu.memory_space<vmem_shared>>) offsets(%dma_start3A_158 : memref<128xi32, #tpu.memory_space<vmem>>) semaphore(%run_scoped3A_155 : memref<!tpu.dma_semaphore, #tpu.memory_space<semaphore_mem>>) {add = true}
          %dma_wait3A_162 = arith.constant 0 : i32
          %dma_wait3A_163 = tpu.memref_slice %arg7[%add3A_84, %dma_wait3A_162] : memref<80x128xi32, #tpu.memory_space<vmem>> -> memref<1x128xi32, #tpu.memory_space<vmem>>
          %dma_wait3A_164 = tpu.memref_squeeze %dma_wait3A_163 : memref<1x128xi32, #tpu.memory_space<vmem>> -> memref<128xi32, #tpu.memory_space<vmem>>
          %dma_wait3A_165 = arith.constant 0 : i32
          %dma_wait3A_166 = arith.constant 0 : i32
          %dma_wait3A_167 = tpu.memref_slice %arg12[%dma_wait3A_165, %dma_wait3A_166] : memref<10112x64xf32, #tpu.memory_space<vmem_shared>> -> memref<10112x64xf32, #tpu.memory_space<vmem_shared>>
          tpu.wait_indirect_dma semaphore(%run_scoped3A_155 : memref<!tpu.dma_semaphore, #tpu.memory_space<semaphore_mem>>) src(%arg8 : memref<128x64xf32, #tpu.memory_space<vmem>>) dst(%dma_wait3A_167 : memref<10112x64xf32, #tpu.memory_space<vmem_shared>>)
          tpu.yield
        }) : () -> ()
        %add3A_91 = arith.constant 4 : i32
        %add3A_92 = arith.addi %mul3A_82, %add3A_91 : i32
        %add3A_93 = arith.constant 0 : i32
        %add3A_94 = arith.addi %add3A_92, %add3A_93 : i32
        %dma_start3A_95 = arith.constant 0 : i32
        %dma_start3A_96 = tpu.memref_slice %arg6[%add3A_94, %dma_start3A_95] : memref<80x128xi32, #tpu.memory_space<vmem>> -> memref<1x128xi32, #tpu.memory_space<vmem>>
        %dma_start3A_97 = tpu.memref_squeeze %dma_start3A_96 : memref<1x128xi32, #tpu.memory_space<vmem>> -> memref<128xi32, #tpu.memory_space<vmem>>
        %dma_start3A_98 = arith.constant 0 : i32
        %dma_start3A_99 = arith.constant 0 : i32
        %dma_start3A_100 = tpu.memref_slice %arg2[%dma_start3A_98, %dma_start3A_99] : memref<10000x64xf32, #tpu.memory_space<hbm>> -> memref<10000x64xf32, #tpu.memory_space<hbm>>
        tpu.enqueue_indirect_dma source(%dma_start3A_100 : memref<10000x64xf32, #tpu.memory_space<hbm>>) target(%arg8 : memref<128x64xf32, #tpu.memory_space<vmem>>) offsets(%dma_start3A_97 : memref<128xi32, #tpu.memory_space<vmem>>) semaphore(%arg13 : memref<!tpu.dma_semaphore, #tpu.memory_space<semaphore_mem>>)
        %add3A_101 = arith.constant 1 : i32
        %add3A_102 = arith.addi %mul3A_82, %add3A_101 : i32
        %dma_wait3A_103 = arith.constant 0 : i32
        %dma_wait3A_104 = tpu.memref_slice %arg6[%add3A_102, %dma_wait3A_103] : memref<80x128xi32, #tpu.memory_space<vmem>> -> memref<1x128xi32, #tpu.memory_space<vmem>>
        %dma_wait3A_105 = tpu.memref_squeeze %dma_wait3A_104 : memref<1x128xi32, #tpu.memory_space<vmem>> -> memref<128xi32, #tpu.memory_space<vmem>>
        %dma_wait3A_106 = arith.constant 0 : i32
        %dma_wait3A_107 = arith.constant 0 : i32
        %dma_wait3A_108 = tpu.memref_slice %arg2[%dma_wait3A_106, %dma_wait3A_107] : memref<10000x64xf32, #tpu.memory_space<hbm>> -> memref<10000x64xf32, #tpu.memory_space<hbm>>
        tpu.wait_indirect_dma semaphore(%arg14 : memref<!tpu.dma_semaphore, #tpu.memory_space<semaphore_mem>>) src(%dma_wait3A_108 : memref<10000x64xf32, #tpu.memory_space<hbm>>) dst(%arg9 : memref<128x64xf32, #tpu.memory_space<vmem>>)
        "tpu.region"() ({
          %run_scoped3A_155 = tpu.sem_alloc : memref<!tpu.dma_semaphore, #tpu.memory_space<semaphore_mem>>
          %dma_start3A_156 = arith.constant 0 : i32
          %dma_start3A_157 = tpu.memref_slice %arg7[%add3A_102, %dma_start3A_156] : memref<80x128xi32, #tpu.memory_space<vmem>> -> memref<1x128xi32, #tpu.memory_space<vmem>>
          %dma_start3A_158 = tpu.memref_squeeze %dma_start3A_157 : memref<1x128xi32, #tpu.memory_space<vmem>> -> memref<128xi32, #tpu.memory_space<vmem>>
          %dma_start3A_159 = arith.constant 0 : i32
          %dma_start3A_160 = arith.constant 0 : i32
          %dma_start3A_161 = tpu.memref_slice %arg12[%dma_start3A_159, %dma_start3A_160] : memref<10112x64xf32, #tpu.memory_space<vmem_shared>> -> memref<10112x64xf32, #tpu.memory_space<vmem_shared>>
          tpu.enqueue_indirect_dma source(%arg9 : memref<128x64xf32, #tpu.memory_space<vmem>>) target(%dma_start3A_161 : memref<10112x64xf32, #tpu.memory_space<vmem_shared>>) offsets(%dma_start3A_158 : memref<128xi32, #tpu.memory_space<vmem>>) semaphore(%run_scoped3A_155 : memref<!tpu.dma_semaphore, #tpu.memory_space<semaphore_mem>>) {add = true}
          %dma_wait3A_162 = arith.constant 0 : i32
          %dma_wait3A_163 = tpu.memref_slice %arg7[%add3A_102, %dma_wait3A_162] : memref<80x128xi32, #tpu.memory_space<vmem>> -> memref<1x128xi32, #tpu.memory_space<vmem>>
          %dma_wait3A_164 = tpu.memref_squeeze %dma_wait3A_163 : memref<1x128xi32, #tpu.memory_space<vmem>> -> memref<128xi32, #tpu.memory_space<vmem>>
          %dma_wait3A_165 = arith.constant 0 : i32
          %dma_wait3A_166 = arith.constant 0 : i32
          %dma_wait3A_167 = tpu.memref_slice %arg12[%dma_wait3A_165, %dma_wait3A_166] : memref<10112x64xf32, #tpu.memory_space<vmem_shared>> -> memref<10112x64xf32, #tpu.memory_space<vmem_shared>>
          tpu.wait_indirect_dma semaphore(%run_scoped3A_155 : memref<!tpu.dma_semaphore, #tpu.memory_space<semaphore_mem>>) src(%arg9 : memref<128x64xf32, #tpu.memory_space<vmem>>) dst(%dma_wait3A_167 : memref<10112x64xf32, #tpu.memory_space<vmem_shared>>)
          tpu.yield
        }) : () -> ()
        %add3A_109 = arith.constant 4 : i32
        %add3A_110 = arith.addi %mul3A_82, %add3A_109 : i32
        %add3A_111 = arith.constant 1 : i32
        %add3A_112 = arith.addi %add3A_110, %add3A_111 : i32
        %dma_start3A_113 = arith.constant 0 : i32
        %dma_start3A_114 = tpu.memref_slice %arg6[%add3A_112, %dma_start3A_113] : memref<80x128xi32, #tpu.memory_space<vmem>> -> memref<1x128xi32, #tpu.memory_space<vmem>>
        %dma_start3A_115 = tpu.memref_squeeze %dma_start3A_114 : memref<1x128xi32, #tpu.memory_space<vmem>> -> memref<128xi32, #tpu.memory_space<vmem>>
        %dma_start3A_116 = arith.constant 0 : i32
        %dma_start3A_117 = arith.constant 0 : i32
        %dma_start3A_118 = tpu.memref_slice %arg2[%dma_start3A_116, %dma_start3A_117] : memref<10000x64xf32, #tpu.memory_space<hbm>> -> memref<10000x64xf32, #tpu.memory_space<hbm>>
        tpu.enqueue_indirect_dma source(%dma_start3A_118 : memref<10000x64xf32, #tpu.memory_space<hbm>>) target(%arg9 : memref<128x64xf32, #tpu.memory_space<vmem>>) offsets(%dma_start3A_115 : memref<128xi32, #tpu.memory_space<vmem>>) semaphore(%arg14 : memref<!tpu.dma_semaphore, #tpu.memory_space<semaphore_mem>>)
        %add3A_119 = arith.constant 2 : i32
        %add3A_120 = arith.addi %mul3A_82, %add3A_119 : i32
        %dma_wait3A_121 = arith.constant 0 : i32
        %dma_wait3A_122 = tpu.memref_slice %arg6[%add3A_120, %dma_wait3A_121] : memref<80x128xi32, #tpu.memory_space<vmem>> -> memref<1x128xi32, #tpu.memory_space<vmem>>
        %dma_wait3A_123 = tpu.memref_squeeze %dma_wait3A_122 : memref<1x128xi32, #tpu.memory_space<vmem>> -> memref<128xi32, #tpu.memory_space<vmem>>
        %dma_wait3A_124 = arith.constant 0 : i32
        %dma_wait3A_125 = arith.constant 0 : i32
        %dma_wait3A_126 = tpu.memref_slice %arg2[%dma_wait3A_124, %dma_wait3A_125] : memref<10000x64xf32, #tpu.memory_space<hbm>> -> memref<10000x64xf32, #tpu.memory_space<hbm>>
        tpu.wait_indirect_dma semaphore(%arg15 : memref<!tpu.dma_semaphore, #tpu.memory_space<semaphore_mem>>) src(%dma_wait3A_126 : memref<10000x64xf32, #tpu.memory_space<hbm>>) dst(%arg10 : memref<128x64xf32, #tpu.memory_space<vmem>>)
        "tpu.region"() ({
          %run_scoped3A_155 = tpu.sem_alloc : memref<!tpu.dma_semaphore, #tpu.memory_space<semaphore_mem>>
          %dma_start3A_156 = arith.constant 0 : i32
          %dma_start3A_157 = tpu.memref_slice %arg7[%add3A_120, %dma_start3A_156] : memref<80x128xi32, #tpu.memory_space<vmem>> -> memref<1x128xi32, #tpu.memory_space<vmem>>
          %dma_start3A_158 = tpu.memref_squeeze %dma_start3A_157 : memref<1x128xi32, #tpu.memory_space<vmem>> -> memref<128xi32, #tpu.memory_space<vmem>>
          %dma_start3A_159 = arith.constant 0 : i32
          %dma_start3A_160 = arith.constant 0 : i32
          %dma_start3A_161 = tpu.memref_slice %arg12[%dma_start3A_159, %dma_start3A_160] : memref<10112x64xf32, #tpu.memory_space<vmem_shared>> -> memref<10112x64xf32, #tpu.memory_space<vmem_shared>>
          tpu.enqueue_indirect_dma source(%arg10 : memref<128x64xf32, #tpu.memory_space<vmem>>) target(%dma_start3A_161 : memref<10112x64xf32, #tpu.memory_space<vmem_shared>>) offsets(%dma_start3A_158 : memref<128xi32, #tpu.memory_space<vmem>>) semaphore(%run_scoped3A_155 : memref<!tpu.dma_semaphore, #tpu.memory_space<semaphore_mem>>) {add = true}
          %dma_wait3A_162 = arith.constant 0 : i32
          %dma_wait3A_163 = tpu.memref_slice %arg7[%add3A_120, %dma_wait3A_162] : memref<80x128xi32, #tpu.memory_space<vmem>> -> memref<1x128xi32, #tpu.memory_space<vmem>>
          %dma_wait3A_164 = tpu.memref_squeeze %dma_wait3A_163 : memref<1x128xi32, #tpu.memory_space<vmem>> -> memref<128xi32, #tpu.memory_space<vmem>>
          %dma_wait3A_165 = arith.constant 0 : i32
          %dma_wait3A_166 = arith.constant 0 : i32
          %dma_wait3A_167 = tpu.memref_slice %arg12[%dma_wait3A_165, %dma_wait3A_166] : memref<10112x64xf32, #tpu.memory_space<vmem_shared>> -> memref<10112x64xf32, #tpu.memory_space<vmem_shared>>
          tpu.wait_indirect_dma semaphore(%run_scoped3A_155 : memref<!tpu.dma_semaphore, #tpu.memory_space<semaphore_mem>>) src(%arg10 : memref<128x64xf32, #tpu.memory_space<vmem>>) dst(%dma_wait3A_167 : memref<10112x64xf32, #tpu.memory_space<vmem_shared>>)
          tpu.yield
        }) : () -> ()
        %add3A_127 = arith.constant 4 : i32
        %add3A_128 = arith.addi %mul3A_82, %add3A_127 : i32
        %add3A_129 = arith.constant 2 : i32
        %add3A_130 = arith.addi %add3A_128, %add3A_129 : i32
        %dma_start3A_131 = arith.constant 0 : i32
        %dma_start3A_132 = tpu.memref_slice %arg6[%add3A_130, %dma_start3A_131] : memref<80x128xi32, #tpu.memory_space<vmem>> -> memref<1x128xi32, #tpu.memory_space<vmem>>
        %dma_start3A_133 = tpu.memref_squeeze %dma_start3A_132 : memref<1x128xi32, #tpu.memory_space<vmem>> -> memref<128xi32, #tpu.memory_space<vmem>>
        %dma_start3A_134 = arith.constant 0 : i32
        %dma_start3A_135 = arith.constant 0 : i32
        %dma_start3A_136 = tpu.memref_slice %arg2[%dma_start3A_134, %dma_start3A_135] : memref<10000x64xf32, #tpu.memory_space<hbm>> -> memref<10000x64xf32, #tpu.memory_space<hbm>>
        tpu.enqueue_indirect_dma source(%dma_start3A_136 : memref<10000x64xf32, #tpu.memory_space<hbm>>) target(%arg10 : memref<128x64xf32, #tpu.memory_space<vmem>>) offsets(%dma_start3A_133 : memref<128xi32, #tpu.memory_space<vmem>>) semaphore(%arg15 : memref<!tpu.dma_semaphore, #tpu.memory_space<semaphore_mem>>)
        %add3A_137 = arith.constant 3 : i32
        %add3A_138 = arith.addi %mul3A_82, %add3A_137 : i32
        %dma_wait3A_139 = arith.constant 0 : i32
        %dma_wait3A_140 = tpu.memref_slice %arg6[%add3A_138, %dma_wait3A_139] : memref<80x128xi32, #tpu.memory_space<vmem>> -> memref<1x128xi32, #tpu.memory_space<vmem>>
        %dma_wait3A_141 = tpu.memref_squeeze %dma_wait3A_140 : memref<1x128xi32, #tpu.memory_space<vmem>> -> memref<128xi32, #tpu.memory_space<vmem>>
        %dma_wait3A_142 = arith.constant 0 : i32
        %dma_wait3A_143 = arith.constant 0 : i32
        %dma_wait3A_144 = tpu.memref_slice %arg2[%dma_wait3A_142, %dma_wait3A_143] : memref<10000x64xf32, #tpu.memory_space<hbm>> -> memref<10000x64xf32, #tpu.memory_space<hbm>>
        tpu.wait_indirect_dma semaphore(%arg16 : memref<!tpu.dma_semaphore, #tpu.memory_space<semaphore_mem>>) src(%dma_wait3A_144 : memref<10000x64xf32, #tpu.memory_space<hbm>>) dst(%arg11 : memref<128x64xf32, #tpu.memory_space<vmem>>)
        "tpu.region"() ({
          %run_scoped3A_155 = tpu.sem_alloc : memref<!tpu.dma_semaphore, #tpu.memory_space<semaphore_mem>>
          %dma_start3A_156 = arith.constant 0 : i32
          %dma_start3A_157 = tpu.memref_slice %arg7[%add3A_138, %dma_start3A_156] : memref<80x128xi32, #tpu.memory_space<vmem>> -> memref<1x128xi32, #tpu.memory_space<vmem>>
          %dma_start3A_158 = tpu.memref_squeeze %dma_start3A_157 : memref<1x128xi32, #tpu.memory_space<vmem>> -> memref<128xi32, #tpu.memory_space<vmem>>
          %dma_start3A_159 = arith.constant 0 : i32
          %dma_start3A_160 = arith.constant 0 : i32
          %dma_start3A_161 = tpu.memref_slice %arg12[%dma_start3A_159, %dma_start3A_160] : memref<10112x64xf32, #tpu.memory_space<vmem_shared>> -> memref<10112x64xf32, #tpu.memory_space<vmem_shared>>
          tpu.enqueue_indirect_dma source(%arg11 : memref<128x64xf32, #tpu.memory_space<vmem>>) target(%dma_start3A_161 : memref<10112x64xf32, #tpu.memory_space<vmem_shared>>) offsets(%dma_start3A_158 : memref<128xi32, #tpu.memory_space<vmem>>) semaphore(%run_scoped3A_155 : memref<!tpu.dma_semaphore, #tpu.memory_space<semaphore_mem>>) {add = true}
          %dma_wait3A_162 = arith.constant 0 : i32
          %dma_wait3A_163 = tpu.memref_slice %arg7[%add3A_138, %dma_wait3A_162] : memref<80x128xi32, #tpu.memory_space<vmem>> -> memref<1x128xi32, #tpu.memory_space<vmem>>
          %dma_wait3A_164 = tpu.memref_squeeze %dma_wait3A_163 : memref<1x128xi32, #tpu.memory_space<vmem>> -> memref<128xi32, #tpu.memory_space<vmem>>
          %dma_wait3A_165 = arith.constant 0 : i32
          %dma_wait3A_166 = arith.constant 0 : i32
          %dma_wait3A_167 = tpu.memref_slice %arg12[%dma_wait3A_165, %dma_wait3A_166] : memref<10112x64xf32, #tpu.memory_space<vmem_shared>> -> memref<10112x64xf32, #tpu.memory_space<vmem_shared>>
          tpu.wait_indirect_dma semaphore(%run_scoped3A_155 : memref<!tpu.dma_semaphore, #tpu.memory_space<semaphore_mem>>) src(%arg11 : memref<128x64xf32, #tpu.memory_space<vmem>>) dst(%dma_wait3A_167 : memref<10112x64xf32, #tpu.memory_space<vmem_shared>>)
          tpu.yield
        }) : () -> ()
        %add3A_145 = arith.constant 4 : i32
        %add3A_146 = arith.addi %mul3A_82, %add3A_145 : i32
        %add3A_147 = arith.constant 3 : i32
        %add3A_148 = arith.addi %add3A_146, %add3A_147 : i32
        %dma_start3A_149 = arith.constant 0 : i32
        %dma_start3A_150 = tpu.memref_slice %arg6[%add3A_148, %dma_start3A_149] : memref<80x128xi32, #tpu.memory_space<vmem>> -> memref<1x128xi32, #tpu.memory_space<vmem>>
        %dma_start3A_151 = tpu.memref_squeeze %dma_start3A_150 : memref<1x128xi32, #tpu.memory_space<vmem>> -> memref<128xi32, #tpu.memory_space<vmem>>
        %dma_start3A_152 = arith.constant 0 : i32
        %dma_start3A_153 = arith.constant 0 : i32
        %dma_start3A_154 = tpu.memref_slice %arg2[%dma_start3A_152, %dma_start3A_153] : memref<10000x64xf32, #tpu.memory_space<hbm>> -> memref<10000x64xf32, #tpu.memory_space<hbm>>
        tpu.enqueue_indirect_dma source(%dma_start3A_154 : memref<10000x64xf32, #tpu.memory_space<hbm>>) target(%arg11 : memref<128x64xf32, #tpu.memory_space<vmem>>) offsets(%dma_start3A_151 : memref<128xi32, #tpu.memory_space<vmem>>) semaphore(%arg16 : memref<!tpu.dma_semaphore, #tpu.memory_space<semaphore_mem>>)
      }
      %scan3A_48 = arith.constant 19 : i32
      %dma_wait3A = arith.constant 76 : i32
      %dma_wait3A_49 = arith.constant 0 : i32
      %dma_wait3A_50 = tpu.memref_slice %arg6[%dma_wait3A, %dma_wait3A_49] : memref<80x128xi32, #tpu.memory_space<vmem>> -> memref<1x128xi32, #tpu.memory_space<vmem>>
      %dma_wait3A_51 = tpu.memref_squeeze %dma_wait3A_50 : memref<1x128xi32, #tpu.memory_space<vmem>> -> memref<128xi32, #tpu.memory_space<vmem>>
      %dma_wait3A_52 = arith.constant 0 : i32
      %dma_wait3A_53 = arith.constant 0 : i32
      %dma_wait3A_54 = tpu.memref_slice %arg2[%dma_wait3A_52, %dma_wait3A_53] : memref<10000x64xf32, #tpu.memory_space<hbm>> -> memref<10000x64xf32, #tpu.memory_space<hbm>>
      tpu.wait_indirect_dma semaphore(%arg13 : memref<!tpu.dma_semaphore, #tpu.memory_space<semaphore_mem>>) src(%dma_wait3A_54 : memref<10000x64xf32, #tpu.memory_space<hbm>>) dst(%arg8 : memref<128x64xf32, #tpu.memory_space<vmem>>)
      %run_scoped3A_55 = arith.constant 76 : i32
      "tpu.region"() ({
        %run_scoped3A_80 = tpu.sem_alloc : memref<!tpu.dma_semaphore, #tpu.memory_space<semaphore_mem>>
        %dma_start3A_81 = arith.constant 0 : i32
        %dma_start3A_82 = tpu.memref_slice %arg7[%run_scoped3A_55, %dma_start3A_81] : memref<80x128xi32, #tpu.memory_space<vmem>> -> memref<1x128xi32, #tpu.memory_space<vmem>>
        %dma_start3A_83 = tpu.memref_squeeze %dma_start3A_82 : memref<1x128xi32, #tpu.memory_space<vmem>> -> memref<128xi32, #tpu.memory_space<vmem>>
        %dma_start3A_84 = arith.constant 0 : i32
        %dma_start3A_85 = arith.constant 0 : i32
        %dma_start3A_86 = tpu.memref_slice %arg12[%dma_start3A_84, %dma_start3A_85] : memref<10112x64xf32, #tpu.memory_space<vmem_shared>> -> memref<10112x64xf32, #tpu.memory_space<vmem_shared>>
        tpu.enqueue_indirect_dma source(%arg8 : memref<128x64xf32, #tpu.memory_space<vmem>>) target(%dma_start3A_86 : memref<10112x64xf32, #tpu.memory_space<vmem_shared>>) offsets(%dma_start3A_83 : memref<128xi32, #tpu.memory_space<vmem>>) semaphore(%run_scoped3A_80 : memref<!tpu.dma_semaphore, #tpu.memory_space<semaphore_mem>>) {add = true}
        %dma_wait3A_87 = arith.constant 0 : i32
        %dma_wait3A_88 = tpu.memref_slice %arg7[%run_scoped3A_55, %dma_wait3A_87] : memref<80x128xi32, #tpu.memory_space<vmem>> -> memref<1x128xi32, #tpu.memory_space<vmem>>
        %dma_wait3A_89 = tpu.memref_squeeze %dma_wait3A_88 : memref<1x128xi32, #tpu.memory_space<vmem>> -> memref<128xi32, #tpu.memory_space<vmem>>
        %dma_wait3A_90 = arith.constant 0 : i32
        %dma_wait3A_91 = arith.constant 0 : i32
        %dma_wait3A_92 = tpu.memref_slice %arg12[%dma_wait3A_90, %dma_wait3A_91] : memref<10112x64xf32, #tpu.memory_space<vmem_shared>> -> memref<10112x64xf32, #tpu.memory_space<vmem_shared>>
        tpu.wait_indirect_dma semaphore(%run_scoped3A_80 : memref<!tpu.dma_semaphore, #tpu.memory_space<semaphore_mem>>) src(%arg8 : memref<128x64xf32, #tpu.memory_space<vmem>>) dst(%dma_wait3A_92 : memref<10112x64xf32, #tpu.memory_space<vmem_shared>>)
        tpu.yield
      }) : () -> ()
      %dma_wait3A_56 = arith.constant 77 : i32
      %dma_wait3A_57 = arith.constant 0 : i32
      %dma_wait3A_58 = tpu.memref_slice %arg6[%dma_wait3A_56, %dma_wait3A_57] : memref<80x128xi32, #tpu.memory_space<vmem>> -> memref<1x128xi32, #tpu.memory_space<vmem>>
      %dma_wait3A_59 = tpu.memref_squeeze %dma_wait3A_58 : memref<1x128xi32, #tpu.memory_space<vmem>> -> memref<128xi32, #tpu.memory_space<vmem>>
      %dma_wait3A_60 = arith.constant 0 : i32
      %dma_wait3A_61 = arith.constant 0 : i32
      %dma_wait3A_62 = tpu.memref_slice %arg2[%dma_wait3A_60, %dma_wait3A_61] : memref<10000x64xf32, #tpu.memory_space<hbm>> -> memref<10000x64xf32, #tpu.memory_space<hbm>>
      tpu.wait_indirect_dma semaphore(%arg14 : memref<!tpu.dma_semaphore, #tpu.memory_space<semaphore_mem>>) src(%dma_wait3A_62 : memref<10000x64xf32, #tpu.memory_space<hbm>>) dst(%arg9 : memref<128x64xf32, #tpu.memory_space<vmem>>)
      %run_scoped3A_63 = arith.constant 77 : i32
      "tpu.region"() ({
        %run_scoped3A_80 = tpu.sem_alloc : memref<!tpu.dma_semaphore, #tpu.memory_space<semaphore_mem>>
        %dma_start3A_81 = arith.constant 0 : i32
        %dma_start3A_82 = tpu.memref_slice %arg7[%run_scoped3A_63, %dma_start3A_81] : memref<80x128xi32, #tpu.memory_space<vmem>> -> memref<1x128xi32, #tpu.memory_space<vmem>>
        %dma_start3A_83 = tpu.memref_squeeze %dma_start3A_82 : memref<1x128xi32, #tpu.memory_space<vmem>> -> memref<128xi32, #tpu.memory_space<vmem>>
        %dma_start3A_84 = arith.constant 0 : i32
        %dma_start3A_85 = arith.constant 0 : i32
        %dma_start3A_86 = tpu.memref_slice %arg12[%dma_start3A_84, %dma_start3A_85] : memref<10112x64xf32, #tpu.memory_space<vmem_shared>> -> memref<10112x64xf32, #tpu.memory_space<vmem_shared>>
        tpu.enqueue_indirect_dma source(%arg9 : memref<128x64xf32, #tpu.memory_space<vmem>>) target(%dma_start3A_86 : memref<10112x64xf32, #tpu.memory_space<vmem_shared>>) offsets(%dma_start3A_83 : memref<128xi32, #tpu.memory_space<vmem>>) semaphore(%run_scoped3A_80 : memref<!tpu.dma_semaphore, #tpu.memory_space<semaphore_mem>>) {add = true}
        %dma_wait3A_87 = arith.constant 0 : i32
        %dma_wait3A_88 = tpu.memref_slice %arg7[%run_scoped3A_63, %dma_wait3A_87] : memref<80x128xi32, #tpu.memory_space<vmem>> -> memref<1x128xi32, #tpu.memory_space<vmem>>
        %dma_wait3A_89 = tpu.memref_squeeze %dma_wait3A_88 : memref<1x128xi32, #tpu.memory_space<vmem>> -> memref<128xi32, #tpu.memory_space<vmem>>
        %dma_wait3A_90 = arith.constant 0 : i32
        %dma_wait3A_91 = arith.constant 0 : i32
        %dma_wait3A_92 = tpu.memref_slice %arg12[%dma_wait3A_90, %dma_wait3A_91] : memref<10112x64xf32, #tpu.memory_space<vmem_shared>> -> memref<10112x64xf32, #tpu.memory_space<vmem_shared>>
        tpu.wait_indirect_dma semaphore(%run_scoped3A_80 : memref<!tpu.dma_semaphore, #tpu.memory_space<semaphore_mem>>) src(%arg9 : memref<128x64xf32, #tpu.memory_space<vmem>>) dst(%dma_wait3A_92 : memref<10112x64xf32, #tpu.memory_space<vmem_shared>>)
        tpu.yield
      }) : () -> ()
      %dma_wait3A_64 = arith.constant 78 : i32
      %dma_wait3A_65 = arith.constant 0 : i32
      %dma_wait3A_66 = tpu.memref_slice %arg6[%dma_wait3A_64, %dma_wait3A_65] : memref<80x128xi32, #tpu.memory_space<vmem>> -> memref<1x128xi32, #tpu.memory_space<vmem>>
      %dma_wait3A_67 = tpu.memref_squeeze %dma_wait3A_66 : memref<1x128xi32, #tpu.memory_space<vmem>> -> memref<128xi32, #tpu.memory_space<vmem>>
      %dma_wait3A_68 = arith.constant 0 : i32
      %dma_wait3A_69 = arith.constant 0 : i32
      %dma_wait3A_70 = tpu.memref_slice %arg2[%dma_wait3A_68, %dma_wait3A_69] : memref<10000x64xf32, #tpu.memory_space<hbm>> -> memref<10000x64xf32, #tpu.memory_space<hbm>>
      tpu.wait_indirect_dma semaphore(%arg15 : memref<!tpu.dma_semaphore, #tpu.memory_space<semaphore_mem>>) src(%dma_wait3A_70 : memref<10000x64xf32, #tpu.memory_space<hbm>>) dst(%arg10 : memref<128x64xf32, #tpu.memory_space<vmem>>)
      %run_scoped3A_71 = arith.constant 78 : i32
      "tpu.region"() ({
        %run_scoped3A_80 = tpu.sem_alloc : memref<!tpu.dma_semaphore, #tpu.memory_space<semaphore_mem>>
        %dma_start3A_81 = arith.constant 0 : i32
        %dma_start3A_82 = tpu.memref_slice %arg7[%run_scoped3A_71, %dma_start3A_81] : memref<80x128xi32, #tpu.memory_space<vmem>> -> memref<1x128xi32, #tpu.memory_space<vmem>>
        %dma_start3A_83 = tpu.memref_squeeze %dma_start3A_82 : memref<1x128xi32, #tpu.memory_space<vmem>> -> memref<128xi32, #tpu.memory_space<vmem>>
        %dma_start3A_84 = arith.constant 0 : i32
        %dma_start3A_85 = arith.constant 0 : i32
        %dma_start3A_86 = tpu.memref_slice %arg12[%dma_start3A_84, %dma_start3A_85] : memref<10112x64xf32, #tpu.memory_space<vmem_shared>> -> memref<10112x64xf32, #tpu.memory_space<vmem_shared>>
        tpu.enqueue_indirect_dma source(%arg10 : memref<128x64xf32, #tpu.memory_space<vmem>>) target(%dma_start3A_86 : memref<10112x64xf32, #tpu.memory_space<vmem_shared>>) offsets(%dma_start3A_83 : memref<128xi32, #tpu.memory_space<vmem>>) semaphore(%run_scoped3A_80 : memref<!tpu.dma_semaphore, #tpu.memory_space<semaphore_mem>>) {add = true}
        %dma_wait3A_87 = arith.constant 0 : i32
        %dma_wait3A_88 = tpu.memref_slice %arg7[%run_scoped3A_71, %dma_wait3A_87] : memref<80x128xi32, #tpu.memory_space<vmem>> -> memref<1x128xi32, #tpu.memory_space<vmem>>
        %dma_wait3A_89 = tpu.memref_squeeze %dma_wait3A_88 : memref<1x128xi32, #tpu.memory_space<vmem>> -> memref<128xi32, #tpu.memory_space<vmem>>
        %dma_wait3A_90 = arith.constant 0 : i32
        %dma_wait3A_91 = arith.constant 0 : i32
        %dma_wait3A_92 = tpu.memref_slice %arg12[%dma_wait3A_90, %dma_wait3A_91] : memref<10112x64xf32, #tpu.memory_space<vmem_shared>> -> memref<10112x64xf32, #tpu.memory_space<vmem_shared>>
        tpu.wait_indirect_dma semaphore(%run_scoped3A_80 : memref<!tpu.dma_semaphore, #tpu.memory_space<semaphore_mem>>) src(%arg10 : memref<128x64xf32, #tpu.memory_space<vmem>>) dst(%dma_wait3A_92 : memref<10112x64xf32, #tpu.memory_space<vmem_shared>>)
        tpu.yield
      }) : () -> ()
      %dma_wait3A_72 = arith.constant 79 : i32
      %dma_wait3A_73 = arith.constant 0 : i32
      %dma_wait3A_74 = tpu.memref_slice %arg6[%dma_wait3A_72, %dma_wait3A_73] : memref<80x128xi32, #tpu.memory_space<vmem>> -> memref<1x128xi32, #tpu.memory_space<vmem>>
      %dma_wait3A_75 = tpu.memref_squeeze %dma_wait3A_74 : memref<1x128xi32, #tpu.memory_space<vmem>> -> memref<128xi32, #tpu.memory_space<vmem>>
      %dma_wait3A_76 = arith.constant 0 : i32
      %dma_wait3A_77 = arith.constant 0 : i32
      %dma_wait3A_78 = tpu.memref_slice %arg2[%dma_wait3A_76, %dma_wait3A_77] : memref<10000x64xf32, #tpu.memory_space<hbm>> -> memref<10000x64xf32, #tpu.memory_space<hbm>>
      tpu.wait_indirect_dma semaphore(%arg16 : memref<!tpu.dma_semaphore, #tpu.memory_space<semaphore_mem>>) src(%dma_wait3A_78 : memref<10000x64xf32, #tpu.memory_space<hbm>>) dst(%arg11 : memref<128x64xf32, #tpu.memory_space<vmem>>)
      %run_scoped3A_79 = arith.constant 79 : i32
      "tpu.region"() ({
        %run_scoped3A_80 = tpu.sem_alloc : memref<!tpu.dma_semaphore, #tpu.memory_space<semaphore_mem>>
        %dma_start3A_81 = arith.constant 0 : i32
        %dma_start3A_82 = tpu.memref_slice %arg7[%run_scoped3A_79, %dma_start3A_81] : memref<80x128xi32, #tpu.memory_space<vmem>> -> memref<1x128xi32, #tpu.memory_space<vmem>>
        %dma_start3A_83 = tpu.memref_squeeze %dma_start3A_82 : memref<1x128xi32, #tpu.memory_space<vmem>> -> memref<128xi32, #tpu.memory_space<vmem>>
        %dma_start3A_84 = arith.constant 0 : i32
        %dma_start3A_85 = arith.constant 0 : i32
        %dma_start3A_86 = tpu.memref_slice %arg12[%dma_start3A_84, %dma_start3A_85] : memref<10112x64xf32, #tpu.memory_space<vmem_shared>> -> memref<10112x64xf32, #tpu.memory_space<vmem_shared>>
        tpu.enqueue_indirect_dma source(%arg11 : memref<128x64xf32, #tpu.memory_space<vmem>>) target(%dma_start3A_86 : memref<10112x64xf32, #tpu.memory_space<vmem_shared>>) offsets(%dma_start3A_83 : memref<128xi32, #tpu.memory_space<vmem>>) semaphore(%run_scoped3A_80 : memref<!tpu.dma_semaphore, #tpu.memory_space<semaphore_mem>>) {add = true}
        %dma_wait3A_87 = arith.constant 0 : i32
        %dma_wait3A_88 = tpu.memref_slice %arg7[%run_scoped3A_79, %dma_wait3A_87] : memref<80x128xi32, #tpu.memory_space<vmem>> -> memref<1x128xi32, #tpu.memory_space<vmem>>
        %dma_wait3A_89 = tpu.memref_squeeze %dma_wait3A_88 : memref<1x128xi32, #tpu.memory_space<vmem>> -> memref<128xi32, #tpu.memory_space<vmem>>
        %dma_wait3A_90 = arith.constant 0 : i32
        %dma_wait3A_91 = arith.constant 0 : i32
        %dma_wait3A_92 = tpu.memref_slice %arg12[%dma_wait3A_90, %dma_wait3A_91] : memref<10112x64xf32, #tpu.memory_space<vmem_shared>> -> memref<10112x64xf32, #tpu.memory_space<vmem_shared>>
        tpu.wait_indirect_dma semaphore(%run_scoped3A_80 : memref<!tpu.dma_semaphore, #tpu.memory_space<semaphore_mem>>) src(%arg11 : memref<128x64xf32, #tpu.memory_space<vmem>>) dst(%dma_wait3A_92 : memref<10112x64xf32, #tpu.memory_space<vmem_shared>>)
        tpu.yield
      }) : () -> ()
    } else {
    }
    %barrier3A_8 = arith.constant 0 : index
    tpu.barrier barrier_id(%barrier3A_8)
    %mul3A_9 = arith.constant 632 : i32
    %mul3A_10 = arith.muli %arg1, %mul3A_9 : i32
    %mul3A_11 = arith.constant 632 : i32
    %mul3A_12 = arith.muli %arg1, %mul3A_11 : i32
    "tpu.region"() ({
      %run_scoped3A = tpu.sem_alloc : memref<!tpu.dma_semaphore, #tpu.memory_space<semaphore_mem>>
      %dma_start3A = arith.constant 0 : i32
      %dma_start3A_13 = tpu.memref_slice %arg5[%arg0, %mul3A_12, %dma_start3A] : memref<2x10112x64xf32, #tpu.memory_space<hbm>> -> memref<1x632x64xf32, #tpu.memory_space<hbm>>
      %dma_start3A_14 = tpu.memref_squeeze %dma_start3A_13 : memref<1x632x64xf32, #tpu.memory_space<hbm>> -> memref<632x64xf32, #tpu.memory_space<hbm>>
      %dma_start3A_15 = arith.constant 0 : i32
      %dma_start3A_16 = tpu.memref_slice %arg12[%mul3A_10, %dma_start3A_15] : memref<10112x64xf32, #tpu.memory_space<vmem_shared>> -> memref<632x64xf32, #tpu.memory_space<vmem_shared>>
      tpu.enqueue_dma source(%dma_start3A_16 : memref<632x64xf32, #tpu.memory_space<vmem_shared>>) target(%dma_start3A_14 : memref<632x64xf32, #tpu.memory_space<hbm>>) target_semaphore(%run_scoped3A : memref<!tpu.dma_semaphore, #tpu.memory_space<semaphore_mem>>)
      %dma_wait3A = arith.constant 0 : i32
      %dma_wait3A_17 = tpu.memref_slice %arg5[%arg0, %mul3A_12, %dma_wait3A] : memref<2x10112x64xf32, #tpu.memory_space<hbm>> -> memref<1x632x64xf32, #tpu.memory_space<hbm>>
      %dma_wait3A_18 = tpu.memref_squeeze %dma_wait3A_17 : memref<1x632x64xf32, #tpu.memory_space<hbm>> -> memref<632x64xf32, #tpu.memory_space<hbm>>
      %dma_wait3A_19 = arith.constant 0 : i32
      %dma_wait3A_20 = tpu.memref_slice %arg12[%mul3A_10, %dma_wait3A_19] : memref<10112x64xf32, #tpu.memory_space<vmem_shared>> -> memref<632x64xf32, #tpu.memory_space<vmem_shared>>
      tpu.wait_dma2 semaphore(%run_scoped3A : memref<!tpu.dma_semaphore, #tpu.memory_space<semaphore_mem>>) src(%dma_wait3A_20 : memref<632x64xf32, #tpu.memory_space<vmem_shared>>) dst(%dma_wait3A_18 : memref<632x64xf32, #tpu.memory_space<hbm>>)
      tpu.yield
    }) : () -> ()
    return
  }
}

module attributes {stable_mosaic.version = 14 : i64} {
  func.func @_k1_body(%arg0: memref<10000x128xf32, #tpu.memory_space<vmem>>, %arg1: memref<128x64xf32, #tpu.memory_space<vmem>>, %arg2: memref<128x64xf32, #tpu.memory_space<vmem>>, %arg3: memref<1x64xf32, #tpu.memory_space<vmem>>, %arg4: memref<10000x64xf32, #tpu.memory_space<vmem>>, %arg5: memref<10000x64xf32, #tpu.memory_space<vmem>>) attributes {dimension_semantics = [], scalar_prefetch = 0 : i64, scratch_operands = 0 : i64, tpu.core_type = #tpu.core_type<tc>} {
    %get3A = arith.constant 0 : index
    %get3A_0 = arith.constant 0 : index
    %get3A_1 = vector.load %arg0[%get3A, %get3A_0] : memref<10000x128xf32, #tpu.memory_space<vmem>>, vector<10000x128xf32>
    %get3A_2 = arith.constant 0 : index
    %get3A_3 = arith.constant 0 : index
    %get3A_4 = vector.load %arg1[%get3A_2, %get3A_3] : memref<128x64xf32, #tpu.memory_space<vmem>>, vector<128x64xf32>
    %dot_general3A = arith.constant dense<0.000000e+00> : vector<10000x64xf32>
    %dot_general3A_5 = tpu.matmul %get3A_1, %get3A_4, %dot_general3A {dimension_numbers = #tpu.dot_dimension_numbers<[1], [0], [0], [1], [0, 0, 1, 1], [], []>, transpose_lhs_hint = false} : vector<10000x128xf32>, vector<128x64xf32>, vector<10000x64xf32> -> vector<10000x64xf32>
    %swap3A = arith.constant 0 : index
    %swap3A_6 = arith.constant 0 : index
    %swap3A_7 = vector.load %arg4[%swap3A, %swap3A_6] : memref<10000x64xf32, #tpu.memory_space<vmem>>, vector<10000x64xf32>
    tpu.vector_store %arg4[%swap3A, %swap3A_6], %dot_general3A_5 {strides = array<i32>} : memref<10000x64xf32, #tpu.memory_space<vmem>>, vector<10000x64xf32>,
    %get3A_8 = arith.constant 0 : index
    %get3A_9 = arith.constant 0 : index
    %get3A_10 = vector.load %arg2[%get3A_8, %get3A_9] : memref<128x64xf32, #tpu.memory_space<vmem>>, vector<128x64xf32>
    %dot_general3A_11 = arith.constant dense<0.000000e+00> : vector<10000x64xf32>
    %dot_general3A_12 = tpu.matmul %get3A_1, %get3A_10, %dot_general3A_11 {dimension_numbers = #tpu.dot_dimension_numbers<[1], [0], [0], [1], [0, 0, 1, 1], [], []>, transpose_lhs_hint = false} : vector<10000x128xf32>, vector<128x64xf32>, vector<10000x64xf32> -> vector<10000x64xf32>
    %get3A_13 = arith.constant 0 : index
    %get3A_14 = arith.constant 0 : index
    %get3A_15 = vector.load %arg3[%get3A_13, %get3A_14] : memref<1x64xf32, #tpu.memory_space<vmem>>, vector<1x64xf32>
    %add3A = vector.broadcast %get3A_15 : vector<1x64xf32> to vector<10000x64xf32>
    %add3A_16 = arith.addf %dot_general3A_12, %add3A : vector<10000x64xf32>
    %swap3A_17 = arith.constant 0 : index
    %swap3A_18 = arith.constant 0 : index
    %swap3A_19 = vector.load %arg5[%swap3A_17, %swap3A_18] : memref<10000x64xf32, #tpu.memory_space<vmem>>, vector<10000x64xf32>
    tpu.vector_store %arg5[%swap3A_17, %swap3A_18], %add3A_16 {strides = array<i32>} : memref<10000x64xf32, #tpu.memory_space<vmem>>, vector<10000x64xf32>,
    return
  }
}

module attributes {stable_mosaic.version = 14 : i64} {
  func.func @_k2g_body(%arg0: i32, %arg1: memref<2000x64xf32, #tpu.memory_space<vmem>>, %arg2: memref<2x2000x64xf32, #tpu.memory_space<vmem>>, %arg3: memref<2x2000x8xf32, #tpu.memory_space<vmem>>, %arg4: memref<64x64xf32, #tpu.memory_space<vmem>>, %arg5: memref<64x64xf32, #tpu.memory_space<vmem>>, %arg6: memref<1x64xf32, #tpu.memory_space<vmem>>, %arg7: memref<2000x64xf32, #tpu.memory_space<vmem>>, %arg8: memref<2000x64xf32, #tpu.memory_space<vmem>>) attributes {dimension_semantics = [#tpu.dimension_semantics<arbitrary>], iteration_bounds = array<i64: 5>, scalar_prefetch = 0 : i64, scratch_operands = 0 : i64, tpu.core_type = #tpu.core_type<tc>, window_params = [{transform_indices = @transform_0, window_bounds = array<i64: 2000, 64>}, {transform_indices = @transform_1, window_bounds = array<i64: 2, 2000, 64>}, {transform_indices = @transform_2, window_bounds = array<i64: 2, 2000, 8>}, {pipeline_mode = #tpu.pipeline_mode<synchronous>, transform_indices = @transform_3, window_bounds = array<i64: 64, 64>}, {pipeline_mode = #tpu.pipeline_mode<synchronous>, transform_indices = @transform_4, window_bounds = array<i64: 64, 64>}, {pipeline_mode = #tpu.pipeline_mode<synchronous>, transform_indices = @transform_5, window_bounds = array<i64: 1, 64>}, {transform_indices = @transform_6, window_bounds = array<i64: 2000, 64>}, {transform_indices = @transform_7, window_bounds = array<i64: 2000, 64>}]} {
    %get3A = arith.constant 0 : index
    %get3A_0 = arith.constant 0 : index
    %get3A_1 = arith.constant 0 : index
    %get3A_2 = vector.load %arg2[%get3A, %get3A_0, %get3A_1] : memref<2x2000x64xf32, #tpu.memory_space<vmem>>, vector<1x2000x64xf32>
    %get3A_3 = vector.shape_cast %get3A_2 : vector<1x2000x64xf32> to vector<2000x64xf32>
    %get3A_4 = arith.constant 1 : index
    %get3A_5 = arith.constant 0 : index
    %get3A_6 = arith.constant 0 : index
    %get3A_7 = vector.load %arg2[%get3A_4, %get3A_5, %get3A_6] : memref<2x2000x64xf32, #tpu.memory_space<vmem>>, vector<1x2000x64xf32>
    %get3A_8 = vector.shape_cast %get3A_7 : vector<1x2000x64xf32> to vector<2000x64xf32>
    %add3A = arith.addf %get3A_3, %get3A_8 : vector<2000x64xf32>
    %get3A_9 = arith.constant 0 : index
    %get3A_10 = arith.constant 0 : index
    %get3A_11 = arith.constant 0 : index
    %get3A_12 = vector.load %arg3[%get3A_9, %get3A_10, %get3A_11] : memref<2x2000x8xf32, #tpu.memory_space<vmem>>, vector<1x2000x1xf32>
    %get3A_13 = vector.shape_cast %get3A_12 : vector<1x2000x1xf32> to vector<2000x1xf32>
    %get3A_14 = arith.constant 1 : index
    %get3A_15 = arith.constant 0 : index
    %get3A_16 = arith.constant 0 : index
    %get3A_17 = vector.load %arg3[%get3A_14, %get3A_15, %get3A_16] : memref<2x2000x8xf32, #tpu.memory_space<vmem>>, vector<1x2000x1xf32>
    %get3A_18 = vector.shape_cast %get3A_17 : vector<1x2000x1xf32> to vector<2000x1xf32>
    %add3A_19 = arith.addf %get3A_13, %get3A_18 : vector<2000x1xf32>
    %max3A = arith.constant 1.000000e+00 : f32
    %max3A_20 = vector.broadcast %max3A : f32 to vector<2000x1xf32>
    %max3A_21 = arith.maximumf %add3A_19, %max3A_20 : vector<2000x1xf32>
    %get3A_22 = arith.constant 0 : index
    %get3A_23 = arith.constant 0 : index
    %get3A_24 = vector.load %arg1[%get3A_22, %get3A_23] : memref<2000x64xf32, #tpu.memory_space<vmem>>, vector<2000x64xf32>
    %div3A = vector.broadcast %max3A_21 : vector<2000x1xf32> to vector<2000x64xf32>
    %div3A_25 = arith.divf %add3A, %div3A : vector<2000x64xf32>
    %add3A_26 = arith.addf %get3A_24, %div3A_25 : vector<2000x64xf32>
    %max3A_27 = arith.constant 0.000000e+00 : f32
    %max3A_28 = vector.broadcast %max3A_27 : f32 to vector<2000x64xf32>
    %max3A_29 = arith.maximumf %add3A_26, %max3A_28 : vector<2000x64xf32>
    %get3A_30 = arith.constant 0 : index
    %get3A_31 = arith.constant 0 : index
    %get3A_32 = vector.load %arg4[%get3A_30, %get3A_31] : memref<64x64xf32, #tpu.memory_space<vmem>>, vector<64x64xf32>
    %dot_general3A = arith.constant dense<0.000000e+00> : vector<2000x64xf32>
    %dot_general3A_33 = tpu.matmul %max3A_29, %get3A_32, %dot_general3A {dimension_numbers = #tpu.dot_dimension_numbers<[1], [0], [0], [1], [0, 0, 1, 1], [], []>, transpose_lhs_hint = false} : vector<2000x64xf32>, vector<64x64xf32>, vector<2000x64xf32> -> vector<2000x64xf32>
    %swap3A = arith.constant 0 : index
    %swap3A_34 = arith.constant 0 : index
    %swap3A_35 = vector.load %arg7[%swap3A, %swap3A_34] : memref<2000x64xf32, #tpu.memory_space<vmem>>, vector<2000x64xf32>
    tpu.vector_store %arg7[%swap3A, %swap3A_34], %dot_general3A_33 {strides = array<i32>} : memref<2000x64xf32, #tpu.memory_space<vmem>>, vector<2000x64xf32>,
    %get3A_36 = arith.constant 0 : index
    %get3A_37 = arith.constant 0 : index
    %get3A_38 = vector.load %arg5[%get3A_36, %get3A_37] : memref<64x64xf32, #tpu.memory_space<vmem>>, vector<64x64xf32>
    %dot_general3A_39 = arith.constant dense<0.000000e+00> : vector<2000x64xf32>
    %dot_general3A_40 = tpu.matmul %max3A_29, %get3A_38, %dot_general3A_39 {dimension_numbers = #tpu.dot_dimension_numbers<[1], [0], [0], [1], [0, 0, 1, 1], [], []>, transpose_lhs_hint = false} : vector<2000x64xf32>, vector<64x64xf32>, vector<2000x64xf32> -> vector<2000x64xf32>
    %get3A_41 = arith.constant 0 : index
    %get3A_42 = arith.constant 0 : index
    %get3A_43 = vector.load %arg6[%get3A_41, %get3A_42] : memref<1x64xf32, #tpu.memory_space<vmem>>, vector<1x64xf32>
    %add3A_44 = vector.broadcast %get3A_43 : vector<1x64xf32> to vector<2000x64xf32>
    %add3A_45 = arith.addf %dot_general3A_40, %add3A_44 : vector<2000x64xf32>
    %swap3A_46 = arith.constant 0 : index
    %swap3A_47 = arith.constant 0 : index
    %swap3A_48 = vector.load %arg8[%swap3A_46, %swap3A_47] : memref<2000x64xf32, #tpu.memory_space<vmem>>, vector<2000x64xf32>
    tpu.vector_store %arg8[%swap3A_46, %swap3A_47], %add3A_45 {strides = array<i32>} : memref<2000x64xf32, #tpu.memory_space<vmem>>, vector<2000x64xf32>,
    return
  }
  func.func @transform_0(%arg0: i32) -> (i32, i32) {
    %c0_i32 = arith.constant 0 : i32
    %c0_i32_0 = arith.constant 0 : i32
    return %arg0, %c0_i32 : i32, i32
  }
  func.func @transform_1(%arg0: i32) -> (i32, i32, i32) {
    %c0_i32 = arith.constant 0 : i32
    %c0_i32_0 = arith.constant 0 : i32
    %c0_i32_1 = arith.constant 0 : i32
    return %c0_i32, %arg0, %c0_i32_0 : i32, i32, i32
  }
  func.func @transform_2(%arg0: i32) -> (i32, i32, i32) {
    %c0_i32 = arith.constant 0 : i32
    %c0_i32_0 = arith.constant 0 : i32
    %c0_i32_1 = arith.constant 0 : i32
    return %c0_i32, %arg0, %c0_i32_0 : i32, i32, i32
  }
  func.func @transform_3(%arg0: i32) -> (i32, i32) {
    %c0_i32 = arith.constant 0 : i32
    %c0_i32_0 = arith.constant 0 : i32
    %c0_i32_1 = arith.constant 0 : i32
    return %c0_i32, %c0_i32_0 : i32, i32
  }
  func.func @transform_4(%arg0: i32) -> (i32, i32) {
    %c0_i32 = arith.constant 0 : i32
    %c0_i32_0 = arith.constant 0 : i32
    %c0_i32_1 = arith.constant 0 : i32
    return %c0_i32, %c0_i32_0 : i32, i32
  }
  func.func @transform_5(%arg0: i32) -> (i32, i32) {
    %c0_i32 = arith.constant 0 : i32
    %c0_i32_0 = arith.constant 0 : i32
    %c0_i32_1 = arith.constant 0 : i32
    return %c0_i32, %c0_i32_0 : i32, i32
  }
  func.func @transform_6(%arg0: i32) -> (i32, i32) {
    %c0_i32 = arith.constant 0 : i32
    %c0_i32_0 = arith.constant 0 : i32
    return %arg0, %c0_i32 : i32, i32
  }
  func.func @transform_7(%arg0: i32) -> (i32, i32) {
    %c0_i32 = arith.constant 0 : i32
    %c0_i32_0 = arith.constant 0 : i32
    return %arg0, %c0_i32 : i32, i32
  }
}

module attributes {stable_mosaic.version = 14 : i64} {
  func.func @_k3g_body(%arg0: i32, %arg1: memref<2000x64xf32, #tpu.memory_space<vmem>>, %arg2: memref<2x2000x64xf32, #tpu.memory_space<vmem>>, %arg3: memref<2x2000x8xf32, #tpu.memory_space<vmem>>, %arg4: memref<64x2xf32, #tpu.memory_space<vmem>>, %arg5: memref<1x2xf32, #tpu.memory_space<vmem>>, %arg6: memref<2000x2xf32, #tpu.memory_space<vmem>>) attributes {dimension_semantics = [#tpu.dimension_semantics<arbitrary>], iteration_bounds = array<i64: 5>, scalar_prefetch = 0 : i64, scratch_operands = 0 : i64, tpu.core_type = #tpu.core_type<tc>, window_params = [{transform_indices = @transform_0, window_bounds = array<i64: 2000, 64>}, {transform_indices = @transform_1, window_bounds = array<i64: 2, 2000, 64>}, {transform_indices = @transform_2, window_bounds = array<i64: 2, 2000, 8>}, {pipeline_mode = #tpu.pipeline_mode<synchronous>, transform_indices = @transform_3, window_bounds = array<i64: 64, 2>}, {pipeline_mode = #tpu.pipeline_mode<synchronous>, transform_indices = @transform_4, window_bounds = array<i64: 1, 2>}, {transform_indices = @transform_5, window_bounds = array<i64: 2000, 2>}]} {
    %get3A = arith.constant 0 : index
    %get3A_0 = arith.constant 0 : index
    %get3A_1 = arith.constant 0 : index
    %get3A_2 = vector.load %arg2[%get3A, %get3A_0, %get3A_1] : memref<2x2000x64xf32, #tpu.memory_space<vmem>>, vector<1x2000x64xf32>
    %get3A_3 = vector.shape_cast %get3A_2 : vector<1x2000x64xf32> to vector<2000x64xf32>
    %get3A_4 = arith.constant 1 : index
    %get3A_5 = arith.constant 0 : index
    %get3A_6 = arith.constant 0 : index
    %get3A_7 = vector.load %arg2[%get3A_4, %get3A_5, %get3A_6] : memref<2x2000x64xf32, #tpu.memory_space<vmem>>, vector<1x2000x64xf32>
    %get3A_8 = vector.shape_cast %get3A_7 : vector<1x2000x64xf32> to vector<2000x64xf32>
    %add3A = arith.addf %get3A_3, %get3A_8 : vector<2000x64xf32>
    %get3A_9 = arith.constant 0 : index
    %get3A_10 = arith.constant 0 : index
    %get3A_11 = arith.constant 0 : index
    %get3A_12 = vector.load %arg3[%get3A_9, %get3A_10, %get3A_11] : memref<2x2000x8xf32, #tpu.memory_space<vmem>>, vector<1x2000x1xf32>
    %get3A_13 = vector.shape_cast %get3A_12 : vector<1x2000x1xf32> to vector<2000x1xf32>
    %get3A_14 = arith.constant 1 : index
    %get3A_15 = arith.constant 0 : index
    %get3A_16 = arith.constant 0 : index
    %get3A_17 = vector.load %arg3[%get3A_14, %get3A_15, %get3A_16] : memref<2x2000x8xf32, #tpu.memory_space<vmem>>, vector<1x2000x1xf32>
    %get3A_18 = vector.shape_cast %get3A_17 : vector<1x2000x1xf32> to vector<2000x1xf32>
    %add3A_19 = arith.addf %get3A_13, %get3A_18 : vector<2000x1xf32>
    %max3A = arith.constant 1.000000e+00 : f32
    %max3A_20 = vector.broadcast %max3A : f32 to vector<2000x1xf32>
    %max3A_21 = arith.maximumf %add3A_19, %max3A_20 : vector<2000x1xf32>
    %get3A_22 = arith.constant 0 : index
    %get3A_23 = arith.constant 0 : index
    %get3A_24 = vector.load %arg1[%get3A_22, %get3A_23] : memref<2000x64xf32, #tpu.memory_space<vmem>>, vector<2000x64xf32>
    %div3A = vector.broadcast %max3A_21 : vector<2000x1xf32> to vector<2000x64xf32>
    %div3A_25 = arith.divf %add3A, %div3A : vector<2000x64xf32>
    %add3A_26 = arith.addf %get3A_24, %div3A_25 : vector<2000x64xf32>
    %max3A_27 = arith.constant 0.000000e+00 : f32
    %max3A_28 = vector.broadcast %max3A_27 : f32 to vector<2000x64xf32>
    %max3A_29 = arith.maximumf %add3A_26, %max3A_28 : vector<2000x64xf32>
    %get3A_30 = arith.constant 0 : index
    %get3A_31 = arith.constant 0 : index
    %get3A_32 = vector.load %arg4[%get3A_30, %get3A_31] : memref<64x2xf32, #tpu.memory_space<vmem>>, vector<64x2xf32>
    %dot_general3A = arith.constant dense<0.000000e+00> : vector<2000x2xf32>
    %dot_general3A_33 = tpu.matmul %max3A_29, %get3A_32, %dot_general3A {dimension_numbers = #tpu.dot_dimension_numbers<[1], [0], [0], [1], [0, 0, 1, 1], [], []>, transpose_lhs_hint = false} : vector<2000x64xf32>, vector<64x2xf32>, vector<2000x2xf32> -> vector<2000x2xf32>
    %get3A_34 = arith.constant 0 : index
    %get3A_35 = arith.constant 0 : index
    %get3A_36 = vector.load %arg5[%get3A_34, %get3A_35] : memref<1x2xf32, #tpu.memory_space<vmem>>, vector<1x2xf32>
    %add3A_37 = vector.broadcast %get3A_36 : vector<1x2xf32> to vector<2000x2xf32>
    %add3A_38 = arith.addf %dot_general3A_33, %add3A_37 : vector<2000x2xf32>
    %swap3A = arith.constant 0 : index
    %swap3A_39 = arith.constant 0 : index
    %swap3A_40 = vector.load %arg6[%swap3A, %swap3A_39] : memref<2000x2xf32, #tpu.memory_space<vmem>>, vector<2000x2xf32>
    tpu.vector_store %arg6[%swap3A, %swap3A_39], %add3A_38 {strides = array<i32>} : memref<2000x2xf32, #tpu.memory_space<vmem>>, vector<2000x2xf32>,
    return
  }
  func.func @transform_0(%arg0: i32) -> (i32, i32) {
    %c0_i32 = arith.constant 0 : i32
    %c0_i32_0 = arith.constant 0 : i32
    return %arg0, %c0_i32 : i32, i32
  }
  func.func @transform_1(%arg0: i32) -> (i32, i32, i32) {
    %c0_i32 = arith.constant 0 : i32
    %c0_i32_0 = arith.constant 0 : i32
    %c0_i32_1 = arith.constant 0 : i32
    return %c0_i32, %arg0, %c0_i32_0 : i32, i32, i32
  }
  func.func @transform_2(%arg0: i32) -> (i32, i32, i32) {
    %c0_i32 = arith.constant 0 : i32
    %c0_i32_0 = arith.constant 0 : i32
    %c0_i32_1 = arith.constant 0 : i32
    return %c0_i32, %arg0, %c0_i32_0 : i32, i32, i32
  }
  func.func @transform_3(%arg0: i32) -> (i32, i32) {
    %c0_i32 = arith.constant 0 : i32
    %c0_i32_0 = arith.constant 0 : i32
    %c0_i32_1 = arith.constant 0 : i32
    return %c0_i32, %c0_i32_0 : i32, i32
  }
  func.func @transform_4(%arg0: i32) -> (i32, i32) {
    %c0_i32 = arith.constant 0 : i32
    %c0_i32_0 = arith.constant 0 : i32
    %c0_i32_1 = arith.constant 0 : i32
    return %c0_i32, %c0_i32_0 : i32, i32
  }
  func.func @transform_5(%arg0: i32) -> (i32, i32) {
    %c0_i32 = arith.constant 0 : i32
    %c0_i32_0 = arith.constant 0 : i32
    return %arg0, %c0_i32 : i32, i32
  }
}

</mosaic_0001>

<sc_bundles>
// kernel: sage_seg.3.cloned.1.call-start
scs
__scs_entry_jumppad:
0x0: {  	(pc) =	sbr.rel $0x88, $3  }
0x1: {  	(tag) =	ssettag $0x0;
	lr =	simm.s32 $0x1  }
0x2: {  	[smem:$0x3F97] =	sst lr;
	_ =	strace $0xD0000000  }
0x3: {  	_ = 	snop  }
0x4: {  	_ = 	snop  }
0x5: {  	_ = 	snop  }
0x6: {  	_ = 	snop  }
0x7: {  	_ = 	snop  }
__scs_overlays_trampoline_lowered:
0x8: {  	[smem:$0x3FA6] =	sst s0  }
0x9: {  	[smem:$0x3FA7] =	sst s1  }
0xa: {  	[smem:$0x3FA8] =	sst s2  }
0xb: {  	[smem:$0x3FA9] =	sst s3  }
0xc: {  	[smem:$0x3FAA] =	sst s4  }
0xd: {  	[smem:$0x3FAB] =	sst s5  }
0xe: {  	[smem:$0x3FAC] =	sst s6  }
0xf: {  	[smem:$0x3FAD] =	sst s7  }
0x10: {  	[smem:$0x3FAE] =	sst s8  }
0x11: {  	[smem:$0x3FAF] =	sst s9;
	s0 =	simm.s32 @!p0 $0x0  }
0x12: {  	s1 =	sld [smem:$0x3F95];
	s0 =	simm.s32 @p0 $0x1  }
0x13: {  	[smem:$0x3FB0] =	sst s0;
	s0 =	simm.s32 @!p1 $0x0  }
0x14: {  	s2 =	sld [smem:$0x3F94];
	s0 =	simm.s32 @p1 $0x1  }
0x15: {  	[smem:$0x3FB1] =	sst s0;
	s0 =	simm.s32 @!p2 $0x0  }
0x16: {  	s3 =	sld [smem:$0x3FDB];
	s0 =	simm.s32 @p2 $0x1  }
0x17: {  	s4 =	simm.s32 $0x1BF5;
	[smem:$0x3FB3] =	sst s0  }
0x18: {  	s0 =	sld [smem:$0x3F96];
	_ =	swait.ge [sflag:s4], $0x0  }
0x19: {  	s7 =	sld [smem:$0x3F97]  }
0x1a: {  	s8 =	sadd.s32 $0xFFFFE003, lr  }
0x1b: {  	s9 =	sadd.s32 $0xFFFFFEF7, lr;
	s5 =	simm.s32 $0xFFFFFFFF;
	p2 =	slt.u32 s8, $0xFFFFF086  }
0x1c: {  	p1 =	slt.u32 s9, $0xF7A;
	s5 =	simm.s32 @!p2 $0x0  }
0x1d: {  	s5 =	simm.s32 @p1 $0x1;
	p0 =	seq.s32 s7, s2  }
0x1e: {  	s7 =	smul.u32 @!p0 $0xF7A, s2;
	p2 =	seq.s32 @!p0 s5, $0x0  }
0x1f: {  	s9 =	smul.u32 $0xF7A, s1;
	s8 =	simm.s32 @!p0 $0x1BF5;
	p2 =	por !p2, p0  }
0x20: {  	[sflag:s8] =	ssyncset.s32 @!p0 $0xFFFFF086;
	s6 =	sadd.s32 @!p0 s3, s7;
	s7 =	simm.s32 @!p0 $0x108  }
0x21: {  	s3 =	sadd.s32 s3, s9;
	s6 =	sadd.s32 @!p0 $0x88, s6;
	s7 =	simm.s32 @p2 $0x1082  }
0x22: {  	[simem:s7], [sflag:s8] =	dma.local @!p0 [hbm:s6], $0xF7A  }
0x23: {  	s9 =	sor.u32 $0xD0000000, s2;
	s6 =	simm.s32 $0x108;
	_ =	swait.ge @!p0 [sflag:s8], $0x0  }
0x24: {  	s3 =	sadd.s32 $0x88, s3;
	s6 =	simm.s32 @!p1 $0x1082;
	[sflag:s4] =	ssyncset.s32 $0xFFFFF086  }
0x25: {  	[simem:s6], [sflag:s4] =	dma.local [hbm:s3], $0xF7A  }
0x26: {  	[smem:$0x3F97] =	sst s1;
	(tag) =	ssettag s2;
	_ =	strace s9  }
0x27: {  	s1 =	sld [smem:$0x3FA7]  }
0x28: {  	s2 =	sld [smem:$0x3FA8]  }
0x29: {  	s4 =	sld [smem:$0x3FAA]  }
0x2a: {  	p0 =	seq.s32 s5, $0x0;
	s5 =	sld [smem:$0x3FAB]  }
0x2b: {  	s6 =	sld [smem:$0x3FAC]  }
0x2c: {  	s7 =	sld [smem:$0x3FAD]  }
0x2d: {  	s3 =	simm.s32 $0x108;
	s8 =	sld [smem:$0x3FAE]  }
0x2e: {  	s3 =	simm.s32 @!p0 $0x1082;
	s9 =	sld [smem:$0x3FAF]  }
0x2f: {  	lr =	sadd.s32 s0, s3;
	s0 =	sld [smem:$0x3FA6]  }
0x30: {  	s3 =	sld [smem:$0x3FA9]  }
0x31: {  	[smem:$0x3FB2] =	sst s10  }
0x32: {  	s10 =	sld [smem:$0x3FB0];
	_ =	sdelay $0x3  }
0x33: {  	p0 =	seq.s32 s10, $0x1;
	s10 =	sld [smem:$0x3FB2];
	_ =	sdelay $0x3  }
0x34: {  	[smem:$0x3FB2] =	sst s10  }
0x35: {  	s10 =	sld [smem:$0x3FB1];
	_ =	sdelay $0x3  }
0x36: {  	p1 =	seq.s32 s10, $0x1;
	s10 =	sld [smem:$0x3FB2];
	_ =	sdelay $0x3  }
0x37: {  	[smem:$0x3FB2] =	sst s10  }
0x38: {  	s10 =	sld [smem:$0x3FB3]  }
0x39: {  	_ = 	snop;
	(pc) =	sbr.ind lr, $3  }
0x3a: {  	_ = 	snop  }
0x3b: {  	_ = 	snop  }
0x3c: {  	p2 =	seq.s32 s10, $0x1;
	s10 =	sld [smem:$0x3FB2]  }
0x3d: {  	_ =	shalt  }
0x3e: {  	_ =	shalt  }
0x3f: {  	_ =	shalt  }
0x40: {  	_ =	shalt  }
0x41: {  	_ =	shalt  }
0x42: {  	_ =	shalt  }
0x43: {  	_ =	shalt  }
0x44: {  	_ =	shalt  }
0x45: {  	_ =	shalt  }
0x46: {  	_ =	shalt  }
0x47: {  	_ =	shalt  }
0x48: {  	_ =	shalt  }
0x49: {  	_ =	shalt  }
0x4a: {  	_ =	shalt  }
0x4b: {  	_ =	shalt  }
0x4c: {  	_ =	shalt  }
0x4d: {  	_ =	shalt  }
0x4e: {  	_ =	shalt  }
0x4f: {  	_ =	shalt  }
0x50: {  	_ =	shalt  }
0x51: {  	_ =	shalt  }
0x52: {  	_ =	shalt  }
0x53: {  	_ =	shalt  }
0x54: {  	_ =	shalt  }
0x55: {  	_ =	shalt  }
0x56: {  	_ =	shalt  }
0x57: {  	_ =	shalt  }
0x58: {  	_ =	shalt  }
0x59: {  	_ =	shalt  }
0x5a: {  	_ =	shalt  }
0x5b: {  	_ =	shalt  }
0x5c: {  	_ =	shalt  }
0x5d: {  	_ =	shalt  }
0x5e: {  	_ =	shalt  }
0x5f: {  	_ =	shalt  }
0x60: {  	_ =	shalt  }
0x61: {  	_ =	shalt  }
0x62: {  	_ =	shalt  }
0x63: {  	_ =	shalt  }
0x64: {  	_ =	shalt  }
0x65: {  	_ =	shalt  }
0x66: {  	_ =	shalt  }
0x67: {  	_ =	shalt  }
0x68: {  	_ =	shalt  }
0x69: {  	_ =	shalt  }
0x6a: {  	_ =	shalt  }
0x6b: {  	_ =	shalt  }
0x6c: {  	_ =	shalt  }
0x6d: {  	_ =	shalt  }
0x6e: {  	_ =	shalt  }
0x6f: {  	_ =	shalt  }
0x70: {  	_ =	shalt  }
0x71: {  	_ =	shalt  }
0x72: {  	_ =	shalt  }
0x73: {  	_ =	shalt  }
0x74: {  	_ =	shalt  }
0x75: {  	_ =	shalt  }
0x76: {  	_ =	shalt  }
0x77: {  	_ =	shalt  }
0x78: {  	_ =	shalt  }
0x79: {  	_ =	shalt  }
0x7a: {  	_ =	shalt  }
0x7b: {  	_ =	shalt  }
0x7c: {  	_ =	shalt  }
0x7d: {  	_ =	shalt  }
0x7e: {  	_ =	shalt  }
0x7f: {  	_ =	shalt  }
0x80: {  	_ =	shalt  }
0x81: {  	_ =	shalt  }
0x82: {  	_ =	shalt  }
0x83: {  	_ =	shalt  }
0x84: {  	_ =	shalt  }
0x85: {  	_ =	shalt  }
0x86: {  	_ =	shalt  }
0x87: {  	_ =	shalt  }
.Lfunc_end0:
.L_simem_size_0:
called_computation.1_lowered:
.L_overlay_start_0:
0x88: {  	s2 =	sld [smem:$0x3FD9]  }
0x89: {  	s3 =	sld [smem:$0x3FFE];
	_ =	sdelay $0x1  }
0x8a: {  	s1 =	srdreg.scid  }
0x8b: {  	s0 =	sand.u32 $0x1, s1  }
0x8c: {  	s16 =	sshll.u32 s0, $0xA;
	s2 =	sadd.s32 s3, s2  }
0x8d: {  	s2 =	sadd.s32 s2, s16  }
0x8e: {  	[smem:$0x3FBE] =	sst s2  }
0x8f: {  	_ = 	snop  }
0x90: {  	(tm) =	ssettm $0x1  }
0x91: {  	s17 =	sld [smem:$0x3FFB];
	_ =	sdelay $0x3  }
0x92: {  	_ =	strace s17  }
0x93: {  	s2 =	sld [smem:$0x3FFC];
	_ =	sdelay $0x3  }
0x94: {  	_ =	strace s2  }
0x95: {  	s2 =	sld [smem:$0x3FFD];
	_ =	sdelay $0x3  }
0x96: {  	_ =	strace s2  }
0x97: {  	_ =	strace $0x8FFFFFFF  }
0x98: {  	s18 =	sld [smem:$0x3FDB];
	_ =	sdelay $0x1  }
0x99: {  	s19 =	simm.s32 $_scs_section_size  }
0x9a: {  	s4 =	simm.s32 $_size__tile_overlayer_lowered;
	s5 =	simm.s32 $_tile_overlayer_lowered  }
0x9b: {  	s22 =	simm.s32 $0x1BFF;
	s21 =	sshll.u32 s5, $0x1;
	s2 =	sadd.s32 s19, s18  }
0x9c: {  	s6 =	simm.s32 $0x0;
	s20 =	sshll.u32 s4, $0x1;
	s4 =	sadd.s32 s21, s2  }
0x9d: {  	[timem:s6], [sflag:s22] =	dma.local [hbm:s4], s20  }
0x9e: {  	_ =	swait.ge [sflag:s22], s20  }
0x9f: {  	s3 =	ssub.s32 $0x0, s20;
	[sflag:s22] =	ssyncset.done $0x0  }
0xa0: {  	[sflag:s22] =	ssyncadd.s32 s3;
	_ =	sdelay $0x1  }
0xa1: {  	s23 =	simm.s32 $0x1B8B  }
0xa2: {  	_ =	swait.ge [sflag:s23], $0x1  }
0xa3: {  	[sflag:s23] =	ssyncset.done $0x0  }
0xa4: {  	s25 =	simm.s32 $0x1B8E;
	s24 =	sld [smem:$0x3FFE];
	[sflag:s23] =	ssyncadd.s32 $0xFFFFFFFF  }
0xa5: {  	s26 =	simm.s32 $execute0_lowered;
	[smem:$0x3FD2] =	sst s25  }
0xa6: {  	s4 =	sshll.u32 s26, $0x1;
	_ =	strace $0x80000049;
	[dreg:$0x1] =	wrdreg $0xFFFFFFFF  }
0xa7: {  	s28 =	simm.s32 $_size_execute0_lowered;
	s2 =	sadd.s32 s2, s4;
	[dreg:$0x0] =	wrdreg $0x0  }
0xa8: {  	s4 =	sshll.u32 s28, $0x1;
	[dreg:$0x2] =	wrdreg s2  }
0xa9: {  	[dreg:$0x3] =	wrdreg s4  }
0xaa: {  	[dreg:$0x4] =	wrdreg $0xC0  }
0xab: {  	_ =	task [dreg:s6], $0x5FFFF  }
0xac: {  	[dreg:$0x1] =	wrdreg $0xFFFFFFFF  }
0xad: {  	[dreg:$0x0] =	wrdreg $0x60  }
0xae: {  	[dreg:$0x2] =	wrdreg s24  }
0xaf: {  	[dreg:$0x3] =	wrdreg $0xD0000  }
0xb0: {  	[dreg:$0x4] =	wrdreg $0x9  }
0xb1: {  	_ =	task.clear_ibuf [dreg:s6], $0x5FFFF;
	_ =	strace $0x90000049  }
0xb2: {  	s29 =	simm.s32 $0x9;
	_ =	strace $0x8000004B  }
0xb3: {  	_ =	swait.ge [sflag:s29], $0x1  }
0xb4: {  	[sflag:s29] =	ssyncadd.s32 $0xFFFFFFFF  }
0xb5: {  	_ =	strace $0x9000004B  }
0xb6: {  	_ =	sfence  }
0xb7: {  	s30 =	sld [smem:$0x0];
	_ =	sdelay $0x2  }
0xb8: {  	s31 =	sshll.u32 s1, $0xD;
	s1 =	sshrl.u32 s1, $0x2  }
0xb9: {  	s3 =	sand.u32 $0x4000, s31;
	s1 =	sadd.s32 s1, s30  }
0xba: {  	s0 =	sor.u32 s3, s0;
	s1 =	sshll.u32 s1, $0x11  }
0xbb: {  	s0 =	sor.u32 s1, s0  }
0xbc: {  	s0 =	sadd.s32 $0x8F2B, s0  }
0xbd: {  	[sflag:s0] =	ssyncadd.remote.s32 $0x1  }
0xbe: {  	_ =	sfence.sel $0xFFFF  }
0xbf: {  	[dreg:$0x0] =	wrdreg $0xFFFFFFFF;
	(pc) =	sbr.abs _section_cstart, $3  }
0xc0: {  	[dreg:$0x1] =	wrdreg $0xFFFFFFFF  }
0xc1: {  	_ =	task.clear_ibuf [dreg:s6], $0x2FFFF;
	_ =	strace $0x9FFFFFFF  }
0xc2: {  	(tm) =	ssettm $0x7FFFFFFF  }
0xc3: {  	_ =	shalt  }
tec
execute0_lowered:
.L_overlay_start_1:
0x0: {  	(tag) =	ssettag $0x1  }
0x1: {  	s0 =	rddreg [dreg:$0x0]  }
0x2: {  	s2 =	rddreg [dreg:$0x1]  }
0x3: {  	s11 =	stileid.u32;
	s4 =	srdreg.scid  }
0x4: {  	s3 =	simm.s32 $0x0;
	s14 =	simm.s32 $0x5;
	s16 =	simm.s32 $0x80  }
0x5: {  	s17 =	simm.s32 $0x5000;
	s18 =	simm.s32 $0x7000;
	s19 =	simm.s32 $0x100  }
0x6: {  	s20 =	simm.s32 $0x9000;
	s21 =	simm.s32 $0x180;
	s22 =	simm.s32 $0xB000  }
0x7: {  	s23 =	simm.s32 $0x1;
	s24 =	simm.s32 $0x2;
	s25 =	simm.s32 $0x3  }
0x8: {  	s28 =	simm.s32 $0x4E00;
	s29 =	simm.s32 $0x4E80;
	s30 =	simm.s32 $0x4F00  }
0x9: {  	s31 =	simm.s32 $0x4F80;
	s1 =	smul.u32 $0x2800, s11;
	s7 =	sand.u32 $0x1, s4  }
0xa: {  	s6 =	smul.u32 $0x9E00, s11;
	[smem:$0x7FF] =	sst s3;
	s4 =	sadd.s32 $0x16600, s0  }
0xb: {  	s26 =	sshll.u32 s11, $0x6;
	s5 =	smul.u32 $0x9E000, s7;
	_ =	strace $0x8000004A  }
0xc: {  	s9 =	ssub.s32 $0x2, s7;
	p0 =	seq.s32 s7, $0x1;
	s1 =	sshrl.u32 s1, $0x3  }
0xd: {  	s10 =	sshrl.u32 s9, $0x1;
	s13 =	sadd.s32 s6, s2;
	s1 =	sadd.s32 s1, s0  }
.Ltmp0:
0xe: {  	s8 =	sadd.s32 s6, s5;
	s5 =	sadd.s32 $0x2A000, s0;
	(pc) =	sbr.rel .LBB2_1-.Ltmp0, $4  }
0xf: {  	s12 =	ssub.s32 s9, s10;
	s6 =	sor.u32 $0x1C05, s26;
	s13 =	sshrl.u32 s13, $0x3  }
0x10: {  	s26 =	simm.s32 $0x4;
	s8 =	sshrl.u32 s8, $0x3;
	s7 =	sadd.s32 $0x2600, s1  }
0x11: {  	s9 =	sadd.s32 $0x7600, s1;
	s10 =	sadd.s32 $0x11600, s1;
	s0 =	sadd.s32 s8, s0  }
0x12: {  	s12 =	smax.u32 s12, $0x1;
	s8 =	sadd.s32 $0xC600, s1;
	s11 =	sadd.s32 $0x2B400, s0  }
.LBB2_7:
0x13: {  	[tilespmem:s22], [sflag:$0x4] =	stream.indirect.gather [hbm4b:s4+s16], $0x40, s1, s16, $0xb8;
	[tilespmem:$0x16E00] =	vst v63  }
.LBB2_8:
0x14: {  	_ =	swait.ge [sflag:s23], $0x2000  }
0x15: {  	[sflag:s23] =	ssyncset.done $0x0  }
0x16: {  	[sflag:s23] =	ssyncadd.s32 $0xFFFFE000  }
0x17: {  	[spmem:s2] =	stream.indirect.scatter.add.f32 [tilespmem:s17], [sflag:$0x5], $0x40, s28, s16, $0xb8;
	[tilespmem:$0x16E00] =	vst v63  }
0x18: {  	_ =	swait.ge [sflag:s14], $0x2000  }
0x19: {  	[sflag:s14] =	ssyncset.done $0x0  }
0x1a: {  	[sflag:s14] =	ssyncadd.s32 $0xFFFFE000  }
0x1b: {  	_ =	swait.ge [sflag:s24], $0x2000  }
0x1c: {  	[sflag:s24] =	ssyncset.done $0x0  }
0x1d: {  	[sflag:s24] =	ssyncadd.s32 $0xFFFFE000  }
0x1e: {  	[spmem:s2] =	stream.indirect.scatter.add.f32 [tilespmem:s18], [sflag:$0x5], $0x40, s29, s16, $0xb8;
	[tilespmem:$0x16E00] =	vst v63  }
0x1f: {  	_ =	swait.ge [sflag:s14], $0x2000  }
0x20: {  	[sflag:s14] =	ssyncset.done $0x0  }
0x21: {  	[sflag:s14] =	ssyncadd.s32 $0xFFFFE000  }
0x22: {  	_ =	swait.ge [sflag:s25], $0x2000  }
0x23: {  	[sflag:s25] =	ssyncset.done $0x0  }
0x24: {  	[sflag:s25] =	ssyncadd.s32 $0xFFFFE000  }
0x25: {  	[spmem:s2] =	stream.indirect.scatter.add.f32 [tilespmem:s20], [sflag:$0x5], $0x40, s30, s16, $0xb8;
	[tilespmem:$0x16E00] =	vst v63  }
0x26: {  	_ =	swait.ge [sflag:s14], $0x2000  }
0x27: {  	[sflag:s14] =	ssyncset.done $0x0  }
0x28: {  	[sflag:s14] =	ssyncadd.s32 $0xFFFFE000  }
0x29: {  	_ =	swait.ge [sflag:s26], $0x2000  }
0x2a: {  	[sflag:s26] =	ssyncset.done $0x0  }
0x2b: {  	[sflag:s26] =	ssyncadd.s32 $0xFFFFE000  }
0x2c: {  	[spmem:s2] =	stream.indirect.scatter.add.f32 [tilespmem:s22], [sflag:$0x5], $0x40, s31, s16, $0xb8;
	[tilespmem:$0x16E00] =	vst v63  }
0x2d: {  	_ =	swait.ge [sflag:s14], $0x2000  }
0x2e: {  	s3 =	sadd.s32 $0x1, s3;
	[sflag:s14] =	ssyncset.done $0x0  }
0x2f: {  	p1 =	sne.s32 s3, s12;
	[sflag:s14] =	ssyncadd.s32 $0xFFFFE000  }
.Ltmp1:
0x30: {  	[bflag:$0x0] =	sbarrier.arrive $0xFFFF;
	(pc) =	sbr.rel @!p1 .LBB2_9-.Ltmp1, $4  }
0x31: {  	[hbm:s11], [sflag:s6] =	dma.local [spmem:s13], $0x13C0  }
0x32: {  	_ =	swait.ge [sflag:s14], $0x13C0  }
0x33: {  	[sflag:s14] =	ssyncset.done $0x0  }
0x34: {  	[sflag:s14] =	ssyncadd.s32 $0xFFFFEC40  }
.LBB2_1:
0x35: {  	[spmem:s13], [sflag:s6] =	dma.local [hbm:s5], $0x13C0  }
.Ltmp2:
0x36: {  	_ =	swait.ge [sflag:s14], $0x13C0;
	(pc) =	sbr.rel @!p0 .LBB2_2-.Ltmp2, $4  }
0x37: {  	[sflag:s14] =	ssyncset.done $0x0  }
0x38: {  	[sflag:s14] =	ssyncadd.s32 $0xFFFFEC40  }
0x39: {  	[bflag:$0x0] =	sbarrier.arrive $0xFFFF  }
0x3a: {  	s0 =	simm.s32 $0x0  }
0x3b: {  	[tilespmem:s0], [sflag:$0x5] =	stream.linear.gather [hbm4b:s9+s0], $0x2800, $0x38;
	[tilespmem:$0x16E00] =	vst v63  }
0x3c: {  	_ =	swait.ge [sflag:s14], $0x2800  }
0x3d: {  	[sflag:s14] =	ssyncset.done $0x0  }
0x3e: {  	s1 =	simm.s32 $0x2800;
	[sflag:s14] =	ssyncadd.s32 $0xFFFFD800  }
0x3f: {  	[tilespmem:s1], [sflag:$0x5] =	stream.linear.gather [hbm4b:s10+s0], $0x2800, $0x38;
	[tilespmem:$0x16E00] =	vst v63  }
0x40: {  	_ =	swait.ge [sflag:s14], $0x2800  }
0x41: {  	[sflag:s14] =	ssyncset.done $0x0  }
0x42: {  	[sflag:s14] =	ssyncadd.s32 $0xFFFFD800  }
0x43: {  	[tilespmem:s17], [sflag:$0x1] =	stream.indirect.gather [hbm4b:s4+s16], $0x40, s0, s16, $0xb8;
	[tilespmem:$0x16E00] =	vst v63  }
0x44: {  	_ = 	snop  }
0x45: {  	[tilespmem:s18], [sflag:$0x2] =	stream.indirect.gather [hbm4b:s4+s16], $0x40, s16, s16, $0xb8;
	[tilespmem:$0x16E00] =	vst v63  }
0x46: {  	_ = 	snop  }
0x47: {  	[tilespmem:s20], [sflag:$0x3] =	stream.indirect.gather [hbm4b:s4+s16], $0x40, s19, s16, $0xb8;
	[tilespmem:$0x16E00] =	vst v63  }
0x48: {  	_ = 	snop  }
0x49: {  	[tilespmem:s22], [sflag:$0x4] =	stream.indirect.gather [hbm4b:s4+s16], $0x40, s21, s16, $0xb8;
	[tilespmem:$0x16E00] =	vst v63  }
0x4a: {  	_ =	swait.ge [sflag:s23], $0x2000  }
0x4b: {  	[sflag:s23] =	ssyncset.done $0x0  }
0x4c: {  	s15 =	simm.s32 $0x2800;
	[sflag:s23] =	ssyncadd.s32 $0xFFFFE000  }
0x4d: {  	[spmem:s2] =	stream.indirect.scatter.add.f32 [tilespmem:s17], [sflag:$0x5], $0x40, s15, s16, $0xb8;
	[tilespmem:$0x16E00] =	vst v63  }
0x4e: {  	_ =	swait.ge [sflag:s14], $0x2000  }
0x4f: {  	[sflag:s14] =	ssyncset.done $0x0  }
0x50: {  	s1 =	simm.s32 $0x200;
	[sflag:s14] =	ssyncadd.s32 $0xFFFFE000  }
0x51: {  	[tilespmem:s17], [sflag:$0x1] =	stream.indirect.gather [hbm4b:s4+s16], $0x40, s1, s16, $0xb8;
	[tilespmem:$0x16E00] =	vst v63  }
0x52: {  	_ =	swait.ge [sflag:s24], $0x2000  }
0x53: {  	[sflag:s24] =	ssyncset.done $0x0  }
0x54: {  	s15 =	simm.s32 $0x2880;
	[sflag:s24] =	ssyncadd.s32 $0xFFFFE000  }
0x55: {  	[spmem:s2] =	stream.indirect.scatter.add.f32 [tilespmem:s18], [sflag:$0x5], $0x40, s15, s16, $0xb8;
	[tilespmem:$0x16E00] =	vst v63  }
0x56: {  	_ =	swait.ge [sflag:s14], $0x2000  }
0x57: {  	[sflag:s14] =	ssyncset.done $0x0  }
0x58: {  	s1 =	simm.s32 $0x280;
	[sflag:s14] =	ssyncadd.s32 $0xFFFFE000  }
0x59: {  	[tilespmem:s18], [sflag:$0x2] =	stream.indirect.gather [hbm4b:s4+s16], $0x40, s1, s16, $0xb8;
	[tilespmem:$0x16E00] =	vst v63  }
0x5a: {  	_ =	swait.ge [sflag:s25], $0x2000  }
0x5b: {  	[sflag:s25] =	ssyncset.done $0x0  }
0x5c: {  	s15 =	simm.s32 $0x2900;
	[sflag:s25] =	ssyncadd.s32 $0xFFFFE000  }
0x5d: {  	[spmem:s2] =	stream.indirect.scatter.add.f32 [tilespmem:s20], [sflag:$0x5], $0x40, s15, s16, $0xb8;
	[tilespmem:$0x16E00] =	vst v63  }
0x5e: {  	_ =	swait.ge [sflag:s14], $0x2000  }
0x5f: {  	[sflag:s14] =	ssyncset.done $0x0  }
0x60: {  	s1 =	simm.s32 $0x300;
	[sflag:s14] =	ssyncadd.s32 $0xFFFFE000  }
0x61: {  	[tilespmem:s20], [sflag:$0x3] =	stream.indirect.gather [hbm4b:s4+s16], $0x40, s1, s16, $0xb8;
	[tilespmem:$0x16E00] =	vst v63  }
0x62: {  	_ =	swait.ge [sflag:s26], $0x2000  }
0x63: {  	[sflag:s26] =	ssyncset.done $0x0  }
0x64: {  	s15 =	simm.s32 $0x2980;
	[sflag:s26] =	ssyncadd.s32 $0xFFFFE000  }
0x65: {  	[spmem:s2] =	stream.indirect.scatter.add.f32 [tilespmem:s22], [sflag:$0x5], $0x40, s15, s16, $0xb8;
	[tilespmem:$0x16E00] =	vst v63  }
0x66: {  	_ =	swait.ge [sflag:s14], $0x2000  }
0x67: {  	[sflag:s14] =	ssyncset.done $0x0  }
0x68: {  	s0 =	simm.s32 $0x800;
	s1 =	simm.s32 $0x380;
	[sflag:s14] =	ssyncadd.s32 $0xFFFFE000  }
.LBB2_6:
0x69: {  	[tilespmem:s22], [sflag:$0x4] =	stream.indirect.gather [hbm4b:s4+s16], $0x40, s1, s16, $0xb8;
	[tilespmem:$0x16E00] =	vst v63  }
0x6a: {  	s1 =	smov.u32 s0  }
0x6b: {  	p1 =	sne.s32 s0, $0x9000;
	s0 =	sadd.s32 $0x800, s0;
	_ =	swait.ge [sflag:s23], $0x2000  }
0x6c: {  	s1 =	sshra.s32 s1, $0x2;
	[sflag:s23] =	ssyncset.done $0x0  }
0x6d: {  	s15 =	sadd.s32 $0x2800, s1;
	[sflag:s23] =	ssyncadd.s32 $0xFFFFE000  }
0x6e: {  	[spmem:s2] =	stream.indirect.scatter.add.f32 [tilespmem:s17], [sflag:$0x5], $0x40, s15, s16, $0xb8;
	[tilespmem:$0x16E00] =	vst v63  }
0x6f: {  	_ =	swait.ge [sflag:s14], $0x2000  }
0x70: {  	[sflag:s14] =	ssyncset.done $0x0  }
0x71: {  	s15 =	sadd.s32 $0x200, s1;
	[sflag:s14] =	ssyncadd.s32 $0xFFFFE000  }
0x72: {  	[tilespmem:s17], [sflag:$0x1] =	stream.indirect.gather [hbm4b:s4+s16], $0x40, s15, s16, $0xb8;
	[tilespmem:$0x16E00] =	vst v63  }
0x73: {  	_ =	swait.ge [sflag:s24], $0x2000  }
0x74: {  	[sflag:s24] =	ssyncset.done $0x0  }
0x75: {  	s15 =	sadd.s32 $0x2880, s1;
	[sflag:s24] =	ssyncadd.s32 $0xFFFFE000  }
0x76: {  	[spmem:s2] =	stream.indirect.scatter.add.f32 [tilespmem:s18], [sflag:$0x5], $0x40, s15, s16, $0xb8;
	[tilespmem:$0x16E00] =	vst v63  }
0x77: {  	_ =	swait.ge [sflag:s14], $0x2000  }
0x78: {  	[sflag:s14] =	ssyncset.done $0x0  }
0x79: {  	s15 =	sadd.s32 $0x280, s1;
	[sflag:s14] =	ssyncadd.s32 $0xFFFFE000  }
0x7a: {  	[tilespmem:s18], [sflag:$0x2] =	stream.indirect.gather [hbm4b:s4+s16], $0x40, s15, s16, $0xb8;
	[tilespmem:$0x16E00] =	vst v63  }
0x7b: {  	_ =	swait.ge [sflag:s25], $0x2000  }
0x7c: {  	[sflag:s25] =	ssyncset.done $0x0  }
0x7d: {  	s15 =	sadd.s32 $0x2900, s1;
	[sflag:s25] =	ssyncadd.s32 $0xFFFFE000  }
0x7e: {  	[spmem:s2] =	stream.indirect.scatter.add.f32 [tilespmem:s20], [sflag:$0x5], $0x40, s15, s16, $0xb8;
	[tilespmem:$0x16E00] =	vst v63  }
0x7f: {  	_ =	swait.ge [sflag:s14], $0x2000  }
0x80: {  	[sflag:s14] =	ssyncset.done $0x0  }
0x81: {  	s15 =	sadd.s32 $0x300, s1;
	[sflag:s14] =	ssyncadd.s32 $0xFFFFE000  }
0x82: {  	[tilespmem:s20], [sflag:$0x3] =	stream.indirect.gather [hbm4b:s4+s16], $0x40, s15, s16, $0xb8;
	[tilespmem:$0x16E00] =	vst v63  }
0x83: {  	_ =	swait.ge [sflag:s26], $0x2000  }
0x84: {  	[sflag:s26] =	ssyncset.done $0x0  }
.Ltmp3:
0x85: {  	s15 =	sadd.s32 $0x2980, s1;
	[sflag:s26] =	ssyncadd.s32 $0xFFFFE000;
	(pc) =	sbr.rel @p1 .LBB2_6-.Ltmp3, $4  }
0x86: {  	[spmem:s2] =	stream.indirect.scatter.add.f32 [tilespmem:s22], [sflag:$0x5], $0x40, s15, s16, $0xb8;
	[tilespmem:$0x16E00] =	vst v63  }
0x87: {  	_ =	swait.ge [sflag:s14], $0x2000  }
0x88: {  	[sflag:s14] =	ssyncset.done $0x0  }
0x89: {  	s1 =	sadd.s32 $0x380, s1;
	[sflag:s14] =	ssyncadd.s32 $0xFFFFE000  }
.Ltmp4:
0x8a: {  	_ = 	snop;
	(pc) =	sbr.rel .LBB2_7-.Ltmp4, $1  }
0x8b: {  	_ =	sdelay $0x3  }
.LBB2_2:
0x8c: {  	[tilespmem:s0], [sflag:$0x5] =	stream.linear.gather [hbm4b:s7+s0], $0x2800, $0x38;
	[tilespmem:$0x16E00] =	vst v63  }
0x8d: {  	_ =	swait.ge [sflag:s14], $0x2800  }
0x8e: {  	[sflag:s14] =	ssyncset.done $0x0  }
0x8f: {  	s1 =	simm.s32 $0x2800;
	[sflag:s14] =	ssyncadd.s32 $0xFFFFD800  }
0x90: {  	[tilespmem:s1], [sflag:$0x5] =	stream.linear.gather [hbm4b:s8+s0], $0x2800, $0x38;
	[tilespmem:$0x16E00] =	vst v63  }
0x91: {  	_ =	swait.ge [sflag:s14], $0x2800  }
0x92: {  	[sflag:s14] =	ssyncset.done $0x0  }
0x93: {  	[sflag:s14] =	ssyncadd.s32 $0xFFFFD800  }
0x94: {  	[tilespmem:s17], [sflag:$0x1] =	stream.indirect.gather [hbm4b:s4+s16], $0x40, s0, s16, $0xb8;
	[tilespmem:$0x16E00] =	vst v63  }
0x95: {  	_ = 	snop  }
0x96: {  	[tilespmem:s18], [sflag:$0x2] =	stream.indirect.gather [hbm4b:s4+s16], $0x40, s16, s16, $0xb8;
	[tilespmem:$0x16E00] =	vst v63  }
0x97: {  	_ = 	snop  }
0x98: {  	[tilespmem:s20], [sflag:$0x3] =	stream.indirect.gather [hbm4b:s4+s16], $0x40, s19, s16, $0xb8;
	[tilespmem:$0x16E00] =	vst v63  }
0x99: {  	_ = 	snop  }
0x9a: {  	[tilespmem:s22], [sflag:$0x4] =	stream.indirect.gather [hbm4b:s4+s16], $0x40, s21, s16, $0xb8;
	[tilespmem:$0x16E00] =	vst v63  }
0x9b: {  	_ =	swait.ge [sflag:s23], $0x2000  }
0x9c: {  	[sflag:s23] =	ssyncset.done $0x0  }
0x9d: {  	s15 =	simm.s32 $0x2800;
	[sflag:s23] =	ssyncadd.s32 $0xFFFFE000  }
0x9e: {  	[spmem:s2] =	stream.indirect.scatter.add.f32 [tilespmem:s17], [sflag:$0x5], $0x40, s15, s16, $0xb8;
	[tilespmem:$0x16E00] =	vst v63  }
0x9f: {  	_ =	swait.ge [sflag:s14], $0x2000  }
0xa0: {  	[sflag:s14] =	ssyncset.done $0x0  }
0xa1: {  	s1 =	simm.s32 $0x200;
	[sflag:s14] =	ssyncadd.s32 $0xFFFFE000  }
0xa2: {  	[tilespmem:s17], [sflag:$0x1] =	stream.indirect.gather [hbm4b:s4+s16], $0x40, s1, s16, $0xb8;
	[tilespmem:$0x16E00] =	vst v63  }
0xa3: {  	_ =	swait.ge [sflag:s24], $0x2000  }
0xa4: {  	[sflag:s24] =	ssyncset.done $0x0  }
0xa5: {  	s15 =	simm.s32 $0x2880;
	[sflag:s24] =	ssyncadd.s32 $0xFFFFE000  }
0xa6: {  	[spmem:s2] =	stream.indirect.scatter.add.f32 [tilespmem:s18], [sflag:$0x5], $0x40, s15, s16, $0xb8;
	[tilespmem:$0x16E00] =	vst v63  }
0xa7: {  	_ =	swait.ge [sflag:s14], $0x2000  }
0xa8: {  	[sflag:s14] =	ssyncset.done $0x0  }
0xa9: {  	s1 =	simm.s32 $0x280;
	[sflag:s14] =	ssyncadd.s32 $0xFFFFE000  }
0xaa: {  	[tilespmem:s18], [sflag:$0x2] =	stream.indirect.gather [hbm4b:s4+s16], $0x40, s1, s16, $0xb8;
	[tilespmem:$0x16E00] =	vst v63  }
0xab: {  	_ =	swait.ge [sflag:s25], $0x2000  }
0xac: {  	[sflag:s25] =	ssyncset.done $0x0  }
0xad: {  	s15 =	simm.s32 $0x2900;
	[sflag:s25] =	ssyncadd.s32 $0xFFFFE000  }
0xae: {  	[spmem:s2] =	stream.indirect.scatter.add.f32 [tilespmem:s20], [sflag:$0x5], $0x40, s15, s16, $0xb8;
	[tilespmem:$0x16E00] =	vst v63  }
0xaf: {  	_ =	swait.ge [sflag:s14], $0x2000  }
0xb0: {  	[sflag:s14] =	ssyncset.done $0x0  }
0xb1: {  	s1 =	simm.s32 $0x300;
	[sflag:s14] =	ssyncadd.s32 $0xFFFFE000  }
0xb2: {  	[tilespmem:s20], [sflag:$0x3] =	stream.indirect.gather [hbm4b:s4+s16], $0x40, s1, s16, $0xb8;
	[tilespmem:$0x16E00] =	vst v63  }
0xb3: {  	_ =	swait.ge [sflag:s26], $0x2000  }
0xb4: {  	[sflag:s26] =	ssyncset.done $0x0  }
0xb5: {  	s15 =	simm.s32 $0x2980;
	[sflag:s26] =	ssyncadd.s32 $0xFFFFE000  }
0xb6: {  	[spmem:s2] =	stream.indirect.scatter.add.f32 [tilespmem:s22], [sflag:$0x5], $0x40, s15, s16, $0xb8;
	[tilespmem:$0x16E00] =	vst v63  }
0xb7: {  	_ =	swait.ge [sflag:s14], $0x2000  }
0xb8: {  	[sflag:s14] =	ssyncset.done $0x0  }
0xb9: {  	s0 =	simm.s32 $0x800;
	s1 =	simm.s32 $0x380;
	[sflag:s14] =	ssyncadd.s32 $0xFFFFE000  }
.LBB2_3:
0xba: {  	[tilespmem:s22], [sflag:$0x4] =	stream.indirect.gather [hbm4b:s4+s16], $0x40, s1, s16, $0xb8;
	[tilespmem:$0x16E00] =	vst v63  }
0xbb: {  	s1 =	smov.u32 s0  }
0xbc: {  	p1 =	seq.s32 s0, $0x9000;
	s0 =	sadd.s32 $0x800, s0;
	_ =	swait.ge [sflag:s23], $0x2000  }
0xbd: {  	s1 =	sshra.s32 s1, $0x2;
	[sflag:s23] =	ssyncset.done $0x0  }
0xbe: {  	s15 =	sadd.s32 $0x2800, s1;
	[sflag:s23] =	ssyncadd.s32 $0xFFFFE000  }
0xbf: {  	[spmem:s2] =	stream.indirect.scatter.add.f32 [tilespmem:s17], [sflag:$0x5], $0x40, s15, s16, $0xb8;
	[tilespmem:$0x16E00] =	vst v63  }
0xc0: {  	_ =	swait.ge [sflag:s14], $0x2000  }
0xc1: {  	[sflag:s14] =	ssyncset.done $0x0  }
0xc2: {  	s15 =	sadd.s32 $0x200, s1;
	[sflag:s14] =	ssyncadd.s32 $0xFFFFE000  }
0xc3: {  	[tilespmem:s17], [sflag:$0x1] =	stream.indirect.gather [hbm4b:s4+s16], $0x40, s15, s16, $0xb8;
	[tilespmem:$0x16E00] =	vst v63  }
0xc4: {  	_ =	swait.ge [sflag:s24], $0x2000  }
0xc5: {  	[sflag:s24] =	ssyncset.done $0x0  }
0xc6: {  	s15 =	sadd.s32 $0x2880, s1;
	[sflag:s24] =	ssyncadd.s32 $0xFFFFE000  }
0xc7: {  	[spmem:s2] =	stream.indirect.scatter.add.f32 [tilespmem:s18], [sflag:$0x5], $0x40, s15, s16, $0xb8;
	[tilespmem:$0x16E00] =	vst v63  }
0xc8: {  	_ =	swait.ge [sflag:s14], $0x2000  }
0xc9: {  	[sflag:s14] =	ssyncset.done $0x0  }
0xca: {  	s15 =	sadd.s32 $0x280, s1;
	[sflag:s14] =	ssyncadd.s32 $0xFFFFE000  }
0xcb: {  	[tilespmem:s18], [sflag:$0x2] =	stream.indirect.gather [hbm4b:s4+s16], $0x40, s15, s16, $0xb8;
	[tilespmem:$0x16E00] =	vst v63  }
0xcc: {  	_ =	swait.ge [sflag:s25], $0x2000  }
0xcd: {  	[sflag:s25] =	ssyncset.done $0x0  }
0xce: {  	s15 =	sadd.s32 $0x2900, s1;
	[sflag:s25] =	ssyncadd.s32 $0xFFFFE000  }
0xcf: {  	[spmem:s2] =	stream.indirect.scatter.add.f32 [tilespmem:s20], [sflag:$0x5], $0x40, s15, s16, $0xb8;
	[tilespmem:$0x16E00] =	vst v63  }
0xd0: {  	_ =	swait.ge [sflag:s14], $0x2000  }
0xd1: {  	[sflag:s14] =	ssyncset.done $0x0  }
0xd2: {  	s15 =	sadd.s32 $0x300, s1;
	[sflag:s14] =	ssyncadd.s32 $0xFFFFE000  }
0xd3: {  	[tilespmem:s20], [sflag:$0x3] =	stream.indirect.gather [hbm4b:s4+s16], $0x40, s15, s16, $0xb8;
	[tilespmem:$0x16E00] =	vst v63  }
0xd4: {  	_ =	swait.ge [sflag:s26], $0x2000  }
0xd5: {  	[sflag:s26] =	ssyncset.done $0x0  }
.Ltmp5:
0xd6: {  	s15 =	sadd.s32 $0x2980, s1;
	[sflag:s26] =	ssyncadd.s32 $0xFFFFE000;
	(pc) =	sbr.rel @!p1 .LBB2_3-.Ltmp5, $4  }
0xd7: {  	[spmem:s2] =	stream.indirect.scatter.add.f32 [tilespmem:s22], [sflag:$0x5], $0x40, s15, s16, $0xb8;
	[tilespmem:$0x16E00] =	vst v63  }
0xd8: {  	_ =	swait.ge [sflag:s14], $0x2000  }
0xd9: {  	[sflag:s14] =	ssyncset.done $0x0  }
0xda: {  	s1 =	sadd.s32 $0x380, s1;
	[sflag:s14] =	ssyncadd.s32 $0xFFFFE000  }
.Ltmp6:
0xdb: {  	(pc) =	sbr.rel .LBB2_8-.Ltmp6, $2  }
0xdc: {  	_ =	sdelay $0x2  }
0xdd: {  	[tilespmem:s22], [sflag:$0x4] =	stream.indirect.gather [hbm4b:s4+s16], $0x40, s1, s16, $0xb8;
	[tilespmem:$0x16E00] =	vst v63  }
.LBB2_9:
0xde: {  	_ =	sfence.sel $0x180000  }
0xdf: {  	[bflag:$0x0] =	sbarrier.arrive $0xFFFF  }
0xe0: {  	_ =	strace $0x9000004A  }
0xe1: {  	s0 =	stileid.u32;
	[bflag:$0x2] =	sbarrier.arrive $0xFFFF  }
0xe2: {  	p0 =	sne.s32 s0, $0x0;
	s0 =	rddreg [dreg:$0x2]  }
0xe3: {  	s0 =	sadd.s32 @!p0 $0x100000, s0  }
0xe4: {  	[sflag:s0] =	ssyncadd.tile.s32 @!p0 $0x1;
	_ =	shalt  }
.Lfunc_end2:
_tile_overlayer_lowered:
.L_overlay_start_2:
0xe5: {  	(tag) =	ssettag $0x2  }
0xe6: {  	s0 =	rddreg [dreg:$0x0];
	s2 =	stileid.u32  }
0xe7: {  	s1 =	rddreg [dreg:$0x1];
	p0 =	sne.s32 s2, $0x0  }
0xe8: {  	s3 =	rddreg [dreg:$0x2];
	[bflag:$0x3] =	sbarrier.arrive $0xFFFF;
	s2 =	simm.s32 @!p0 $0x1C05  }
0xe9: {  	[timem:s3], [sflag:s2] =	dma.local @!p0 [hbm:s0], s1  }
0xea: {  	s0 =	simm.s32 @!p0 $0x5  }
0xeb: {  	_ =	swait.ge @!p0 [sflag:s0], s1  }
0xec: {  	s1 =	ssub.s32 @!p0 $0x0, s1;
	[sflag:s0] =	ssyncset.done @!p0 $0x0  }
0xed: {  	[sflag:s0] =	ssyncadd.s32 @!p0 s1  }
0xee: {  	[bflag:$0x3] =	sbarrier.arrive $0xFFFF  }
0xef: {  	_ =	shalt  }

// kernel: sage_seg_deg.3.cloned.1.call-start
scs
__scs_entry_jumppad:
0x0: {  	(pc) =	sbr.rel $0x88, $3  }
0x1: {  	(tag) =	ssettag $0x0;
	lr =	simm.s32 $0x1  }
0x2: {  	[smem:$0x3F97] =	sst lr;
	_ =	strace $0xD0000000  }
0x3: {  	_ = 	snop  }
0x4: {  	_ = 	snop  }
0x5: {  	_ = 	snop  }
0x6: {  	_ = 	snop  }
0x7: {  	_ = 	snop  }
__scs_overlays_trampoline_lowered:
0x8: {  	[smem:$0x3FA6] =	sst s0  }
0x9: {  	[smem:$0x3FA7] =	sst s1  }
0xa: {  	[smem:$0x3FA8] =	sst s2  }
0xb: {  	[smem:$0x3FA9] =	sst s3  }
0xc: {  	[smem:$0x3FAA] =	sst s4  }
0xd: {  	[smem:$0x3FAB] =	sst s5  }
0xe: {  	[smem:$0x3FAC] =	sst s6  }
0xf: {  	[smem:$0x3FAD] =	sst s7  }
0x10: {  	[smem:$0x3FAE] =	sst s8  }
0x11: {  	[smem:$0x3FAF] =	sst s9;
	s0 =	simm.s32 @!p0 $0x0  }
0x12: {  	s1 =	sld [smem:$0x3F95];
	s0 =	simm.s32 @p0 $0x1  }
0x13: {  	[smem:$0x3FB0] =	sst s0;
	s0 =	simm.s32 @!p1 $0x0  }
0x14: {  	s2 =	sld [smem:$0x3F94];
	s0 =	simm.s32 @p1 $0x1  }
0x15: {  	[smem:$0x3FB1] =	sst s0;
	s0 =	simm.s32 @!p2 $0x0  }
0x16: {  	s3 =	sld [smem:$0x3FDB];
	s0 =	simm.s32 @p2 $0x1  }
0x17: {  	s4 =	simm.s32 $0x1BF5;
	[smem:$0x3FB3] =	sst s0  }
0x18: {  	s0 =	sld [smem:$0x3F96];
	_ =	swait.ge [sflag:s4], $0x0  }
0x19: {  	s7 =	sld [smem:$0x3F97]  }
0x1a: {  	s8 =	sadd.s32 $0xFFFFE003, lr  }
0x1b: {  	s9 =	sadd.s32 $0xFFFFFEF7, lr;
	s5 =	simm.s32 $0xFFFFFFFF;
	p2 =	slt.u32 s8, $0xFFFFF086  }
0x1c: {  	p1 =	slt.u32 s9, $0xF7A;
	s5 =	simm.s32 @!p2 $0x0  }
0x1d: {  	s5 =	simm.s32 @p1 $0x1;
	p0 =	seq.s32 s7, s2  }
0x1e: {  	s7 =	smul.u32 @!p0 $0xF7A, s2;
	p2 =	seq.s32 @!p0 s5, $0x0  }
0x1f: {  	s9 =	smul.u32 $0xF7A, s1;
	s8 =	simm.s32 @!p0 $0x1BF5;
	p2 =	por !p2, p0  }
0x20: {  	[sflag:s8] =	ssyncset.s32 @!p0 $0xFFFFF086;
	s6 =	sadd.s32 @!p0 s3, s7;
	s7 =	simm.s32 @!p0 $0x108  }
0x21: {  	s3 =	sadd.s32 s3, s9;
	s6 =	sadd.s32 @!p0 $0x88, s6;
	s7 =	simm.s32 @p2 $0x1082  }
0x22: {  	[simem:s7], [sflag:s8] =	dma.local @!p0 [hbm:s6], $0xF7A  }
0x23: {  	s9 =	sor.u32 $0xD0000000, s2;
	s6 =	simm.s32 $0x108;
	_ =	swait.ge @!p0 [sflag:s8], $0x0  }
0x24: {  	s3 =	sadd.s32 $0x88, s3;
	s6 =	simm.s32 @!p1 $0x1082;
	[sflag:s4] =	ssyncset.s32 $0xFFFFF086  }
0x25: {  	[simem:s6], [sflag:s4] =	dma.local [hbm:s3], $0xF7A  }
0x26: {  	[smem:$0x3F97] =	sst s1;
	(tag) =	ssettag s2;
	_ =	strace s9  }
0x27: {  	s1 =	sld [smem:$0x3FA7]  }
0x28: {  	s2 =	sld [smem:$0x3FA8]  }
0x29: {  	s4 =	sld [smem:$0x3FAA]  }
0x2a: {  	p0 =	seq.s32 s5, $0x0;
	s5 =	sld [smem:$0x3FAB]  }
0x2b: {  	s6 =	sld [smem:$0x3FAC]  }
0x2c: {  	s7 =	sld [smem:$0x3FAD]  }
0x2d: {  	s3 =	simm.s32 $0x108;
	s8 =	sld [smem:$0x3FAE]  }
0x2e: {  	s3 =	simm.s32 @!p0 $0x1082;
	s9 =	sld [smem:$0x3FAF]  }
0x2f: {  	lr =	sadd.s32 s0, s3;
	s0 =	sld [smem:$0x3FA6]  }
0x30: {  	s3 =	sld [smem:$0x3FA9]  }
0x31: {  	[smem:$0x3FB2] =	sst s10  }
0x32: {  	s10 =	sld [smem:$0x3FB0];
	_ =	sdelay $0x3  }
0x33: {  	p0 =	seq.s32 s10, $0x1;
	s10 =	sld [smem:$0x3FB2];
	_ =	sdelay $0x3  }
0x34: {  	[smem:$0x3FB2] =	sst s10  }
0x35: {  	s10 =	sld [smem:$0x3FB1];
	_ =	sdelay $0x3  }
0x36: {  	p1 =	seq.s32 s10, $0x1;
	s10 =	sld [smem:$0x3FB2];
	_ =	sdelay $0x3  }
0x37: {  	[smem:$0x3FB2] =	sst s10  }
0x38: {  	s10 =	sld [smem:$0x3FB3]  }
0x39: {  	_ = 	snop;
	(pc) =	sbr.ind lr, $3  }
0x3a: {  	_ = 	snop  }
0x3b: {  	_ = 	snop  }
0x3c: {  	p2 =	seq.s32 s10, $0x1;
	s10 =	sld [smem:$0x3FB2]  }
0x3d: {  	_ =	shalt  }
0x3e: {  	_ =	shalt  }
0x3f: {  	_ =	shalt  }
0x40: {  	_ =	shalt  }
0x41: {  	_ =	shalt  }
0x42: {  	_ =	shalt  }
0x43: {  	_ =	shalt  }
0x44: {  	_ =	shalt  }
0x45: {  	_ =	shalt  }
0x46: {  	_ =	shalt  }
0x47: {  	_ =	shalt  }
0x48: {  	_ =	shalt  }
0x49: {  	_ =	shalt  }
0x4a: {  	_ =	shalt  }
0x4b: {  	_ =	shalt  }
0x4c: {  	_ =	shalt  }
0x4d: {  	_ =	shalt  }
0x4e: {  	_ =	shalt  }
0x4f: {  	_ =	shalt  }
0x50: {  	_ =	shalt  }
0x51: {  	_ =	shalt  }
0x52: {  	_ =	shalt  }
0x53: {  	_ =	shalt  }
0x54: {  	_ =	shalt  }
0x55: {  	_ =	shalt  }
0x56: {  	_ =	shalt  }
0x57: {  	_ =	shalt  }
0x58: {  	_ =	shalt  }
0x59: {  	_ =	shalt  }
0x5a: {  	_ =	shalt  }
0x5b: {  	_ =	shalt  }
0x5c: {  	_ =	shalt  }
0x5d: {  	_ =	shalt  }
0x5e: {  	_ =	shalt  }
0x5f: {  	_ =	shalt  }
0x60: {  	_ =	shalt  }
0x61: {  	_ =	shalt  }
0x62: {  	_ =	shalt  }
0x63: {  	_ =	shalt  }
0x64: {  	_ =	shalt  }
0x65: {  	_ =	shalt  }
0x66: {  	_ =	shalt  }
0x67: {  	_ =	shalt  }
0x68: {  	_ =	shalt  }
0x69: {  	_ =	shalt  }
0x6a: {  	_ =	shalt  }
0x6b: {  	_ =	shalt  }
0x6c: {  	_ =	shalt  }
0x6d: {  	_ =	shalt  }
0x6e: {  	_ =	shalt  }
0x6f: {  	_ =	shalt  }
0x70: {  	_ =	shalt  }
0x71: {  	_ =	shalt  }
0x72: {  	_ =	shalt  }
0x73: {  	_ =	shalt  }
0x74: {  	_ =	shalt  }
0x75: {  	_ =	shalt  }
0x76: {  	_ =	shalt  }
0x77: {  	_ =	shalt  }
0x78: {  	_ =	shalt  }
0x79: {  	_ =	shalt  }
0x7a: {  	_ =	shalt  }
0x7b: {  	_ =	shalt  }
0x7c: {  	_ =	shalt  }
0x7d: {  	_ =	shalt  }
0x7e: {  	_ =	shalt  }
0x7f: {  	_ =	shalt  }
0x80: {  	_ =	shalt  }
0x81: {  	_ =	shalt  }
0x82: {  	_ =	shalt  }
0x83: {  	_ =	shalt  }
0x84: {  	_ =	shalt  }
0x85: {  	_ =	shalt  }
0x86: {  	_ =	shalt  }
0x87: {  	_ =	shalt  }
.Lfunc_end0:
.L_simem_size_0:
called_computation_lowered:
.L_overlay_start_0:
0x88: {  	s2 =	sld [smem:$0x3FD9]  }
0x89: {  	s3 =	sld [smem:$0x3FFE];
	_ =	sdelay $0x1  }
0x8a: {  	s1 =	srdreg.scid  }
0x8b: {  	s0 =	sand.u32 $0x1, s1  }
0x8c: {  	s17 =	sshll.u32 s0, $0xA;
	s2 =	sadd.s32 s3, s2  }
0x8d: {  	s2 =	sadd.s32 s2, s17  }
0x8e: {  	[smem:$0x3FBE] =	sst s2  }
0x8f: {  	_ = 	snop  }
0x90: {  	s2 =	sld [smem:$0x3FD0];
	(tm) =	ssettm $0x1  }
0x91: {  	s18 =	sld [smem:$0x3FFB];
	_ =	sdelay $0x3  }
0x92: {  	_ =	strace s18  }
0x93: {  	s3 =	sld [smem:$0x3FFC];
	_ =	sdelay $0x3  }
0x94: {  	_ =	strace s3  }
0x95: {  	s3 =	sld [smem:$0x3FFD];
	_ =	sdelay $0x3  }
0x96: {  	_ =	strace s3  }
0x97: {  	_ =	strace $0x8FFFFFFF  }
0x98: {  	s19 =	sld [smem:$0x3FDB];
	_ =	sdelay $0x1  }
0x99: {  	s4 =	simm.s32 $_scs_section_size  }
0x9a: {  	s5 =	simm.s32 $_size__tile_overlayer_lowered;
	s6 =	simm.s32 $_tile_overlayer_lowered  }
0x9b: {  	s22 =	simm.s32 $0x1BFF;
	s21 =	sshll.u32 s6, $0x1;
	s3 =	sadd.s32 s4, s19  }
0x9c: {  	s7 =	simm.s32 $0x0;
	s20 =	sshll.u32 s5, $0x1;
	s5 =	sadd.s32 s21, s3  }
0x9d: {  	[timem:s7], [sflag:s22] =	dma.local [hbm:s5], s20  }
0x9e: {  	_ =	swait.ge [sflag:s22], s20  }
0x9f: {  	s4 =	ssub.s32 $0x0, s20;
	[sflag:s22] =	ssyncset.done $0x0  }
0xa0: {  	[sflag:s22] =	ssyncadd.s32 s4;
	_ =	sdelay $0x1  }
0xa1: {  	s23 =	simm.s32 $0x1B8B  }
0xa2: {  	_ =	swait.ge [sflag:s23], $0x1  }
0xa3: {  	[sflag:s23] =	ssyncset.done $0x0  }
0xa4: {  	s25 =	simm.s32 $0x1B8E;
	s24 =	sld [smem:$0x3FFE];
	[sflag:s23] =	ssyncadd.s32 $0xFFFFFFFF  }
0xa5: {  	s26 =	simm.s32 $execute0_lowered;
	[smem:$0x3FD2] =	sst s25  }
0xa6: {  	s5 =	sshll.u32 s26, $0x1;
	_ =	strace $0x80000046;
	[dreg:$0x1] =	wrdreg $0xFFFFFFFF  }
0xa7: {  	s28 =	simm.s32 $_size_execute0_lowered;
	s3 =	sadd.s32 s3, s5;
	[dreg:$0x0] =	wrdreg $0x0  }
0xa8: {  	s5 =	sshll.u32 s28, $0x1;
	[dreg:$0x2] =	wrdreg s3  }
0xa9: {  	[dreg:$0x3] =	wrdreg s5  }
0xaa: {  	[dreg:$0x4] =	wrdreg $0xC0  }
0xab: {  	_ =	task [dreg:s7], $0x5FFFF  }
0xac: {  	[dreg:$0x1] =	wrdreg $0xFFFFFFFF  }
0xad: {  	[dreg:$0x0] =	wrdreg $0x60  }
0xae: {  	[dreg:$0x2] =	wrdreg s24  }
0xaf: {  	[dreg:$0x3] =	wrdreg s2  }
0xb0: {  	[dreg:$0x4] =	wrdreg $0xD4000  }
0xb1: {  	[dreg:$0x5] =	wrdreg $0x172000  }
0xb2: {  	[dreg:$0x6] =	wrdreg $0x9  }
0xb3: {  	_ =	task.clear_ibuf [dreg:s7], $0x7FFFF;
	_ =	strace $0x90000046  }
0xb4: {  	s29 =	simm.s32 $0x9;
	_ =	strace $0x80000048  }
0xb5: {  	_ =	swait.ge [sflag:s29], $0x1  }
0xb6: {  	[sflag:s29] =	ssyncadd.s32 $0xFFFFFFFF  }
0xb7: {  	_ =	strace $0x90000048  }
0xb8: {  	_ =	sfence  }
0xb9: {  	s30 =	sld [smem:$0x0];
	_ =	sdelay $0x2  }
0xba: {  	s31 =	sshll.u32 s1, $0xD;
	s1 =	sshrl.u32 s1, $0x2  }
0xbb: {  	s3 =	sand.u32 $0x4000, s31;
	s1 =	sadd.s32 s1, s30  }
0xbc: {  	s0 =	sor.u32 s3, s0;
	s1 =	sshll.u32 s1, $0x11  }
0xbd: {  	s0 =	sor.u32 s1, s0  }
0xbe: {  	s0 =	sadd.s32 $0x8F2B, s0  }
0xbf: {  	[sflag:s0] =	ssyncadd.remote.s32 $0x1  }
0xc0: {  	_ =	sfence.sel $0xFFFF  }
0xc1: {  	[dreg:$0x0] =	wrdreg $0xFFFFFFFF;
	(pc) =	sbr.abs _section_cstart, $3  }
0xc2: {  	[dreg:$0x1] =	wrdreg $0xFFFFFFFF  }
0xc3: {  	_ =	task.clear_ibuf [dreg:s7], $0x2FFFF;
	_ =	strace $0x9FFFFFFF  }
0xc4: {  	(tm) =	ssettm $0x7FFFFFFF  }
0xc5: {  	_ =	shalt  }
tec
execute0_lowered:
.L_overlay_start_1:
0x0: {  	(tag) =	ssettag $0x1  }
0x1: {  	s0 =	rddreg [dreg:$0x0]  }
0x2: {  	s3 =	rddreg [dreg:$0x2]  }
0x3: {  	s4 =	rddreg [dreg:$0x3];
	s13 =	stileid.u32  }
0x4: {  	s2 =	srdreg.scid;
	s6 =	simm.s32 $0x0;
	s18 =	simm.s32 $0x6  }
0x5: {  	s20 =	simm.s32 $0xD000;
	s29 =	simm.s32 $0xB000;
	s30 =	simm.s32 $0x1  }
0x6: {  	s31 =	simm.s32 $0x5;
	s21 =	simm.s32 $0x4E80;
	s1 =	smul.u32 $0x2800, s13  }
0x7: {  	s2 =	sand.u32 $0x1, s2;
	s5 =	smul.u32 $0x9E00, s13;
	[smem:$0x7FF] =	sst s6  }
0x8: {  	s10 =	smul.u32 $0x13C0, s13;
	s6 =	sadd.s32 $0x16600, s0;
	s7 =	sadd.s32 $0x2A000, s0  }
0x9: {  	s8 =	sadd.s32 $0x2B400, s0;
	s24 =	sshll.u32 s13, $0x6;
	s9 =	smul.u32 $0x9E000, s2  }
0xa: {  	_ =	strace $0x80000047;
	s11 =	smul.u32 $0x13C00, s2;
	s12 =	ssub.s32 $0x2, s2  }
0xb: {  	p0 =	seq.s32 s2, $0x1;
	s2 =	simm.s32 $0x4;
	s1 =	sshrl.u32 s1, $0x3  }
0xc: {  	s23 =	sshrl.u32 s12, $0x1;
	s1 =	sadd.s32 s1, s0;
	s9 =	sadd.s32 s5, s9  }
0xd: {  	s11 =	sadd.s32 s10, s11;
	s5 =	sadd.s32 s5, s3;
	s10 =	sadd.s32 s10, s4  }
0xe: {  	s9 =	sshrl.u32 s9, $0x3;
	s22 =	sshrl.u32 s11, $0x3;
	s11 =	ssub.s32 s12, s23  }
0xf: {  	s25 =	sadd.s32 $0x2600, s1;
	s26 =	sadd.s32 $0xC600, s1;
	s28 =	sadd.s32 $0x7600, s1  }
0x10: {  	s1 =	sadd.s32 $0x11600, s1;
	s17 =	sshrl.u32 s5, $0x3;
	s19 =	sshrl.u32 s10, $0x3  }
0x11: {  	s23 =	simm.s32 $0x5000;
	s5 =	simm.s32 $0x4E00;
	[dreg:$0x5] =	wrdreg s25  }
0x12: {  	s10 =	simm.s32 $0x4F00;
	s14 =	sadd.s32 s9, s0;
	[dreg:$0x6] =	wrdreg s26  }
.Ltmp0:
0x13: {  	s0 =	sadd.s32 s22, s0;
	[dreg:$0x7] =	wrdreg s28;
	(pc) =	sbr.rel .LBB2_1-.Ltmp0, $4  }
0x14: {  	s9 =	sor.u32 $0x1C06, s24;
	[dreg:$0x8] =	wrdreg s1;
	s16 =	smax.u32 s11, $0x1  }
0x15: {  	s22 =	simm.s32 $0x80;
	s24 =	simm.s32 $0x7000;
	s26 =	simm.s32 $0x9000  }
0x16: {  	s1 =	simm.s32 $0x3;
	s25 =	simm.s32 $0x4F80;
	s11 =	simm.s32 $0x0  }
0x17: {  	s14 =	sadd.s32 $0x30600, s14;
	s15 =	sadd.s32 $0x2B600, s0;
	s0 =	simm.s32 $0x2  }
.LBB2_7:
0x18: {  	[tilespmem:s29], [sflag:$0x4] =	stream.indirect.gather [hbm4b:s6+s22], $0x40, s28, s22, $0xb8;
	[tilespmem:$0x185C0] =	vst v63  }
.LBB2_8:
0x19: {  	_ =	swait.ge [sflag:s30], $0x2000  }
0x1a: {  	[sflag:s30] =	ssyncset.done $0x0  }
0x1b: {  	[sflag:s30] =	ssyncadd.s32 $0xFFFFE000  }
0x1c: {  	[spmem:s4] =	stream.indirect.scatter.add.f32 [tilespmem:s20], [sflag:$0x5], $0x8, s5, s22, $0xb8;
	[tilespmem:$0x185C0] =	vst v63  }
0x1d: {  	_ = 	snop  }
0x1e: {  	[spmem:s3] =	stream.indirect.scatter.add.f32 [tilespmem:s23], [sflag:$0x6], $0x40, s5, s22, $0xb8;
	[tilespmem:$0x185C0] =	vst v63  }
0x1f: {  	_ =	swait.ge [sflag:s18], $0x2000  }
0x20: {  	[sflag:s18] =	ssyncset.done $0x0  }
0x21: {  	[sflag:s18] =	ssyncadd.s32 $0xFFFFE000  }
0x22: {  	_ =	swait.ge [sflag:s31], $0x400  }
0x23: {  	[sflag:s31] =	ssyncset.done $0x0  }
0x24: {  	[sflag:s31] =	ssyncadd.s32 $0xFFFFFC00  }
0x25: {  	_ =	swait.ge [sflag:s0], $0x2000  }
0x26: {  	[sflag:s0] =	ssyncset.done $0x0  }
0x27: {  	[sflag:s0] =	ssyncadd.s32 $0xFFFFE000  }
0x28: {  	[spmem:s4] =	stream.indirect.scatter.add.f32 [tilespmem:s20], [sflag:$0x5], $0x8, s21, s22, $0xb8;
	[tilespmem:$0x185C0] =	vst v63  }
0x29: {  	_ = 	snop  }
0x2a: {  	[spmem:s3] =	stream.indirect.scatter.add.f32 [tilespmem:s24], [sflag:$0x6], $0x40, s21, s22, $0xb8;
	[tilespmem:$0x185C0] =	vst v63  }
0x2b: {  	_ =	swait.ge [sflag:s18], $0x2000  }
0x2c: {  	[sflag:s18] =	ssyncset.done $0x0  }
0x2d: {  	[sflag:s18] =	ssyncadd.s32 $0xFFFFE000  }
0x2e: {  	_ =	swait.ge [sflag:s31], $0x400  }
0x2f: {  	[sflag:s31] =	ssyncset.done $0x0  }
0x30: {  	[sflag:s31] =	ssyncadd.s32 $0xFFFFFC00  }
0x31: {  	_ =	swait.ge [sflag:s1], $0x2000  }
0x32: {  	[sflag:s1] =	ssyncset.done $0x0  }
0x33: {  	[sflag:s1] =	ssyncadd.s32 $0xFFFFE000  }
0x34: {  	[spmem:s4] =	stream.indirect.scatter.add.f32 [tilespmem:s20], [sflag:$0x5], $0x8, s10, s22, $0xb8;
	[tilespmem:$0x185C0] =	vst v63  }
0x35: {  	_ = 	snop  }
0x36: {  	[spmem:s3] =	stream.indirect.scatter.add.f32 [tilespmem:s26], [sflag:$0x6], $0x40, s10, s22, $0xb8;
	[tilespmem:$0x185C0] =	vst v63  }
0x37: {  	_ =	swait.ge [sflag:s18], $0x2000  }
0x38: {  	[sflag:s18] =	ssyncset.done $0x0  }
0x39: {  	[sflag:s18] =	ssyncadd.s32 $0xFFFFE000  }
0x3a: {  	_ =	swait.ge [sflag:s31], $0x400  }
0x3b: {  	[sflag:s31] =	ssyncset.done $0x0  }
0x3c: {  	[sflag:s31] =	ssyncadd.s32 $0xFFFFFC00  }
0x3d: {  	_ =	swait.ge [sflag:s2], $0x2000  }
0x3e: {  	[sflag:s2] =	ssyncset.done $0x0  }
0x3f: {  	[sflag:s2] =	ssyncadd.s32 $0xFFFFE000  }
0x40: {  	[spmem:s4] =	stream.indirect.scatter.add.f32 [tilespmem:s20], [sflag:$0x5], $0x8, s25, s22, $0xb8;
	[tilespmem:$0x185C0] =	vst v63  }
0x41: {  	_ = 	snop  }
0x42: {  	[spmem:s3] =	stream.indirect.scatter.add.f32 [tilespmem:s29], [sflag:$0x6], $0x40, s25, s22, $0xb8;
	[tilespmem:$0x185C0] =	vst v63  }
0x43: {  	_ =	swait.ge [sflag:s18], $0x2000  }
0x44: {  	[sflag:s18] =	ssyncset.done $0x0  }
0x45: {  	[sflag:s18] =	ssyncadd.s32 $0xFFFFE000  }
0x46: {  	_ =	swait.ge [sflag:s31], $0x400  }
0x47: {  	[sflag:s31] =	ssyncset.done $0x0  }
0x48: {  	[sflag:s31] =	ssyncadd.s32 $0xFFFFFC00  }
0x49: {  	[bflag:$0x0] =	sbarrier.arrive $0xFFFF  }
0x4a: {  	[hbm:s14], [sflag:s9] =	dma.local [spmem:s17], $0x13C0  }
0x4b: {  	s11 =	sadd.s32 $0x1, s11;
	_ =	swait.ge [sflag:s18], $0x13C0  }
0x4c: {  	p1 =	sne.s32 s11, s16;
	[sflag:s18] =	ssyncset.done $0x0  }
.Ltmp1:
0x4d: {  	[sflag:s18] =	ssyncadd.s32 $0xFFFFEC40;
	(pc) =	sbr.rel @!p1 .LBB2_9-.Ltmp1, $4  }
0x4e: {  	[hbm:s15], [sflag:s9] =	dma.local [spmem:s19], $0x278  }
0x4f: {  	_ =	swait.ge [sflag:s18], $0x278  }
0x50: {  	[sflag:s18] =	ssyncset.done $0x0  }
0x51: {  	[sflag:s18] =	ssyncadd.s32 $0xFFFFFD88  }
.LBB2_1:
0x52: {  	[spmem:s17], [sflag:s9] =	dma.local [hbm:s7], $0x13C0  }
0x53: {  	_ =	swait.ge [sflag:s18], $0x13C0  }
0x54: {  	[sflag:s18] =	ssyncset.done $0x0  }
0x55: {  	[sflag:s18] =	ssyncadd.s32 $0xFFFFEC40  }
0x56: {  	s12 =	rddreg [dreg:$0x1]  }
0x57: {  	[spmem:s19], [sflag:s9] =	dma.local [hbm:s12], $0x278  }
0x58: {  	_ =	swait.ge [sflag:s18], $0x278  }
0x59: {  	[sflag:s18] =	ssyncset.done $0x0  }
0x5a: {  	s28 =	simm.s32 $0x0;
	[sflag:s18] =	ssyncadd.s32 $0xFFFFFD88  }
0x5b: {  	[tilespmem:s20], [sflag:$0x6] =	stream.linear.gather [hbm4b:s8+s28], $0x400, $0x38;
	[tilespmem:$0x185C0] =	vst v63  }
.Ltmp2:
0x5c: {  	_ =	swait.ge [sflag:s18], $0x400;
	(pc) =	sbr.rel @!p0 .LBB2_2-.Ltmp2, $4  }
0x5d: {  	[sflag:s18] =	ssyncset.done $0x0  }
0x5e: {  	[sflag:s18] =	ssyncadd.s32 $0xFFFFFC00  }
0x5f: {  	[bflag:$0x0] =	sbarrier.arrive $0xFFFF  }
0x60: {  	s12 =	simm.s32 $0x0  }
0x61: {  	s13 =	rddreg [dreg:$0x7]  }
0x62: {  	[tilespmem:s12], [sflag:$0x6] =	stream.linear.gather [hbm4b:s13+s12], $0x2800, $0x38;
	[tilespmem:$0x185C0] =	vst v63  }
0x63: {  	_ =	swait.ge [sflag:s18], $0x2800  }
0x64: {  	[sflag:s18] =	ssyncset.done $0x0  }
0x65: {  	s28 =	simm.s32 $0x2800;
	s13 =	rddreg [dreg:$0x8];
	[sflag:s18] =	ssyncadd.s32 $0xFFFFD800  }
0x66: {  	[tilespmem:s28], [sflag:$0x6] =	stream.linear.gather [hbm4b:s13+s12], $0x2800, $0x38;
	[tilespmem:$0x185C0] =	vst v63  }
0x67: {  	_ =	swait.ge [sflag:s18], $0x2800  }
0x68: {  	[sflag:s18] =	ssyncset.done $0x0  }
0x69: {  	[sflag:s18] =	ssyncadd.s32 $0xFFFFD800  }
0x6a: {  	[tilespmem:s23], [sflag:$0x1] =	stream.indirect.gather [hbm4b:s6+s22], $0x40, s12, s22, $0xb8;
	[tilespmem:$0x185C0] =	vst v63  }
0x6b: {  	_ = 	snop  }
0x6c: {  	[tilespmem:s24], [sflag:$0x2] =	stream.indirect.gather [hbm4b:s6+s22], $0x40, s22, s22, $0xb8;
	[tilespmem:$0x185C0] =	vst v63  }
0x6d: {  	s13 =	simm.s32 $0x100  }
0x6e: {  	[tilespmem:s26], [sflag:$0x3] =	stream.indirect.gather [hbm4b:s6+s22], $0x40, s13, s22, $0xb8;
	[tilespmem:$0x185C0] =	vst v63  }
0x6f: {  	s13 =	simm.s32 $0x180  }
0x70: {  	[tilespmem:s29], [sflag:$0x4] =	stream.indirect.gather [hbm4b:s6+s22], $0x40, s13, s22, $0xb8;
	[tilespmem:$0x185C0] =	vst v63  }
0x71: {  	_ =	swait.ge [sflag:s30], $0x2000  }
0x72: {  	[sflag:s30] =	ssyncset.done $0x0  }
0x73: {  	s13 =	simm.s32 $0x2800;
	[sflag:s30] =	ssyncadd.s32 $0xFFFFE000  }
0x74: {  	[spmem:s4] =	stream.indirect.scatter.add.f32 [tilespmem:s20], [sflag:$0x5], $0x8, s13, s22, $0xb8;
	[tilespmem:$0x185C0] =	vst v63  }
0x75: {  	_ = 	snop  }
0x76: {  	[spmem:s3] =	stream.indirect.scatter.add.f32 [tilespmem:s23], [sflag:$0x6], $0x40, s13, s22, $0xb8;
	[tilespmem:$0x185C0] =	vst v63  }
0x77: {  	_ =	swait.ge [sflag:s18], $0x2000  }
0x78: {  	[sflag:s18] =	ssyncset.done $0x0  }
0x79: {  	[sflag:s18] =	ssyncadd.s32 $0xFFFFE000  }
0x7a: {  	_ =	swait.ge [sflag:s31], $0x400  }
0x7b: {  	[sflag:s31] =	ssyncset.done $0x0  }
0x7c: {  	s13 =	simm.s32 $0x200;
	[sflag:s31] =	ssyncadd.s32 $0xFFFFFC00  }
0x7d: {  	[tilespmem:s23], [sflag:$0x1] =	stream.indirect.gather [hbm4b:s6+s22], $0x40, s13, s22, $0xb8;
	[tilespmem:$0x185C0] =	vst v63  }
0x7e: {  	_ =	swait.ge [sflag:s0], $0x2000  }
0x7f: {  	[sflag:s0] =	ssyncset.done $0x0  }
0x80: {  	s13 =	simm.s32 $0x2880;
	[sflag:s0] =	ssyncadd.s32 $0xFFFFE000  }
0x81: {  	[spmem:s4] =	stream.indirect.scatter.add.f32 [tilespmem:s20], [sflag:$0x5], $0x8, s13, s22, $0xb8;
	[tilespmem:$0x185C0] =	vst v63  }
0x82: {  	_ = 	snop  }
0x83: {  	[spmem:s3] =	stream.indirect.scatter.add.f32 [tilespmem:s24], [sflag:$0x6], $0x40, s13, s22, $0xb8;
	[tilespmem:$0x185C0] =	vst v63  }
0x84: {  	_ =	swait.ge [sflag:s18], $0x2000  }
0x85: {  	[sflag:s18] =	ssyncset.done $0x0  }
0x86: {  	[sflag:s18] =	ssyncadd.s32 $0xFFFFE000  }
0x87: {  	_ =	swait.ge [sflag:s31], $0x400  }
0x88: {  	[sflag:s31] =	ssyncset.done $0x0  }
0x89: {  	s13 =	simm.s32 $0x280;
	[sflag:s31] =	ssyncadd.s32 $0xFFFFFC00  }
0x8a: {  	[tilespmem:s24], [sflag:$0x2] =	stream.indirect.gather [hbm4b:s6+s22], $0x40, s13, s22, $0xb8;
	[tilespmem:$0x185C0] =	vst v63  }
0x8b: {  	_ =	swait.ge [sflag:s1], $0x2000  }
0x8c: {  	[sflag:s1] =	ssyncset.done $0x0  }
0x8d: {  	s13 =	simm.s32 $0x2900;
	[sflag:s1] =	ssyncadd.s32 $0xFFFFE000  }
0x8e: {  	[spmem:s4] =	stream.indirect.scatter.add.f32 [tilespmem:s20], [sflag:$0x5], $0x8, s13, s22, $0xb8;
	[tilespmem:$0x185C0] =	vst v63  }
0x8f: {  	_ = 	snop  }
0x90: {  	[spmem:s3] =	stream.indirect.scatter.add.f32 [tilespmem:s26], [sflag:$0x6], $0x40, s13, s22, $0xb8;
	[tilespmem:$0x185C0] =	vst v63  }
0x91: {  	_ =	swait.ge [sflag:s18], $0x2000  }
0x92: {  	[sflag:s18] =	ssyncset.done $0x0  }
0x93: {  	[sflag:s18] =	ssyncadd.s32 $0xFFFFE000  }
0x94: {  	_ =	swait.ge [sflag:s31], $0x400  }
0x95: {  	[sflag:s31] =	ssyncset.done $0x0  }
0x96: {  	s13 =	simm.s32 $0x300;
	[sflag:s31] =	ssyncadd.s32 $0xFFFFFC00  }
0x97: {  	[tilespmem:s26], [sflag:$0x3] =	stream.indirect.gather [hbm4b:s6+s22], $0x40, s13, s22, $0xb8;
	[tilespmem:$0x185C0] =	vst v63  }
0x98: {  	_ =	swait.ge [sflag:s2], $0x2000  }
0x99: {  	[sflag:s2] =	ssyncset.done $0x0  }
0x9a: {  	s13 =	simm.s32 $0x2980;
	[sflag:s2] =	ssyncadd.s32 $0xFFFFE000  }
0x9b: {  	[spmem:s4] =	stream.indirect.scatter.add.f32 [tilespmem:s20], [sflag:$0x5], $0x8, s13, s22, $0xb8;
	[tilespmem:$0x185C0] =	vst v63  }
0x9c: {  	_ = 	snop  }
0x9d: {  	[spmem:s3] =	stream.indirect.scatter.add.f32 [tilespmem:s29], [sflag:$0x6], $0x40, s13, s22, $0xb8;
	[tilespmem:$0x185C0] =	vst v63  }
0x9e: {  	_ =	swait.ge [sflag:s18], $0x2000  }
0x9f: {  	[sflag:s18] =	ssyncset.done $0x0  }
0xa0: {  	[sflag:s18] =	ssyncadd.s32 $0xFFFFE000  }
0xa1: {  	_ =	swait.ge [sflag:s31], $0x400  }
0xa2: {  	[sflag:s31] =	ssyncset.done $0x0  }
0xa3: {  	s28 =	simm.s32 $0x380;
	s12 =	simm.s32 $0x800;
	[sflag:s31] =	ssyncadd.s32 $0xFFFFFC00  }
.LBB2_6:
0xa4: {  	[tilespmem:s29], [sflag:$0x4] =	stream.indirect.gather [hbm4b:s6+s22], $0x40, s28, s22, $0xb8;
	[tilespmem:$0x185C0] =	vst v63  }
0xa5: {  	s13 =	smov.u32 s12  }
0xa6: {  	p1 =	sne.s32 s12, $0x9000;
	s12 =	sadd.s32 $0x800, s12;
	_ =	swait.ge [sflag:s30], $0x2000  }
0xa7: {  	s28 =	sshra.s32 s13, $0x2;
	[sflag:s30] =	ssyncset.done $0x0  }
0xa8: {  	s13 =	sadd.s32 $0x2800, s28;
	[sflag:s30] =	ssyncadd.s32 $0xFFFFE000  }
0xa9: {  	[spmem:s4] =	stream.indirect.scatter.add.f32 [tilespmem:s20], [sflag:$0x5], $0x8, s13, s22, $0xb8;
	[tilespmem:$0x185C0] =	vst v63  }
0xaa: {  	_ = 	snop  }
0xab: {  	[spmem:s3] =	stream.indirect.scatter.add.f32 [tilespmem:s23], [sflag:$0x6], $0x40, s13, s22, $0xb8;
	[tilespmem:$0x185C0] =	vst v63  }
0xac: {  	_ =	swait.ge [sflag:s18], $0x2000  }
0xad: {  	[sflag:s18] =	ssyncset.done $0x0  }
0xae: {  	[sflag:s18] =	ssyncadd.s32 $0xFFFFE000  }
0xaf: {  	_ =	swait.ge [sflag:s31], $0x400  }
0xb0: {  	[sflag:s31] =	ssyncset.done $0x0  }
0xb1: {  	s13 =	sadd.s32 $0x200, s28;
	[sflag:s31] =	ssyncadd.s32 $0xFFFFFC00  }
0xb2: {  	[tilespmem:s23], [sflag:$0x1] =	stream.indirect.gather [hbm4b:s6+s22], $0x40, s13, s22, $0xb8;
	[tilespmem:$0x185C0] =	vst v63  }
0xb3: {  	_ =	swait.ge [sflag:s0], $0x2000  }
0xb4: {  	[sflag:s0] =	ssyncset.done $0x0  }
0xb5: {  	s13 =	sadd.s32 $0x2880, s28;
	[sflag:s0] =	ssyncadd.s32 $0xFFFFE000  }
0xb6: {  	[spmem:s4] =	stream.indirect.scatter.add.f32 [tilespmem:s20], [sflag:$0x5], $0x8, s13, s22, $0xb8;
	[tilespmem:$0x185C0] =	vst v63  }
0xb7: {  	_ = 	snop  }
0xb8: {  	[spmem:s3] =	stream.indirect.scatter.add.f32 [tilespmem:s24], [sflag:$0x6], $0x40, s13, s22, $0xb8;
	[tilespmem:$0x185C0] =	vst v63  }
0xb9: {  	_ =	swait.ge [sflag:s18], $0x2000  }
0xba: {  	[sflag:s18] =	ssyncset.done $0x0  }
0xbb: {  	[sflag:s18] =	ssyncadd.s32 $0xFFFFE000  }
0xbc: {  	_ =	swait.ge [sflag:s31], $0x400  }
0xbd: {  	[sflag:s31] =	ssyncset.done $0x0  }
0xbe: {  	s13 =	sadd.s32 $0x280, s28;
	[sflag:s31] =	ssyncadd.s32 $0xFFFFFC00  }
0xbf: {  	[tilespmem:s24], [sflag:$0x2] =	stream.indirect.gather [hbm4b:s6+s22], $0x40, s13, s22, $0xb8;
	[tilespmem:$0x185C0] =	vst v63  }
0xc0: {  	_ =	swait.ge [sflag:s1], $0x2000  }
0xc1: {  	[sflag:s1] =	ssyncset.done $0x0  }
0xc2: {  	s13 =	sadd.s32 $0x2900, s28;
	[sflag:s1] =	ssyncadd.s32 $0xFFFFE000  }
0xc3: {  	[spmem:s4] =	stream.indirect.scatter.add.f32 [tilespmem:s20], [sflag:$0x5], $0x8, s13, s22, $0xb8;
	[tilespmem:$0x185C0] =	vst v63  }
0xc4: {  	_ = 	snop  }
0xc5: {  	[spmem:s3] =	stream.indirect.scatter.add.f32 [tilespmem:s26], [sflag:$0x6], $0x40, s13, s22, $0xb8;
	[tilespmem:$0x185C0] =	vst v63  }
0xc6: {  	_ =	swait.ge [sflag:s18], $0x2000  }
0xc7: {  	[sflag:s18] =	ssyncset.done $0x0  }
0xc8: {  	[sflag:s18] =	ssyncadd.s32 $0xFFFFE000  }
0xc9: {  	_ =	swait.ge [sflag:s31], $0x400  }
0xca: {  	[sflag:s31] =	ssyncset.done $0x0  }
0xcb: {  	s13 =	sadd.s32 $0x300, s28;
	[sflag:s31] =	ssyncadd.s32 $0xFFFFFC00  }
0xcc: {  	[tilespmem:s26], [sflag:$0x3] =	stream.indirect.gather [hbm4b:s6+s22], $0x40, s13, s22, $0xb8;
	[tilespmem:$0x185C0] =	vst v63  }
0xcd: {  	_ =	swait.ge [sflag:s2], $0x2000  }
0xce: {  	[sflag:s2] =	ssyncset.done $0x0  }
0xcf: {  	s13 =	sadd.s32 $0x2980, s28;
	[sflag:s2] =	ssyncadd.s32 $0xFFFFE000  }
0xd0: {  	[spmem:s4] =	stream.indirect.scatter.add.f32 [tilespmem:s20], [sflag:$0x5], $0x8, s13, s22, $0xb8;
	[tilespmem:$0x185C0] =	vst v63  }
0xd1: {  	_ = 	snop  }
0xd2: {  	[spmem:s3] =	stream.indirect.scatter.add.f32 [tilespmem:s29], [sflag:$0x6], $0x40, s13, s22, $0xb8;
	[tilespmem:$0x185C0] =	vst v63  }
0xd3: {  	_ =	swait.ge [sflag:s18], $0x2000  }
.Ltmp3:
0xd4: {  	[sflag:s18] =	ssyncset.done $0x0;
	(pc) =	sbr.rel @p1 .LBB2_6-.Ltmp3, $4  }
0xd5: {  	[sflag:s18] =	ssyncadd.s32 $0xFFFFE000  }
0xd6: {  	_ =	swait.ge [sflag:s31], $0x400  }
0xd7: {  	[sflag:s31] =	ssyncset.done $0x0  }
0xd8: {  	s28 =	sadd.s32 $0x380, s28;
	[sflag:s31] =	ssyncadd.s32 $0xFFFFFC00  }
.Ltmp4:
0xd9: {  	_ = 	snop;
	(pc) =	sbr.rel .LBB2_7-.Ltmp4, $1  }
0xda: {  	_ =	sdelay $0x3  }
.LBB2_2:
0xdb: {  	s13 =	rddreg [dreg:$0x5]  }
0xdc: {  	[tilespmem:s12], [sflag:$0x6] =	stream.linear.gather [hbm4b:s13+s12], $0x2800, $0x38;
	[tilespmem:$0x185C0] =	vst v63  }
0xdd: {  	_ =	swait.ge [sflag:s18], $0x2800  }
0xde: {  	[sflag:s18] =	ssyncset.done $0x0  }
0xdf: {  	s28 =	simm.s32 $0x2800;
	s13 =	rddreg [dreg:$0x6];
	[sflag:s18] =	ssyncadd.s32 $0xFFFFD800  }
0xe0: {  	[tilespmem:s28], [sflag:$0x6] =	stream.linear.gather [hbm4b:s13+s12], $0x2800, $0x38;
	[tilespmem:$0x185C0] =	vst v63  }
0xe1: {  	_ =	swait.ge [sflag:s18], $0x2800  }
0xe2: {  	[sflag:s18] =	ssyncset.done $0x0  }
0xe3: {  	[sflag:s18] =	ssyncadd.s32 $0xFFFFD800  }
0xe4: {  	[tilespmem:s23], [sflag:$0x1] =	stream.indirect.gather [hbm4b:s6+s22], $0x40, s12, s22, $0xb8;
	[tilespmem:$0x185C0] =	vst v63  }
0xe5: {  	_ = 	snop  }
0xe6: {  	[tilespmem:s24], [sflag:$0x2] =	stream.indirect.gather [hbm4b:s6+s22], $0x40, s22, s22, $0xb8;
	[tilespmem:$0x185C0] =	vst v63  }
0xe7: {  	s13 =	simm.s32 $0x100  }
0xe8: {  	[tilespmem:s26], [sflag:$0x3] =	stream.indirect.gather [hbm4b:s6+s22], $0x40, s13, s22, $0xb8;
	[tilespmem:$0x185C0] =	vst v63  }
0xe9: {  	s13 =	simm.s32 $0x180  }
0xea: {  	[tilespmem:s29], [sflag:$0x4] =	stream.indirect.gather [hbm4b:s6+s22], $0x40, s13, s22, $0xb8;
	[tilespmem:$0x185C0] =	vst v63  }
0xeb: {  	_ =	swait.ge [sflag:s30], $0x2000  }
0xec: {  	[sflag:s30] =	ssyncset.done $0x0  }
0xed: {  	s13 =	simm.s32 $0x2800;
	[sflag:s30] =	ssyncadd.s32 $0xFFFFE000  }
0xee: {  	[spmem:s4] =	stream.indirect.scatter.add.f32 [tilespmem:s20], [sflag:$0x5], $0x8, s13, s22, $0xb8;
	[tilespmem:$0x185C0] =	vst v63  }
0xef: {  	_ = 	snop  }
0xf0: {  	[spmem:s3] =	stream.indirect.scatter.add.f32 [tilespmem:s23], [sflag:$0x6], $0x40, s13, s22, $0xb8;
	[tilespmem:$0x185C0] =	vst v63  }
0xf1: {  	_ =	swait.ge [sflag:s18], $0x2000  }
0xf2: {  	[sflag:s18] =	ssyncset.done $0x0  }
0xf3: {  	[sflag:s18] =	ssyncadd.s32 $0xFFFFE000  }
0xf4: {  	_ =	swait.ge [sflag:s31], $0x400  }
0xf5: {  	[sflag:s31] =	ssyncset.done $0x0  }
0xf6: {  	s13 =	simm.s32 $0x200;
	[sflag:s31] =	ssyncadd.s32 $0xFFFFFC00  }
0xf7: {  	[tilespmem:s23], [sflag:$0x1] =	stream.indirect.gather [hbm4b:s6+s22], $0x40, s13, s22, $0xb8;
	[tilespmem:$0x185C0] =	vst v63  }
0xf8: {  	_ =	swait.ge [sflag:s0], $0x2000  }
0xf9: {  	[sflag:s0] =	ssyncset.done $0x0  }
0xfa: {  	s13 =	simm.s32 $0x2880;
	[sflag:s0] =	ssyncadd.s32 $0xFFFFE000  }
0xfb: {  	[spmem:s4] =	stream.indirect.scatter.add.f32 [tilespmem:s20], [sflag:$0x5], $0x8, s13, s22, $0xb8;
	[tilespmem:$0x185C0] =	vst v63  }
0xfc: {  	_ = 	snop  }
0xfd: {  	[spmem:s3] =	stream.indirect.scatter.add.f32 [tilespmem:s24], [sflag:$0x6], $0x40, s13, s22, $0xb8;
	[tilespmem:$0x185C0] =	vst v63  }
0xfe: {  	_ =	swait.ge [sflag:s18], $0x2000  }
0xff: {  	[sflag:s18] =	ssyncset.done $0x0  }
0x100: {  	[sflag:s18] =	ssyncadd.s32 $0xFFFFE000  }
0x101: {  	_ =	swait.ge [sflag:s31], $0x400  }
0x102: {  	[sflag:s31] =	ssyncset.done $0x0  }
0x103: {  	s13 =	simm.s32 $0x280;
	[sflag:s31] =	ssyncadd.s32 $0xFFFFFC00  }
0x104: {  	[tilespmem:s24], [sflag:$0x2] =	stream.indirect.gather [hbm4b:s6+s22], $0x40, s13, s22, $0xb8;
	[tilespmem:$0x185C0] =	vst v63  }
0x105: {  	_ =	swait.ge [sflag:s1], $0x2000  }
0x106: {  	[sflag:s1] =	ssyncset.done $0x0  }
0x107: {  	s13 =	simm.s32 $0x2900;
	[sflag:s1] =	ssyncadd.s32 $0xFFFFE000  }
0x108: {  	[spmem:s4] =	stream.indirect.scatter.add.f32 [tilespmem:s20], [sflag:$0x5], $0x8, s13, s22, $0xb8;
	[tilespmem:$0x185C0] =	vst v63  }
0x109: {  	_ = 	snop  }
0x10a: {  	[spmem:s3] =	stream.indirect.scatter.add.f32 [tilespmem:s26], [sflag:$0x6], $0x40, s13, s22, $0xb8;
	[tilespmem:$0x185C0] =	vst v63  }
0x10b: {  	_ =	swait.ge [sflag:s18], $0x2000  }
0x10c: {  	[sflag:s18] =	ssyncset.done $0x0  }
0x10d: {  	[sflag:s18] =	ssyncadd.s32 $0xFFFFE000  }
0x10e: {  	_ =	swait.ge [sflag:s31], $0x400  }
0x10f: {  	[sflag:s31] =	ssyncset.done $0x0  }
0x110: {  	s13 =	simm.s32 $0x300;
	[sflag:s31] =	ssyncadd.s32 $0xFFFFFC00  }
0x111: {  	[tilespmem:s26], [sflag:$0x3] =	stream.indirect.gather [hbm4b:s6+s22], $0x40, s13, s22, $0xb8;
	[tilespmem:$0x185C0] =	vst v63  }
0x112: {  	_ =	swait.ge [sflag:s2], $0x2000  }
0x113: {  	[sflag:s2] =	ssyncset.done $0x0  }
0x114: {  	s13 =	simm.s32 $0x2980;
	[sflag:s2] =	ssyncadd.s32 $0xFFFFE000  }
0x115: {  	[spmem:s4] =	stream.indirect.scatter.add.f32 [tilespmem:s20], [sflag:$0x5], $0x8, s13, s22, $0xb8;
	[tilespmem:$0x185C0] =	vst v63  }
0x116: {  	_ = 	snop  }
0x117: {  	[spmem:s3] =	stream.indirect.scatter.add.f32 [tilespmem:s29], [sflag:$0x6], $0x40, s13, s22, $0xb8;
	[tilespmem:$0x185C0] =	vst v63  }
0x118: {  	_ =	swait.ge [sflag:s18], $0x2000  }
0x119: {  	[sflag:s18] =	ssyncset.done $0x0  }
0x11a: {  	[sflag:s18] =	ssyncadd.s32 $0xFFFFE000  }
0x11b: {  	_ =	swait.ge [sflag:s31], $0x400  }
0x11c: {  	[sflag:s31] =	ssyncset.done $0x0  }
0x11d: {  	s28 =	simm.s32 $0x380;
	s12 =	simm.s32 $0x800;
	[sflag:s31] =	ssyncadd.s32 $0xFFFFFC00  }
.LBB2_3:
0x11e: {  	[tilespmem:s29], [sflag:$0x4] =	stream.indirect.gather [hbm4b:s6+s22], $0x40, s28, s22, $0xb8;
	[tilespmem:$0x185C0] =	vst v63  }
0x11f: {  	s28 =	smov.u32 s12  }
0x120: {  	p1 =	seq.s32 s12, $0x9000;
	s12 =	sadd.s32 $0x800, s12;
	_ =	swait.ge [sflag:s30], $0x2000  }
0x121: {  	s28 =	sshra.s32 s28, $0x2;
	[sflag:s30] =	ssyncset.done $0x0  }
0x122: {  	s13 =	sadd.s32 $0x2800, s28;
	[sflag:s30] =	ssyncadd.s32 $0xFFFFE000  }
0x123: {  	[spmem:s4] =	stream.indirect.scatter.add.f32 [tilespmem:s20], [sflag:$0x5], $0x8, s13, s22, $0xb8;
	[tilespmem:$0x185C0] =	vst v63  }
0x124: {  	_ = 	snop  }
0x125: {  	[spmem:s3] =	stream.indirect.scatter.add.f32 [tilespmem:s23], [sflag:$0x6], $0x40, s13, s22, $0xb8;
	[tilespmem:$0x185C0] =	vst v63  }
0x126: {  	_ =	swait.ge [sflag:s18], $0x2000  }
0x127: {  	[sflag:s18] =	ssyncset.done $0x0  }
0x128: {  	[sflag:s18] =	ssyncadd.s32 $0xFFFFE000  }
0x129: {  	_ =	swait.ge [sflag:s31], $0x400  }
0x12a: {  	[sflag:s31] =	ssyncset.done $0x0  }
0x12b: {  	s13 =	sadd.s32 $0x200, s28;
	[sflag:s31] =	ssyncadd.s32 $0xFFFFFC00  }
0x12c: {  	[tilespmem:s23], [sflag:$0x1] =	stream.indirect.gather [hbm4b:s6+s22], $0x40, s13, s22, $0xb8;
	[tilespmem:$0x185C0] =	vst v63  }
0x12d: {  	_ =	swait.ge [sflag:s0], $0x2000  }
0x12e: {  	[sflag:s0] =	ssyncset.done $0x0  }
0x12f: {  	s13 =	sadd.s32 $0x2880, s28;
	[sflag:s0] =	ssyncadd.s32 $0xFFFFE000  }
0x130: {  	[spmem:s4] =	stream.indirect.scatter.add.f32 [tilespmem:s20], [sflag:$0x5], $0x8, s13, s22, $0xb8;
	[tilespmem:$0x185C0] =	vst v63  }
0x131: {  	_ = 	snop  }
0x132: {  	[spmem:s3] =	stream.indirect.scatter.add.f32 [tilespmem:s24], [sflag:$0x6], $0x40, s13, s22, $0xb8;
	[tilespmem:$0x185C0] =	vst v63  }
0x133: {  	_ =	swait.ge [sflag:s18], $0x2000  }
0x134: {  	[sflag:s18] =	ssyncset.done $0x0  }
0x135: {  	[sflag:s18] =	ssyncadd.s32 $0xFFFFE000  }
0x136: {  	_ =	swait.ge [sflag:s31], $0x400  }
0x137: {  	[sflag:s31] =	ssyncset.done $0x0  }
0x138: {  	s13 =	sadd.s32 $0x280, s28;
	[sflag:s31] =	ssyncadd.s32 $0xFFFFFC00  }
0x139: {  	[tilespmem:s24], [sflag:$0x2] =	stream.indirect.gather [hbm4b:s6+s22], $0x40, s13, s22, $0xb8;
	[tilespmem:$0x185C0] =	vst v63  }
0x13a: {  	_ =	swait.ge [sflag:s1], $0x2000  }
0x13b: {  	[sflag:s1] =	ssyncset.done $0x0  }
0x13c: {  	s13 =	sadd.s32 $0x2900, s28;
	[sflag:s1] =	ssyncadd.s32 $0xFFFFE000  }
0x13d: {  	[spmem:s4] =	stream.indirect.scatter.add.f32 [tilespmem:s20], [sflag:$0x5], $0x8, s13, s22, $0xb8;
	[tilespmem:$0x185C0] =	vst v63  }
0x13e: {  	_ = 	snop  }
0x13f: {  	[spmem:s3] =	stream.indirect.scatter.add.f32 [tilespmem:s26], [sflag:$0x6], $0x40, s13, s22, $0xb8;
	[tilespmem:$0x185C0] =	vst v63  }
0x140: {  	_ =	swait.ge [sflag:s18], $0x2000  }
0x141: {  	[sflag:s18] =	ssyncset.done $0x0  }
0x142: {  	[sflag:s18] =	ssyncadd.s32 $0xFFFFE000  }
0x143: {  	_ =	swait.ge [sflag:s31], $0x400  }
0x144: {  	[sflag:s31] =	ssyncset.done $0x0  }
0x145: {  	s13 =	sadd.s32 $0x300, s28;
	[sflag:s31] =	ssyncadd.s32 $0xFFFFFC00  }
0x146: {  	[tilespmem:s26], [sflag:$0x3] =	stream.indirect.gather [hbm4b:s6+s22], $0x40, s13, s22, $0xb8;
	[tilespmem:$0x185C0] =	vst v63  }
0x147: {  	_ =	swait.ge [sflag:s2], $0x2000  }
0x148: {  	[sflag:s2] =	ssyncset.done $0x0  }
0x149: {  	s13 =	sadd.s32 $0x2980, s28;
	[sflag:s2] =	ssyncadd.s32 $0xFFFFE000  }
0x14a: {  	[spmem:s4] =	stream.indirect.scatter.add.f32 [tilespmem:s20], [sflag:$0x5], $0x8, s13, s22, $0xb8;
	[tilespmem:$0x185C0] =	vst v63  }
0x14b: {  	_ = 	snop  }
0x14c: {  	[spmem:s3] =	stream.indirect.scatter.add.f32 [tilespmem:s29], [sflag:$0x6], $0x40, s13, s22, $0xb8;
	[tilespmem:$0x185C0] =	vst v63  }
0x14d: {  	_ =	swait.ge [sflag:s18], $0x2000  }
.Ltmp5:
0x14e: {  	[sflag:s18] =	ssyncset.done $0x0;
	(pc) =	sbr.rel @!p1 .LBB2_3-.Ltmp5, $4  }
0x14f: {  	[sflag:s18] =	ssyncadd.s32 $0xFFFFE000  }
0x150: {  	_ =	swait.ge [sflag:s31], $0x400  }
0x151: {  	[sflag:s31] =	ssyncset.done $0x0  }
0x152: {  	s28 =	sadd.s32 $0x380, s28;
	[sflag:s31] =	ssyncadd.s32 $0xFFFFFC00  }
.Ltmp6:
0x153: {  	(pc) =	sbr.rel .LBB2_8-.Ltmp6, $2  }
0x154: {  	_ =	sdelay $0x2  }
0x155: {  	[tilespmem:s29], [sflag:$0x4] =	stream.indirect.gather [hbm4b:s6+s22], $0x40, s28, s22, $0xb8;
	[tilespmem:$0x185C0] =	vst v63  }
.LBB2_9:
0x156: {  	_ =	sfence.sel $0x180000  }
0x157: {  	[bflag:$0x0] =	sbarrier.arrive $0xFFFF  }
0x158: {  	_ =	strace $0x90000047  }
0x159: {  	s0 =	stileid.u32;
	[bflag:$0x2] =	sbarrier.arrive $0xFFFF  }
0x15a: {  	p0 =	sne.s32 s0, $0x0;
	s0 =	rddreg [dreg:$0x4]  }
0x15b: {  	s0 =	sadd.s32 @!p0 $0x100000, s0  }
0x15c: {  	[sflag:s0] =	ssyncadd.tile.s32 @!p0 $0x1;
	_ =	shalt  }
.Lfunc_end2:
_tile_overlayer_lowered:
.L_overlay_start_2:
0x15d: {  	(tag) =	ssettag $0x2  }
0x15e: {  	s0 =	rddreg [dreg:$0x0];
	s2 =	stileid.u32  }
0x15f: {  	s1 =	rddreg [dreg:$0x1];
	p0 =	sne.s32 s2, $0x0  }
0x160: {  	s3 =	rddreg [dreg:$0x2];
	[bflag:$0x3] =	sbarrier.arrive $0xFFFF;
	s2 =	simm.s32 @!p0 $0x1C06  }
0x161: {  	[timem:s3], [sflag:s2] =	dma.local @!p0 [hbm:s0], s1  }
0x162: {  	s0 =	simm.s32 @!p0 $0x6  }
0x163: {  	_ =	swait.ge @!p0 [sflag:s0], s1  }
0x164: {  	s1 =	ssub.s32 @!p0 $0x0, s1;
	[sflag:s0] =	ssyncset.done @!p0 $0x0  }
0x165: {  	[sflag:s0] =	ssyncadd.s32 @!p0 s1  }
0x166: {  	[bflag:$0x3] =	sbarrier.arrive $0xFFFF  }
0x167: {  	_ =	shalt  }

</sc_bundles>
